<compile_context>
chip_gen: v7x
topology: tpu7x:2x2x1
jax: 0.10.2.dev20260603
libtpu: 0.0.44.dev20260713+nightly
codegen_flags: <defaults>
</compile_context>

<pallas_src>
import functools

import jax
import jax.numpy as jnp
from jax import lax
from jax.experimental import pallas as pl
from jax.experimental.pallas import tpu as pltpu
from jax.experimental.pallas import tpu_sc as plsc

EPS = 1e-5

NC, NS = 2, 16
NW = NC * NS
GRP = 128
KG = 2
BLK = KG * GRP
NBUF = 4


def _normalize_table(table, w, b):
    V, D = table.shape
    RB = 2000
    assert V % RB == 0

    def body(t_ref, w_ref, b_ref, o_ref):
        e = t_ref[...]
        mu = jnp.mean(e, axis=-1, keepdims=True)
        d = e - mu
        var = jnp.mean(d * d, axis=-1, keepdims=True)
        o_ref[...] = d * lax.rsqrt(var + EPS) * w_ref[...] + b_ref[...]

    return pl.pallas_call(
        body,
        grid=(V // RB,),
        in_specs=[
            pl.BlockSpec((RB, D), lambda i: (i, 0)),
            pl.BlockSpec((1, D), lambda i: (0, 0)),
            pl.BlockSpec((1, D), lambda i: (0, 0)),
        ],
        out_specs=pl.BlockSpec((RB, D), lambda i: (i, 0)),
        out_shape=jax.ShapeDtypeStruct((V, D), jnp.float32),
    )(table, w.reshape(1, D), b.reshape(1, D))


def _gather_mask_sc(ntable, x2d):
    V, D = ntable.shape
    NR, _ = x2d.shape
    N = NR * GRP
    per_w = N // NW
    rows_w = per_w // GRP
    nblk = per_w // BLK
    assert per_w * NW == N and nblk * BLK == per_w and nblk % NBUF == 0

    mesh = plsc.VectorSubcoreMesh(
        core_axis_name="c", subcore_axis_name="s",
        num_cores=NC, num_subcores=NS)

    @functools.partial(
        pl.kernel,
        out_type=[
            jax.ShapeDtypeStruct((NR, GRP, D), jnp.float32),
            jax.ShapeDtypeStruct((NR, GRP), jnp.int32),
        ],
        mesh=mesh,
        compiler_params=pltpu.CompilerParams(use_tc_tiling_on_sc=False),
        scratch_types=[
            pltpu.VMEM((rows_w, GRP), jnp.int32),
            pltpu.VMEM((NBUF, KG, GRP, D), jnp.float32),
            pltpu.VMEM((rows_w, GRP), jnp.int32),
        ]
        + [pltpu.SemaphoreType.DMA] * (2 * NBUF),
    )
    def k(tab_hbm, x_hbm, out_hbm, mask_hbm, idx_v, rows_v, mask_v, *sems):
        gat_sems = sems[:NBUF]
        out_sems = sems[NBUF:]
        wid = lax.axis_index("s") * NC + lax.axis_index("c")
        row0 = wid * rows_w

        pltpu.sync_copy(x_hbm.at[pl.ds(row0, rows_w)], idx_v)

        def fire_gathers(g, b):
            for j in range(KG):
                pltpu.async_copy(
                    tab_hbm.at[idx_v.at[g * KG + j]],
                    rows_v.at[b].at[j], gat_sems[b])

        def wait_gathers(b):
            for j in range(KG):
                pltpu.make_async_copy(
                    tab_hbm.at[idx_v.at[j]],
                    rows_v.at[b].at[j], gat_sems[b]).wait()

        def fire_out(g, b):
            pltpu.async_copy(
                rows_v.at[b], out_hbm.at[pl.ds(row0 + g * KG, KG)],
                out_sems[b])

        def wait_out(b):
            pltpu.make_async_copy(
                rows_v.at[b], out_hbm.at[pl.ds(row0, KG)],
                out_sems[b]).wait()

        def mask_chunk(g):
            for j in range(KG):
                for v in range(GRP // 16):
                    iv = idx_v[g * KG + j, pl.ds(v * 16, 16)]
                    mask_v[g * KG + j, pl.ds(v * 16, 16)] = jnp.where(
                        iv > 0, jnp.int32(1), jnp.int32(0))

        def round_body(i, carry):
            for b in range(NBUF):
                g = i * NBUF + b
                @pl.when(i > 0)
                def _(b=b):
                    wait_out(b)
                fire_gathers(g, b)
                pb = b - 1 if b > 0 else NBUF - 1
                pg = g - 1

                @pl.when((i > 0) | (b > 0))
                def _(pb=pb, pg=pg):
                    wait_gathers(pb)
                    fire_out(pg, pb)
                mask_chunk(g)
            return carry

        lax.fori_loop(0, nblk // NBUF, round_body, 0, unroll=False)

        last = nblk - 1
        lb = last % NBUF
        wait_gathers(lb)
        fire_out(last, lb)
        for b in range(NBUF):
            wait_out(b)

        pltpu.sync_copy(mask_v, mask_hbm.at[pl.ds(row0, rows_w)])

    return k(ntable, x2d)


def kernel(x, table, ln_weight, ln_bias):
    B, S = x.shape
    V, D = table.shape
    N = B * S
    assert N % (NW * BLK) == 0

    ntable = _normalize_table(table, ln_weight, ln_bias)
    x2d = x.astype(jnp.int32).reshape(N // GRP, GRP)
    out, mask_i32 = _gather_mask_sc(ntable, x2d)
    normed = out.reshape(B, S, D)
    mask = (mask_i32 != 0).reshape(B, S)
    return (normed, mask)

# --- scband reference (transcript-rebuilt; emitter-appended) ---
"""Pipeline reference for scband-lruembedding-26156350832985 (READ-ONLY COPY).

The authoritative reference and input builder live on the scoring server;
editing this copy changes nothing except your own understanding.
"""

import jax, jax.numpy as jnp
import numpy as np

VOCAB = 100000
DIM = 64
EPS = 1e-5


def setup_inputs(seed: int = 0) -> dict:
    key = jax.random.key(seed)
    k1, k2 = jax.random.split(key)
    x = jax.random.randint(k1, (4096, 200), 0, VOCAB)
    table = jax.random.normal(k2, (VOCAB, DIM), dtype=jnp.float32)
    ln_weight = jnp.ones((DIM,), dtype=jnp.float32)
    ln_bias = jnp.zeros((DIM,), dtype=jnp.float32)
    return {"x": x, "table": table, "ln_weight": ln_weight, "ln_bias": ln_bias}


def reference(x, table, ln_weight, ln_bias):
    # mask = x > 0
    mask = x > 0
    # token embedding lookup (gather)
    emb = jnp.take(table, x, axis=0)
    # dropout is identity in eval mode
    # LayerNorm over last dim
    mu = jnp.mean(emb, axis=-1, keepdims=True)
    var = jnp.var(emb, axis=-1, keepdims=True)
    normed = (emb - mu) / jnp.sqrt(var + EPS) * ln_weight + ln_bias
    return (normed, mask)

if __name__ == "__main__":
    import jax
    _d = setup_inputs()
    print(jax.jit(kernel)(*tuple(_d.values())))

</pallas_src>

<mosaic_0001>
#map = affine_map<(d0, d1) -> (0, 0)>
#map1 = affine_map<(d0, d1) -> (0, 0, 0)>
module attributes {stable_mosaic.version = 14 : i64} {
  func.func @k(%arg0: i32, %arg1: i32, %arg2: memref<100000x64xf32, #tpu.memory_space<hbm>>, %arg3: memref<6400x128xi32, #tpu.memory_space<hbm>>, %arg4: memref<6400x128x64xf32, #tpu.memory_space<hbm>>, %arg5: memref<6400x128xi32, #tpu.memory_space<hbm>>, %arg6: memref<200x128xi32, #tpu.memory_space<vmem>>, %arg7: memref<4x2x128x64xf32, #tpu.memory_space<vmem>>, %arg8: memref<200x128xi32, #tpu.memory_space<vmem>>, %arg9: memref<!tpu.dma_semaphore, #tpu.memory_space<semaphore_mem>>, %arg10: memref<!tpu.dma_semaphore, #tpu.memory_space<semaphore_mem>>, %arg11: memref<!tpu.dma_semaphore, #tpu.memory_space<semaphore_mem>>, %arg12: memref<!tpu.dma_semaphore, #tpu.memory_space<semaphore_mem>>, %arg13: memref<!tpu.dma_semaphore, #tpu.memory_space<semaphore_mem>>, %arg14: memref<!tpu.dma_semaphore, #tpu.memory_space<semaphore_mem>>, %arg15: memref<!tpu.dma_semaphore, #tpu.memory_space<semaphore_mem>>, %arg16: memref<!tpu.dma_semaphore, #tpu.memory_space<semaphore_mem>>) attributes {dimension_semantics = [#tpu.dimension_semantics<core_parallel>, #tpu.dimension_semantics<subcore_parallel>], iteration_bounds = array<i64: 2, 16>, scalar_prefetch = 0 : i64, scratch_operands = 11 : i64, tpu.core_type = #tpu.core_type<sc_vector_subcore>, window_params = [{transform_indices = #map}, {transform_indices = #map}, {transform_indices = #map1}, {transform_indices = #map}]} {
    %mul3A = arith.constant 2 : i32
    %mul3A_0 = arith.muli %arg1, %mul3A : i32
    %add3A = arith.addi %mul3A_0, %arg0 : i32
    %mul3A_1 = arith.constant 200 : i32
    %mul3A_2 = arith.muli %add3A, %mul3A_1 : i32
    "tpu.region"() ({
      %run_scoped3A = tpu.sem_alloc : memref<!tpu.dma_semaphore, #tpu.memory_space<semaphore_mem>>
      %dma_start3A_129 = arith.constant 0 : i32
      %dma_start3A_130 = tpu.memref_slice %arg3[%mul3A_2, %dma_start3A_129] : memref<6400x128xi32, #tpu.memory_space<hbm>> -> memref<200x128xi32, #tpu.memory_space<hbm>>
      %dma_start3A_131 = arith.constant 0 : i32
      %dma_start3A_132 = tpu.memref_slice %arg3[%mul3A_2, %dma_start3A_131] : memref<6400x128xi32, #tpu.memory_space<hbm>> -> memref<200x128xi32, #tpu.memory_space<hbm>>
      tpu.enqueue_dma source(%dma_start3A_132 : memref<200x128xi32, #tpu.memory_space<hbm>>) target(%arg6 : memref<200x128xi32, #tpu.memory_space<vmem>>) target_semaphore(%run_scoped3A : memref<!tpu.dma_semaphore, #tpu.memory_space<semaphore_mem>>)
      %dma_wait3A_133 = arith.constant 0 : i32
      %dma_wait3A_134 = tpu.memref_slice %arg3[%mul3A_2, %dma_wait3A_133] : memref<6400x128xi32, #tpu.memory_space<hbm>> -> memref<200x128xi32, #tpu.memory_space<hbm>>
      %dma_wait3A_135 = arith.constant 0 : i32
      %dma_wait3A_136 = tpu.memref_slice %arg3[%mul3A_2, %dma_wait3A_135] : memref<6400x128xi32, #tpu.memory_space<hbm>> -> memref<200x128xi32, #tpu.memory_space<hbm>>
      tpu.wait_dma2 semaphore(%run_scoped3A : memref<!tpu.dma_semaphore, #tpu.memory_space<semaphore_mem>>) src(%dma_wait3A_136 : memref<200x128xi32, #tpu.memory_space<hbm>>) dst(%arg6 : memref<200x128xi32, #tpu.memory_space<vmem>>)
      tpu.yield
    }) : () -> ()
    %scan3A = arith.constant 0 : i32
    %scan3A_3 = arith.constant 0 : i32
    %scan3A_4 = arith.constant 25 : i32
    %scan3A_5 = arith.addi %scan3A_3, %scan3A_4 : i32
    %scan3A_6 = arith.constant 1 : i32
    scf.for %scan3A_129 = %scan3A_3 to %scan3A_5 step %scan3A_6  : i32 {
      %mul3A_130 = arith.constant 4 : i32
      %mul3A_131 = arith.muli %scan3A_129, %mul3A_130 : i32
      %add3A_132 = arith.constant 0 : i32
      %add3A_133 = arith.addi %mul3A_131, %add3A_132 : i32
      %gt3A = arith.constant 0 : i32
      %gt3A_134 = arith.cmpi sgt, %scan3A_129, %gt3A : i32
      %convert_element_type3A = arith.extui %gt3A_134 : i1 to i32
      %cond3A = arith.constant 0 : i32
      %cond3A_135 = arith.cmpi ne, %convert_element_type3A, %cond3A : i32
      scf.if %cond3A_135 {
        %dma_wait3A_1960 = arith.constant 0 : i32
        %dma_wait3A_1961 = arith.constant 0 : i32
        %dma_wait3A_1962 = arith.constant 0 : i32
        %dma_wait3A_1963 = arith.constant 0 : i32
        %dma_wait3A_1964 = tpu.memref_slice %arg7[%dma_wait3A_1960, %dma_wait3A_1961, %dma_wait3A_1962, %dma_wait3A_1963] : memref<4x2x128x64xf32, #tpu.memory_space<vmem>> -> memref<1x2x128x64xf32, #tpu.memory_space<vmem>>
        %dma_wait3A_1965 = tpu.memref_squeeze %dma_wait3A_1964 : memref<1x2x128x64xf32, #tpu.memory_space<vmem>> -> memref<2x128x64xf32, #tpu.memory_space<vmem>>
        %dma_wait3A_1966 = arith.constant 0 : i32
        %dma_wait3A_1967 = arith.constant 0 : i32
        %dma_wait3A_1968 = tpu.memref_slice %arg4[%mul3A_2, %dma_wait3A_1966, %dma_wait3A_1967] : memref<6400x128x64xf32, #tpu.memory_space<hbm>> -> memref<2x128x64xf32, #tpu.memory_space<hbm>>
        %dma_wait3A_1969 = arith.constant 0 : i32
        %dma_wait3A_1970 = arith.constant 0 : i32
        %dma_wait3A_1971 = tpu.memref_slice %arg4[%mul3A_2, %dma_wait3A_1969, %dma_wait3A_1970] : memref<6400x128x64xf32, #tpu.memory_space<hbm>> -> memref<2x128x64xf32, #tpu.memory_space<hbm>>
        %dma_wait3A_1972 = arith.constant 0 : i32
        %dma_wait3A_1973 = arith.constant 0 : i32
        %dma_wait3A_1974 = arith.constant 0 : i32
        %dma_wait3A_1975 = tpu.memref_slice %arg7[%dma_wait3A_1960, %dma_wait3A_1972, %dma_wait3A_1973, %dma_wait3A_1974] : memref<4x2x128x64xf32, #tpu.memory_space<vmem>> -> memref<1x2x128x64xf32, #tpu.memory_space<vmem>>
        %dma_wait3A_1976 = tpu.memref_squeeze %dma_wait3A_1975 : memref<1x2x128x64xf32, #tpu.memory_space<vmem>> -> memref<2x128x64xf32, #tpu.memory_space<vmem>>
        tpu.wait_dma2 semaphore(%arg13 : memref<!tpu.dma_semaphore, #tpu.memory_space<semaphore_mem>>) src(%dma_wait3A_1976 : memref<2x128x64xf32, #tpu.memory_space<vmem>>) dst(%dma_wait3A_1971 : memref<2x128x64xf32, #tpu.memory_space<hbm>>)
      } else {
      }
      %mul3A_136 = arith.constant 2 : i32
      %mul3A_137 = arith.muli %add3A_133, %mul3A_136 : i32
      %add3A_138 = arith.constant 0 : i32
      %add3A_139 = arith.addi %mul3A_137, %add3A_138 : i32
      %dma_start3A_140 = arith.constant 0 : i32
      %dma_start3A_141 = arith.constant 0 : i32
      %dma_start3A_142 = arith.constant 0 : i32
      %dma_start3A_143 = arith.constant 0 : i32
      %dma_start3A_144 = arith.constant 0 : i32
      %dma_start3A_145 = tpu.memref_slice %arg7[%dma_start3A_140, %dma_start3A_142, %dma_start3A_143, %dma_start3A_144] : memref<4x2x128x64xf32, #tpu.memory_space<vmem>> -> memref<1x2x128x64xf32, #tpu.memory_space<vmem>>
      %dma_start3A_146 = tpu.memref_squeeze %dma_start3A_145 : memref<1x2x128x64xf32, #tpu.memory_space<vmem>> -> memref<2x128x64xf32, #tpu.memory_space<vmem>>
      %dma_start3A_147 = arith.constant 0 : i32
      %dma_start3A_148 = arith.constant 0 : i32
      %dma_start3A_149 = tpu.memref_slice %dma_start3A_146[%dma_start3A_141, %dma_start3A_147, %dma_start3A_148] : memref<2x128x64xf32, #tpu.memory_space<vmem>> -> memref<1x128x64xf32, #tpu.memory_space<vmem>>
      %dma_start3A_150 = tpu.memref_squeeze %dma_start3A_149 : memref<1x128x64xf32, #tpu.memory_space<vmem>> -> memref<128x64xf32, #tpu.memory_space<vmem>>
      %dma_start3A_151 = arith.constant 0 : i32
      %dma_start3A_152 = tpu.memref_slice %arg6[%add3A_139, %dma_start3A_151] : memref<200x128xi32, #tpu.memory_space<vmem>> -> memref<1x128xi32, #tpu.memory_space<vmem>>
      %dma_start3A_153 = tpu.memref_squeeze %dma_start3A_152 : memref<1x128xi32, #tpu.memory_space<vmem>> -> memref<128xi32, #tpu.memory_space<vmem>>
      %dma_start3A_154 = arith.constant 0 : i32
      %dma_start3A_155 = arith.constant 0 : i32
      %dma_start3A_156 = tpu.memref_slice %arg2[%dma_start3A_154, %dma_start3A_155] : memref<100000x64xf32, #tpu.memory_space<hbm>> -> memref<100000x64xf32, #tpu.memory_space<hbm>>
      tpu.enqueue_indirect_dma source(%dma_start3A_156 : memref<100000x64xf32, #tpu.memory_space<hbm>>) target(%dma_start3A_150 : memref<128x64xf32, #tpu.memory_space<vmem>>) offsets(%dma_start3A_153 : memref<128xi32, #tpu.memory_space<vmem>>) semaphore(%arg9 : memref<!tpu.dma_semaphore, #tpu.memory_space<semaphore_mem>>)
      %mul3A_157 = arith.constant 2 : i32
      %mul3A_158 = arith.muli %add3A_133, %mul3A_157 : i32
      %add3A_159 = arith.constant 1 : i32
      %add3A_160 = arith.addi %mul3A_158, %add3A_159 : i32
      %dma_start3A_161 = arith.constant 0 : i32
      %dma_start3A_162 = arith.constant 1 : i32
      %dma_start3A_163 = arith.constant 0 : i32
      %dma_start3A_164 = arith.constant 0 : i32
      %dma_start3A_165 = arith.constant 0 : i32
      %dma_start3A_166 = tpu.memref_slice %arg7[%dma_start3A_161, %dma_start3A_163, %dma_start3A_164, %dma_start3A_165] : memref<4x2x128x64xf32, #tpu.memory_space<vmem>> -> memref<1x2x128x64xf32, #tpu.memory_space<vmem>>
      %dma_start3A_167 = tpu.memref_squeeze %dma_start3A_166 : memref<1x2x128x64xf32, #tpu.memory_space<vmem>> -> memref<2x128x64xf32, #tpu.memory_space<vmem>>
      %dma_start3A_168 = arith.constant 0 : i32
      %dma_start3A_169 = arith.constant 0 : i32
      %dma_start3A_170 = tpu.memref_slice %dma_start3A_167[%dma_start3A_162, %dma_start3A_168, %dma_start3A_169] : memref<2x128x64xf32, #tpu.memory_space<vmem>> -> memref<1x128x64xf32, #tpu.memory_space<vmem>>
      %dma_start3A_171 = tpu.memref_squeeze %dma_start3A_170 : memref<1x128x64xf32, #tpu.memory_space<vmem>> -> memref<128x64xf32, #tpu.memory_space<vmem>>
      %dma_start3A_172 = arith.constant 0 : i32
      %dma_start3A_173 = tpu.memref_slice %arg6[%add3A_160, %dma_start3A_172] : memref<200x128xi32, #tpu.memory_space<vmem>> -> memref<1x128xi32, #tpu.memory_space<vmem>>
      %dma_start3A_174 = tpu.memref_squeeze %dma_start3A_173 : memref<1x128xi32, #tpu.memory_space<vmem>> -> memref<128xi32, #tpu.memory_space<vmem>>
      %dma_start3A_175 = arith.constant 0 : i32
      %dma_start3A_176 = arith.constant 0 : i32
      %dma_start3A_177 = tpu.memref_slice %arg2[%dma_start3A_175, %dma_start3A_176] : memref<100000x64xf32, #tpu.memory_space<hbm>> -> memref<100000x64xf32, #tpu.memory_space<hbm>>
      tpu.enqueue_indirect_dma source(%dma_start3A_177 : memref<100000x64xf32, #tpu.memory_space<hbm>>) target(%dma_start3A_171 : memref<128x64xf32, #tpu.memory_space<vmem>>) offsets(%dma_start3A_174 : memref<128xi32, #tpu.memory_space<vmem>>) semaphore(%arg9 : memref<!tpu.dma_semaphore, #tpu.memory_space<semaphore_mem>>)
      %sub3A = arith.constant 1 : i32
      %sub3A_178 = arith.subi %add3A_133, %sub3A : i32
      %gt3A_179 = arith.constant 0 : i32
      %gt3A_180 = arith.cmpi sgt, %scan3A_129, %gt3A_179 : i32
      %or3A = arith.constant false
      %or3A_181 = arith.ori %gt3A_180, %or3A : i1
      %convert_element_type3A_182 = arith.extui %or3A_181 : i1 to i32
      %cond3A_183 = arith.constant 0 : i32
      %cond3A_184 = arith.cmpi ne, %convert_element_type3A_182, %cond3A_183 : i32
      scf.if %cond3A_184 {
        %dma_wait3A_1960 = arith.constant 0 : i32
        %dma_wait3A_1961 = arith.constant 3 : i32
        %dma_wait3A_1962 = arith.constant 0 : i32
        %dma_wait3A_1963 = arith.constant 0 : i32
        %dma_wait3A_1964 = arith.constant 0 : i32
        %dma_wait3A_1965 = arith.constant 0 : i32
        %dma_wait3A_1966 = tpu.memref_slice %arg7[%dma_wait3A_1961, %dma_wait3A_1963, %dma_wait3A_1964, %dma_wait3A_1965] : memref<4x2x128x64xf32, #tpu.memory_space<vmem>> -> memref<1x2x128x64xf32, #tpu.memory_space<vmem>>
        %dma_wait3A_1967 = tpu.memref_squeeze %dma_wait3A_1966 : memref<1x2x128x64xf32, #tpu.memory_space<vmem>> -> memref<2x128x64xf32, #tpu.memory_space<vmem>>
        %dma_wait3A_1968 = arith.constant 0 : i32
        %dma_wait3A_1969 = arith.constant 0 : i32
        %dma_wait3A_1970 = tpu.memref_slice %dma_wait3A_1967[%dma_wait3A_1962, %dma_wait3A_1968, %dma_wait3A_1969] : memref<2x128x64xf32, #tpu.memory_space<vmem>> -> memref<1x128x64xf32, #tpu.memory_space<vmem>>
        %dma_wait3A_1971 = tpu.memref_squeeze %dma_wait3A_1970 : memref<1x128x64xf32, #tpu.memory_space<vmem>> -> memref<128x64xf32, #tpu.memory_space<vmem>>
        %dma_wait3A_1972 = arith.constant 0 : i32
        %dma_wait3A_1973 = tpu.memref_slice %arg6[%dma_wait3A_1960, %dma_wait3A_1972] : memref<200x128xi32, #tpu.memory_space<vmem>> -> memref<1x128xi32, #tpu.memory_space<vmem>>
        %dma_wait3A_1974 = tpu.memref_squeeze %dma_wait3A_1973 : memref<1x128xi32, #tpu.memory_space<vmem>> -> memref<128xi32, #tpu.memory_space<vmem>>
        %dma_wait3A_1975 = arith.constant 0 : i32
        %dma_wait3A_1976 = arith.constant 0 : i32
        %dma_wait3A_1977 = tpu.memref_slice %arg2[%dma_wait3A_1975, %dma_wait3A_1976] : memref<100000x64xf32, #tpu.memory_space<hbm>> -> memref<100000x64xf32, #tpu.memory_space<hbm>>
        tpu.wait_indirect_dma semaphore(%arg12 : memref<!tpu.dma_semaphore, #tpu.memory_space<semaphore_mem>>) src(%dma_wait3A_1977 : memref<100000x64xf32, #tpu.memory_space<hbm>>) dst(%dma_wait3A_1971 : memref<128x64xf32, #tpu.memory_space<vmem>>)
        %dma_wait3A_1978 = arith.constant 1 : i32
        %dma_wait3A_1979 = arith.constant 3 : i32
        %dma_wait3A_1980 = arith.constant 1 : i32
        %dma_wait3A_1981 = arith.constant 0 : i32
        %dma_wait3A_1982 = arith.constant 0 : i32
        %dma_wait3A_1983 = arith.constant 0 : i32
        %dma_wait3A_1984 = tpu.memref_slice %arg7[%dma_wait3A_1979, %dma_wait3A_1981, %dma_wait3A_1982, %dma_wait3A_1983] : memref<4x2x128x64xf32, #tpu.memory_space<vmem>> -> memref<1x2x128x64xf32, #tpu.memory_space<vmem>>
        %dma_wait3A_1985 = tpu.memref_squeeze %dma_wait3A_1984 : memref<1x2x128x64xf32, #tpu.memory_space<vmem>> -> memref<2x128x64xf32, #tpu.memory_space<vmem>>
        %dma_wait3A_1986 = arith.constant 0 : i32
        %dma_wait3A_1987 = arith.constant 0 : i32
        %dma_wait3A_1988 = tpu.memref_slice %dma_wait3A_1985[%dma_wait3A_1980, %dma_wait3A_1986, %dma_wait3A_1987] : memref<2x128x64xf32, #tpu.memory_space<vmem>> -> memref<1x128x64xf32, #tpu.memory_space<vmem>>
        %dma_wait3A_1989 = tpu.memref_squeeze %dma_wait3A_1988 : memref<1x128x64xf32, #tpu.memory_space<vmem>> -> memref<128x64xf32, #tpu.memory_space<vmem>>
        %dma_wait3A_1990 = arith.constant 0 : i32
        %dma_wait3A_1991 = tpu.memref_slice %arg6[%dma_wait3A_1978, %dma_wait3A_1990] : memref<200x128xi32, #tpu.memory_space<vmem>> -> memref<1x128xi32, #tpu.memory_space<vmem>>
        %dma_wait3A_1992 = tpu.memref_squeeze %dma_wait3A_1991 : memref<1x128xi32, #tpu.memory_space<vmem>> -> memref<128xi32, #tpu.memory_space<vmem>>
        %dma_wait3A_1993 = arith.constant 0 : i32
        %dma_wait3A_1994 = arith.constant 0 : i32
        %dma_wait3A_1995 = tpu.memref_slice %arg2[%dma_wait3A_1993, %dma_wait3A_1994] : memref<100000x64xf32, #tpu.memory_space<hbm>> -> memref<100000x64xf32, #tpu.memory_space<hbm>>
        tpu.wait_indirect_dma semaphore(%arg12 : memref<!tpu.dma_semaphore, #tpu.memory_space<semaphore_mem>>) src(%dma_wait3A_1995 : memref<100000x64xf32, #tpu.memory_space<hbm>>) dst(%dma_wait3A_1989 : memref<128x64xf32, #tpu.memory_space<vmem>>)
        %mul3A_1996 = arith.constant 2 : i32
        %mul3A_1997 = arith.muli %sub3A_178, %mul3A_1996 : i32
        %add3A_1998 = arith.addi %mul3A_2, %mul3A_1997 : i32
        %dma_start3A_1999 = arith.constant 3 : i32
        %dma_start3A_2000 = arith.constant 0 : i32
        %dma_start3A_2001 = arith.constant 0 : i32
        %dma_start3A_2002 = arith.constant 0 : i32
        %dma_start3A_2003 = tpu.memref_slice %arg7[%dma_start3A_1999, %dma_start3A_2000, %dma_start3A_2001, %dma_start3A_2002] : memref<4x2x128x64xf32, #tpu.memory_space<vmem>> -> memref<1x2x128x64xf32, #tpu.memory_space<vmem>>
        %dma_start3A_2004 = tpu.memref_squeeze %dma_start3A_2003 : memref<1x2x128x64xf32, #tpu.memory_space<vmem>> -> memref<2x128x64xf32, #tpu.memory_space<vmem>>
        %dma_start3A_2005 = arith.constant 0 : i32
        %dma_start3A_2006 = arith.constant 0 : i32
        %dma_start3A_2007 = tpu.memref_slice %arg4[%add3A_1998, %dma_start3A_2005, %dma_start3A_2006] : memref<6400x128x64xf32, #tpu.memory_space<hbm>> -> memref<2x128x64xf32, #tpu.memory_space<hbm>>
        %dma_start3A_2008 = arith.constant 0 : i32
        %dma_start3A_2009 = arith.constant 0 : i32
        %dma_start3A_2010 = tpu.memref_slice %arg4[%add3A_1998, %dma_start3A_2008, %dma_start3A_2009] : memref<6400x128x64xf32, #tpu.memory_space<hbm>> -> memref<2x128x64xf32, #tpu.memory_space<hbm>>
        %dma_start3A_2011 = arith.constant 0 : i32
        %dma_start3A_2012 = arith.constant 0 : i32
        %dma_start3A_2013 = arith.constant 0 : i32
        %dma_start3A_2014 = tpu.memref_slice %arg7[%dma_start3A_1999, %dma_start3A_2011, %dma_start3A_2012, %dma_start3A_2013] : memref<4x2x128x64xf32, #tpu.memory_space<vmem>> -> memref<1x2x128x64xf32, #tpu.memory_space<vmem>>
        %dma_start3A_2015 = tpu.memref_squeeze %dma_start3A_2014 : memref<1x2x128x64xf32, #tpu.memory_space<vmem>> -> memref<2x128x64xf32, #tpu.memory_space<vmem>>
        tpu.enqueue_dma source(%dma_start3A_2015 : memref<2x128x64xf32, #tpu.memory_space<vmem>>) target(%dma_start3A_2010 : memref<2x128x64xf32, #tpu.memory_space<hbm>>) target_semaphore(%arg16 : memref<!tpu.dma_semaphore, #tpu.memory_space<semaphore_mem>>)
      } else {
      }
      %mul3A_185 = arith.constant 2 : i32
      %mul3A_186 = arith.muli %add3A_133, %mul3A_185 : i32
      %add3A_187 = arith.constant 0 : i32
      %add3A_188 = arith.addi %mul3A_186, %add3A_187 : i32
      %get3A = arith.index_cast %add3A_188 : i32 to index
      %get3A_189 = arith.constant 0 : index
      %get3A_190 = tpu.vector_load %arg6[%get3A, %get3A_189] {strides = array<i32>} : memref<200x128xi32, #tpu.memory_space<vmem>>, vector<1x16xi32>,
      %get3A_191 = vector.shape_cast %get3A_190 : vector<1x16xi32> to vector<16xi32>
      %gt3A_192 = arith.constant 0 : i32
      %gt3A_193 = vector.broadcast %gt3A_192 : i32 to vector<16xi32>
      %gt3A_194 = arith.cmpi sgt, %get3A_191, %gt3A_193 : vector<16xi32>
      %jit3A = arith.constant 1 : i32
      %jit3A_195 = arith.constant 0 : i32
      %broadcast_in_dim3A = vector.broadcast %jit3A : i32 to vector<16xi32>
      %broadcast_in_dim3A_196 = vector.broadcast %jit3A_195 : i32 to vector<16xi32>
      %select_n3A = arith.select %gt3A_194, %broadcast_in_dim3A, %broadcast_in_dim3A_196 : vector<16xi1>, vector<16xi32>
      %mul3A_197 = arith.constant 2 : i32
      %mul3A_198 = arith.muli %add3A_133, %mul3A_197 : i32
      %add3A_199 = arith.constant 0 : i32
      %add3A_200 = arith.addi %mul3A_198, %add3A_199 : i32
      %swap3A = arith.index_cast %add3A_200 : i32 to index
      %swap3A_201 = arith.constant 0 : index
      %swap3A_202 = tpu.vector_load %arg8[%swap3A, %swap3A_201] {strides = array<i32>} : memref<200x128xi32, #tpu.memory_space<vmem>>, vector<1x16xi32>,
      %swap3A_203 = vector.shape_cast %swap3A_202 : vector<1x16xi32> to vector<16xi32>
      %swap3A_204 = vector.shape_cast %select_n3A : vector<16xi32> to vector<1x16xi32>
      tpu.vector_store %arg8[%swap3A, %swap3A_201], %swap3A_204 {strides = array<i32>} : memref<200x128xi32, #tpu.memory_space<vmem>>, vector<1x16xi32>,
      %mul3A_205 = arith.constant 2 : i32
      %mul3A_206 = arith.muli %add3A_133, %mul3A_205 : i32
      %add3A_207 = arith.constant 0 : i32
      %add3A_208 = arith.addi %mul3A_206, %add3A_207 : i32
      %get3A_209 = arith.index_cast %add3A_208 : i32 to index
      %get3A_210 = arith.constant 16 : index
      %get3A_211 = tpu.vector_load %arg6[%get3A_209, %get3A_210] {strides = array<i32>} : memref<200x128xi32, #tpu.memory_space<vmem>>, vector<1x16xi32>,
      %get3A_212 = vector.shape_cast %get3A_211 : vector<1x16xi32> to vector<16xi32>
      %gt3A_213 = arith.constant 0 : i32
      %gt3A_214 = vector.broadcast %gt3A_213 : i32 to vector<16xi32>
      %gt3A_215 = arith.cmpi sgt, %get3A_212, %gt3A_214 : vector<16xi32>
      %jit3A_216 = arith.constant 1 : i32
      %jit3A_217 = arith.constant 0 : i32
      %broadcast_in_dim3A_218 = vector.broadcast %jit3A_216 : i32 to vector<16xi32>
      %broadcast_in_dim3A_219 = vector.broadcast %jit3A_217 : i32 to vector<16xi32>
      %select_n3A_220 = arith.select %gt3A_215, %broadcast_in_dim3A_218, %broadcast_in_dim3A_219 : vector<16xi1>, vector<16xi32>
      %mul3A_221 = arith.constant 2 : i32
      %mul3A_222 = arith.muli %add3A_133, %mul3A_221 : i32
      %add3A_223 = arith.constant 0 : i32
      %add3A_224 = arith.addi %mul3A_222, %add3A_223 : i32
      %swap3A_225 = arith.index_cast %add3A_224 : i32 to index
      %swap3A_226 = arith.constant 16 : index
      %swap3A_227 = tpu.vector_load %arg8[%swap3A_225, %swap3A_226] {strides = array<i32>} : memref<200x128xi32, #tpu.memory_space<vmem>>, vector<1x16xi32>,
      %swap3A_228 = vector.shape_cast %swap3A_227 : vector<1x16xi32> to vector<16xi32>
      %swap3A_229 = vector.shape_cast %select_n3A_220 : vector<16xi32> to vector<1x16xi32>
      tpu.vector_store %arg8[%swap3A_225, %swap3A_226], %swap3A_229 {strides = array<i32>} : memref<200x128xi32, #tpu.memory_space<vmem>>, vector<1x16xi32>,
      %mul3A_230 = arith.constant 2 : i32
      %mul3A_231 = arith.muli %add3A_133, %mul3A_230 : i32
      %add3A_232 = arith.constant 0 : i32
      %add3A_233 = arith.addi %mul3A_231, %add3A_232 : i32
      %get3A_234 = arith.index_cast %add3A_233 : i32 to index
      %get3A_235 = arith.constant 32 : index
      %get3A_236 = tpu.vector_load %arg6[%get3A_234, %get3A_235] {strides = array<i32>} : memref<200x128xi32, #tpu.memory_space<vmem>>, vector<1x16xi32>,
      %get3A_237 = vector.shape_cast %get3A_236 : vector<1x16xi32> to vector<16xi32>
      %gt3A_238 = arith.constant 0 : i32
      %gt3A_239 = vector.broadcast %gt3A_238 : i32 to vector<16xi32>
      %gt3A_240 = arith.cmpi sgt, %get3A_237, %gt3A_239 : vector<16xi32>
      %jit3A_241 = arith.constant 1 : i32
      %jit3A_242 = arith.constant 0 : i32
      %broadcast_in_dim3A_243 = vector.broadcast %jit3A_241 : i32 to vector<16xi32>
      %broadcast_in_dim3A_244 = vector.broadcast %jit3A_242 : i32 to vector<16xi32>
      %select_n3A_245 = arith.select %gt3A_240, %broadcast_in_dim3A_243, %broadcast_in_dim3A_244 : vector<16xi1>, vector<16xi32>
      %mul3A_246 = arith.constant 2 : i32
      %mul3A_247 = arith.muli %add3A_133, %mul3A_246 : i32
      %add3A_248 = arith.constant 0 : i32
      %add3A_249 = arith.addi %mul3A_247, %add3A_248 : i32
      %swap3A_250 = arith.index_cast %add3A_249 : i32 to index
      %swap3A_251 = arith.constant 32 : index
      %swap3A_252 = tpu.vector_load %arg8[%swap3A_250, %swap3A_251] {strides = array<i32>} : memref<200x128xi32, #tpu.memory_space<vmem>>, vector<1x16xi32>,
      %swap3A_253 = vector.shape_cast %swap3A_252 : vector<1x16xi32> to vector<16xi32>
      %swap3A_254 = vector.shape_cast %select_n3A_245 : vector<16xi32> to vector<1x16xi32>
      tpu.vector_store %arg8[%swap3A_250, %swap3A_251], %swap3A_254 {strides = array<i32>} : memref<200x128xi32, #tpu.memory_space<vmem>>, vector<1x16xi32>,
      %mul3A_255 = arith.constant 2 : i32
      %mul3A_256 = arith.muli %add3A_133, %mul3A_255 : i32
      %add3A_257 = arith.constant 0 : i32
      %add3A_258 = arith.addi %mul3A_256, %add3A_257 : i32
      %get3A_259 = arith.index_cast %add3A_258 : i32 to index
      %get3A_260 = arith.constant 48 : index
      %get3A_261 = tpu.vector_load %arg6[%get3A_259, %get3A_260] {strides = array<i32>} : memref<200x128xi32, #tpu.memory_space<vmem>>, vector<1x16xi32>,
      %get3A_262 = vector.shape_cast %get3A_261 : vector<1x16xi32> to vector<16xi32>
      %gt3A_263 = arith.constant 0 : i32
      %gt3A_264 = vector.broadcast %gt3A_263 : i32 to vector<16xi32>
      %gt3A_265 = arith.cmpi sgt, %get3A_262, %gt3A_264 : vector<16xi32>
      %jit3A_266 = arith.constant 1 : i32
      %jit3A_267 = arith.constant 0 : i32
      %broadcast_in_dim3A_268 = vector.broadcast %jit3A_266 : i32 to vector<16xi32>
      %broadcast_in_dim3A_269 = vector.broadcast %jit3A_267 : i32 to vector<16xi32>
      %select_n3A_270 = arith.select %gt3A_265, %broadcast_in_dim3A_268, %broadcast_in_dim3A_269 : vector<16xi1>, vector<16xi32>
      %mul3A_271 = arith.constant 2 : i32
      %mul3A_272 = arith.muli %add3A_133, %mul3A_271 : i32
      %add3A_273 = arith.constant 0 : i32
      %add3A_274 = arith.addi %mul3A_272, %add3A_273 : i32
      %swap3A_275 = arith.index_cast %add3A_274 : i32 to index
      %swap3A_276 = arith.constant 48 : index
      %swap3A_277 = tpu.vector_load %arg8[%swap3A_275, %swap3A_276] {strides = array<i32>} : memref<200x128xi32, #tpu.memory_space<vmem>>, vector<1x16xi32>,
      %swap3A_278 = vector.shape_cast %swap3A_277 : vector<1x16xi32> to vector<16xi32>
      %swap3A_279 = vector.shape_cast %select_n3A_270 : vector<16xi32> to vector<1x16xi32>
      tpu.vector_store %arg8[%swap3A_275, %swap3A_276], %swap3A_279 {strides = array<i32>} : memref<200x128xi32, #tpu.memory_space<vmem>>, vector<1x16xi32>,
      %mul3A_280 = arith.constant 2 : i32
      %mul3A_281 = arith.muli %add3A_133, %mul3A_280 : i32
      %add3A_282 = arith.constant 0 : i32
      %add3A_283 = arith.addi %mul3A_281, %add3A_282 : i32
      %get3A_284 = arith.index_cast %add3A_283 : i32 to index
      %get3A_285 = arith.constant 64 : index
      %get3A_286 = tpu.vector_load %arg6[%get3A_284, %get3A_285] {strides = array<i32>} : memref<200x128xi32, #tpu.memory_space<vmem>>, vector<1x16xi32>,
      %get3A_287 = vector.shape_cast %get3A_286 : vector<1x16xi32> to vector<16xi32>
      %gt3A_288 = arith.constant 0 : i32
      %gt3A_289 = vector.broadcast %gt3A_288 : i32 to vector<16xi32>
      %gt3A_290 = arith.cmpi sgt, %get3A_287, %gt3A_289 : vector<16xi32>
      %jit3A_291 = arith.constant 1 : i32
      %jit3A_292 = arith.constant 0 : i32
      %broadcast_in_dim3A_293 = vector.broadcast %jit3A_291 : i32 to vector<16xi32>
      %broadcast_in_dim3A_294 = vector.broadcast %jit3A_292 : i32 to vector<16xi32>
      %select_n3A_295 = arith.select %gt3A_290, %broadcast_in_dim3A_293, %broadcast_in_dim3A_294 : vector<16xi1>, vector<16xi32>
      %mul3A_296 = arith.constant 2 : i32
      %mul3A_297 = arith.muli %add3A_133, %mul3A_296 : i32
      %add3A_298 = arith.constant 0 : i32
      %add3A_299 = arith.addi %mul3A_297, %add3A_298 : i32
      %swap3A_300 = arith.index_cast %add3A_299 : i32 to index
      %swap3A_301 = arith.constant 64 : index
      %swap3A_302 = tpu.vector_load %arg8[%swap3A_300, %swap3A_301] {strides = array<i32>} : memref<200x128xi32, #tpu.memory_space<vmem>>, vector<1x16xi32>,
      %swap3A_303 = vector.shape_cast %swap3A_302 : vector<1x16xi32> to vector<16xi32>
      %swap3A_304 = vector.shape_cast %select_n3A_295 : vector<16xi32> to vector<1x16xi32>
      tpu.vector_store %arg8[%swap3A_300, %swap3A_301], %swap3A_304 {strides = array<i32>} : memref<200x128xi32, #tpu.memory_space<vmem>>, vector<1x16xi32>,
      %mul3A_305 = arith.constant 2 : i32
      %mul3A_306 = arith.muli %add3A_133, %mul3A_305 : i32
      %add3A_307 = arith.constant 0 : i32
      %add3A_308 = arith.addi %mul3A_306, %add3A_307 : i32
      %get3A_309 = arith.index_cast %add3A_308 : i32 to index
      %get3A_310 = arith.constant 80 : index
      %get3A_311 = tpu.vector_load %arg6[%get3A_309, %get3A_310] {strides = array<i32>} : memref<200x128xi32, #tpu.memory_space<vmem>>, vector<1x16xi32>,
      %get3A_312 = vector.shape_cast %get3A_311 : vector<1x16xi32> to vector<16xi32>
      %gt3A_313 = arith.constant 0 : i32
      %gt3A_314 = vector.broadcast %gt3A_313 : i32 to vector<16xi32>
      %gt3A_315 = arith.cmpi sgt, %get3A_312, %gt3A_314 : vector<16xi32>
      %jit3A_316 = arith.constant 1 : i32
      %jit3A_317 = arith.constant 0 : i32
      %broadcast_in_dim3A_318 = vector.broadcast %jit3A_316 : i32 to vector<16xi32>
      %broadcast_in_dim3A_319 = vector.broadcast %jit3A_317 : i32 to vector<16xi32>
      %select_n3A_320 = arith.select %gt3A_315, %broadcast_in_dim3A_318, %broadcast_in_dim3A_319 : vector<16xi1>, vector<16xi32>
      %mul3A_321 = arith.constant 2 : i32
      %mul3A_322 = arith.muli %add3A_133, %mul3A_321 : i32
      %add3A_323 = arith.constant 0 : i32
      %add3A_324 = arith.addi %mul3A_322, %add3A_323 : i32
      %swap3A_325 = arith.index_cast %add3A_324 : i32 to index
      %swap3A_326 = arith.constant 80 : index
      %swap3A_327 = tpu.vector_load %arg8[%swap3A_325, %swap3A_326] {strides = array<i32>} : memref<200x128xi32, #tpu.memory_space<vmem>>, vector<1x16xi32>,
      %swap3A_328 = vector.shape_cast %swap3A_327 : vector<1x16xi32> to vector<16xi32>
      %swap3A_329 = vector.shape_cast %select_n3A_320 : vector<16xi32> to vector<1x16xi32>
      tpu.vector_store %arg8[%swap3A_325, %swap3A_326], %swap3A_329 {strides = array<i32>} : memref<200x128xi32, #tpu.memory_space<vmem>>, vector<1x16xi32>,
      %mul3A_330 = arith.constant 2 : i32
      %mul3A_331 = arith.muli %add3A_133, %mul3A_330 : i32
      %add3A_332 = arith.constant 0 : i32
      %add3A_333 = arith.addi %mul3A_331, %add3A_332 : i32
      %get3A_334 = arith.index_cast %add3A_333 : i32 to index
      %get3A_335 = arith.constant 96 : index
      %get3A_336 = tpu.vector_load %arg6[%get3A_334, %get3A_335] {strides = array<i32>} : memref<200x128xi32, #tpu.memory_space<vmem>>, vector<1x16xi32>,
      %get3A_337 = vector.shape_cast %get3A_336 : vector<1x16xi32> to vector<16xi32>
      %gt3A_338 = arith.constant 0 : i32
      %gt3A_339 = vector.broadcast %gt3A_338 : i32 to vector<16xi32>
      %gt3A_340 = arith.cmpi sgt, %get3A_337, %gt3A_339 : vector<16xi32>
      %jit3A_341 = arith.constant 1 : i32
      %jit3A_342 = arith.constant 0 : i32
      %broadcast_in_dim3A_343 = vector.broadcast %jit3A_341 : i32 to vector<16xi32>
      %broadcast_in_dim3A_344 = vector.broadcast %jit3A_342 : i32 to vector<16xi32>
      %select_n3A_345 = arith.select %gt3A_340, %broadcast_in_dim3A_343, %broadcast_in_dim3A_344 : vector<16xi1>, vector<16xi32>
      %mul3A_346 = arith.constant 2 : i32
      %mul3A_347 = arith.muli %add3A_133, %mul3A_346 : i32
      %add3A_348 = arith.constant 0 : i32
      %add3A_349 = arith.addi %mul3A_347, %add3A_348 : i32
      %swap3A_350 = arith.index_cast %add3A_349 : i32 to index
      %swap3A_351 = arith.constant 96 : index
      %swap3A_352 = tpu.vector_load %arg8[%swap3A_350, %swap3A_351] {strides = array<i32>} : memref<200x128xi32, #tpu.memory_space<vmem>>, vector<1x16xi32>,
      %swap3A_353 = vector.shape_cast %swap3A_352 : vector<1x16xi32> to vector<16xi32>
      %swap3A_354 = vector.shape_cast %select_n3A_345 : vector<16xi32> to vector<1x16xi32>
      tpu.vector_store %arg8[%swap3A_350, %swap3A_351], %swap3A_354 {strides = array<i32>} : memref<200x128xi32, #tpu.memory_space<vmem>>, vector<1x16xi32>,
      %mul3A_355 = arith.constant 2 : i32
      %mul3A_356 = arith.muli %add3A_133, %mul3A_355 : i32
      %add3A_357 = arith.constant 0 : i32
      %add3A_358 = arith.addi %mul3A_356, %add3A_357 : i32
      %get3A_359 = arith.index_cast %add3A_358 : i32 to index
      %get3A_360 = arith.constant 112 : index
      %get3A_361 = tpu.vector_load %arg6[%get3A_359, %get3A_360] {strides = array<i32>} : memref<200x128xi32, #tpu.memory_space<vmem>>, vector<1x16xi32>,
      %get3A_362 = vector.shape_cast %get3A_361 : vector<1x16xi32> to vector<16xi32>
      %gt3A_363 = arith.constant 0 : i32
      %gt3A_364 = vector.broadcast %gt3A_363 : i32 to vector<16xi32>
      %gt3A_365 = arith.cmpi sgt, %get3A_362, %gt3A_364 : vector<16xi32>
      %jit3A_366 = arith.constant 1 : i32
      %jit3A_367 = arith.constant 0 : i32
      %broadcast_in_dim3A_368 = vector.broadcast %jit3A_366 : i32 to vector<16xi32>
      %broadcast_in_dim3A_369 = vector.broadcast %jit3A_367 : i32 to vector<16xi32>
      %select_n3A_370 = arith.select %gt3A_365, %broadcast_in_dim3A_368, %broadcast_in_dim3A_369 : vector<16xi1>, vector<16xi32>
      %mul3A_371 = arith.constant 2 : i32
      %mul3A_372 = arith.muli %add3A_133, %mul3A_371 : i32
      %add3A_373 = arith.constant 0 : i32
      %add3A_374 = arith.addi %mul3A_372, %add3A_373 : i32
      %swap3A_375 = arith.index_cast %add3A_374 : i32 to index
      %swap3A_376 = arith.constant 112 : index
      %swap3A_377 = tpu.vector_load %arg8[%swap3A_375, %swap3A_376] {strides = array<i32>} : memref<200x128xi32, #tpu.memory_space<vmem>>, vector<1x16xi32>,
      %swap3A_378 = vector.shape_cast %swap3A_377 : vector<1x16xi32> to vector<16xi32>
      %swap3A_379 = vector.shape_cast %select_n3A_370 : vector<16xi32> to vector<1x16xi32>
      tpu.vector_store %arg8[%swap3A_375, %swap3A_376], %swap3A_379 {strides = array<i32>} : memref<200x128xi32, #tpu.memory_space<vmem>>, vector<1x16xi32>,
      %mul3A_380 = arith.constant 2 : i32
      %mul3A_381 = arith.muli %add3A_133, %mul3A_380 : i32
      %add3A_382 = arith.constant 1 : i32
      %add3A_383 = arith.addi %mul3A_381, %add3A_382 : i32
      %get3A_384 = arith.index_cast %add3A_383 : i32 to index
      %get3A_385 = arith.constant 0 : index
      %get3A_386 = tpu.vector_load %arg6[%get3A_384, %get3A_385] {strides = array<i32>} : memref<200x128xi32, #tpu.memory_space<vmem>>, vector<1x16xi32>,
      %get3A_387 = vector.shape_cast %get3A_386 : vector<1x16xi32> to vector<16xi32>
      %gt3A_388 = arith.constant 0 : i32
      %gt3A_389 = vector.broadcast %gt3A_388 : i32 to vector<16xi32>
      %gt3A_390 = arith.cmpi sgt, %get3A_387, %gt3A_389 : vector<16xi32>
      %jit3A_391 = arith.constant 1 : i32
      %jit3A_392 = arith.constant 0 : i32
      %broadcast_in_dim3A_393 = vector.broadcast %jit3A_391 : i32 to vector<16xi32>
      %broadcast_in_dim3A_394 = vector.broadcast %jit3A_392 : i32 to vector<16xi32>
      %select_n3A_395 = arith.select %gt3A_390, %broadcast_in_dim3A_393, %broadcast_in_dim3A_394 : vector<16xi1>, vector<16xi32>
      %mul3A_396 = arith.constant 2 : i32
      %mul3A_397 = arith.muli %add3A_133, %mul3A_396 : i32
      %add3A_398 = arith.constant 1 : i32
      %add3A_399 = arith.addi %mul3A_397, %add3A_398 : i32
      %swap3A_400 = arith.index_cast %add3A_399 : i32 to index
      %swap3A_401 = arith.constant 0 : index
      %swap3A_402 = tpu.vector_load %arg8[%swap3A_400, %swap3A_401] {strides = array<i32>} : memref<200x128xi32, #tpu.memory_space<vmem>>, vector<1x16xi32>,
      %swap3A_403 = vector.shape_cast %swap3A_402 : vector<1x16xi32> to vector<16xi32>
      %swap3A_404 = vector.shape_cast %select_n3A_395 : vector<16xi32> to vector<1x16xi32>
      tpu.vector_store %arg8[%swap3A_400, %swap3A_401], %swap3A_404 {strides = array<i32>} : memref<200x128xi32, #tpu.memory_space<vmem>>, vector<1x16xi32>,
      %mul3A_405 = arith.constant 2 : i32
      %mul3A_406 = arith.muli %add3A_133, %mul3A_405 : i32
      %add3A_407 = arith.constant 1 : i32
      %add3A_408 = arith.addi %mul3A_406, %add3A_407 : i32
      %get3A_409 = arith.index_cast %add3A_408 : i32 to index
      %get3A_410 = arith.constant 16 : index
      %get3A_411 = tpu.vector_load %arg6[%get3A_409, %get3A_410] {strides = array<i32>} : memref<200x128xi32, #tpu.memory_space<vmem>>, vector<1x16xi32>,
      %get3A_412 = vector.shape_cast %get3A_411 : vector<1x16xi32> to vector<16xi32>
      %gt3A_413 = arith.constant 0 : i32
      %gt3A_414 = vector.broadcast %gt3A_413 : i32 to vector<16xi32>
      %gt3A_415 = arith.cmpi sgt, %get3A_412, %gt3A_414 : vector<16xi32>
      %jit3A_416 = arith.constant 1 : i32
      %jit3A_417 = arith.constant 0 : i32
      %broadcast_in_dim3A_418 = vector.broadcast %jit3A_416 : i32 to vector<16xi32>
      %broadcast_in_dim3A_419 = vector.broadcast %jit3A_417 : i32 to vector<16xi32>
      %select_n3A_420 = arith.select %gt3A_415, %broadcast_in_dim3A_418, %broadcast_in_dim3A_419 : vector<16xi1>, vector<16xi32>
      %mul3A_421 = arith.constant 2 : i32
      %mul3A_422 = arith.muli %add3A_133, %mul3A_421 : i32
      %add3A_423 = arith.constant 1 : i32
      %add3A_424 = arith.addi %mul3A_422, %add3A_423 : i32
      %swap3A_425 = arith.index_cast %add3A_424 : i32 to index
      %swap3A_426 = arith.constant 16 : index
      %swap3A_427 = tpu.vector_load %arg8[%swap3A_425, %swap3A_426] {strides = array<i32>} : memref<200x128xi32, #tpu.memory_space<vmem>>, vector<1x16xi32>,
      %swap3A_428 = vector.shape_cast %swap3A_427 : vector<1x16xi32> to vector<16xi32>
      %swap3A_429 = vector.shape_cast %select_n3A_420 : vector<16xi32> to vector<1x16xi32>
      tpu.vector_store %arg8[%swap3A_425, %swap3A_426], %swap3A_429 {strides = array<i32>} : memref<200x128xi32, #tpu.memory_space<vmem>>, vector<1x16xi32>,
      %mul3A_430 = arith.constant 2 : i32
      %mul3A_431 = arith.muli %add3A_133, %mul3A_430 : i32
      %add3A_432 = arith.constant 1 : i32
      %add3A_433 = arith.addi %mul3A_431, %add3A_432 : i32
      %get3A_434 = arith.index_cast %add3A_433 : i32 to index
      %get3A_435 = arith.constant 32 : index
      %get3A_436 = tpu.vector_load %arg6[%get3A_434, %get3A_435] {strides = array<i32>} : memref<200x128xi32, #tpu.memory_space<vmem>>, vector<1x16xi32>,
      %get3A_437 = vector.shape_cast %get3A_436 : vector<1x16xi32> to vector<16xi32>
      %gt3A_438 = arith.constant 0 : i32
      %gt3A_439 = vector.broadcast %gt3A_438 : i32 to vector<16xi32>
      %gt3A_440 = arith.cmpi sgt, %get3A_437, %gt3A_439 : vector<16xi32>
      %jit3A_441 = arith.constant 1 : i32
      %jit3A_442 = arith.constant 0 : i32
      %broadcast_in_dim3A_443 = vector.broadcast %jit3A_441 : i32 to vector<16xi32>
      %broadcast_in_dim3A_444 = vector.broadcast %jit3A_442 : i32 to vector<16xi32>
      %select_n3A_445 = arith.select %gt3A_440, %broadcast_in_dim3A_443, %broadcast_in_dim3A_444 : vector<16xi1>, vector<16xi32>
      %mul3A_446 = arith.constant 2 : i32
      %mul3A_447 = arith.muli %add3A_133, %mul3A_446 : i32
      %add3A_448 = arith.constant 1 : i32
      %add3A_449 = arith.addi %mul3A_447, %add3A_448 : i32
      %swap3A_450 = arith.index_cast %add3A_449 : i32 to index
      %swap3A_451 = arith.constant 32 : index
      %swap3A_452 = tpu.vector_load %arg8[%swap3A_450, %swap3A_451] {strides = array<i32>} : memref<200x128xi32, #tpu.memory_space<vmem>>, vector<1x16xi32>,
      %swap3A_453 = vector.shape_cast %swap3A_452 : vector<1x16xi32> to vector<16xi32>
      %swap3A_454 = vector.shape_cast %select_n3A_445 : vector<16xi32> to vector<1x16xi32>
      tpu.vector_store %arg8[%swap3A_450, %swap3A_451], %swap3A_454 {strides = array<i32>} : memref<200x128xi32, #tpu.memory_space<vmem>>, vector<1x16xi32>,
      %mul3A_455 = arith.constant 2 : i32
      %mul3A_456 = arith.muli %add3A_133, %mul3A_455 : i32
      %add3A_457 = arith.constant 1 : i32
      %add3A_458 = arith.addi %mul3A_456, %add3A_457 : i32
      %get3A_459 = arith.index_cast %add3A_458 : i32 to index
      %get3A_460 = arith.constant 48 : index
      %get3A_461 = tpu.vector_load %arg6[%get3A_459, %get3A_460] {strides = array<i32>} : memref<200x128xi32, #tpu.memory_space<vmem>>, vector<1x16xi32>,
      %get3A_462 = vector.shape_cast %get3A_461 : vector<1x16xi32> to vector<16xi32>
      %gt3A_463 = arith.constant 0 : i32
      %gt3A_464 = vector.broadcast %gt3A_463 : i32 to vector<16xi32>
      %gt3A_465 = arith.cmpi sgt, %get3A_462, %gt3A_464 : vector<16xi32>
      %jit3A_466 = arith.constant 1 : i32
      %jit3A_467 = arith.constant 0 : i32
      %broadcast_in_dim3A_468 = vector.broadcast %jit3A_466 : i32 to vector<16xi32>
      %broadcast_in_dim3A_469 = vector.broadcast %jit3A_467 : i32 to vector<16xi32>
      %select_n3A_470 = arith.select %gt3A_465, %broadcast_in_dim3A_468, %broadcast_in_dim3A_469 : vector<16xi1>, vector<16xi32>
      %mul3A_471 = arith.constant 2 : i32
      %mul3A_472 = arith.muli %add3A_133, %mul3A_471 : i32
      %add3A_473 = arith.constant 1 : i32
      %add3A_474 = arith.addi %mul3A_472, %add3A_473 : i32
      %swap3A_475 = arith.index_cast %add3A_474 : i32 to index
      %swap3A_476 = arith.constant 48 : index
      %swap3A_477 = tpu.vector_load %arg8[%swap3A_475, %swap3A_476] {strides = array<i32>} : memref<200x128xi32, #tpu.memory_space<vmem>>, vector<1x16xi32>,
      %swap3A_478 = vector.shape_cast %swap3A_477 : vector<1x16xi32> to vector<16xi32>
      %swap3A_479 = vector.shape_cast %select_n3A_470 : vector<16xi32> to vector<1x16xi32>
      tpu.vector_store %arg8[%swap3A_475, %swap3A_476], %swap3A_479 {strides = array<i32>} : memref<200x128xi32, #tpu.memory_space<vmem>>, vector<1x16xi32>,
      %mul3A_480 = arith.constant 2 : i32
      %mul3A_481 = arith.muli %add3A_133, %mul3A_480 : i32
      %add3A_482 = arith.constant 1 : i32
      %add3A_483 = arith.addi %mul3A_481, %add3A_482 : i32
      %get3A_484 = arith.index_cast %add3A_483 : i32 to index
      %get3A_485 = arith.constant 64 : index
      %get3A_486 = tpu.vector_load %arg6[%get3A_484, %get3A_485] {strides = array<i32>} : memref<200x128xi32, #tpu.memory_space<vmem>>, vector<1x16xi32>,
      %get3A_487 = vector.shape_cast %get3A_486 : vector<1x16xi32> to vector<16xi32>
      %gt3A_488 = arith.constant 0 : i32
      %gt3A_489 = vector.broadcast %gt3A_488 : i32 to vector<16xi32>
      %gt3A_490 = arith.cmpi sgt, %get3A_487, %gt3A_489 : vector<16xi32>
      %jit3A_491 = arith.constant 1 : i32
      %jit3A_492 = arith.constant 0 : i32
      %broadcast_in_dim3A_493 = vector.broadcast %jit3A_491 : i32 to vector<16xi32>
      %broadcast_in_dim3A_494 = vector.broadcast %jit3A_492 : i32 to vector<16xi32>
      %select_n3A_495 = arith.select %gt3A_490, %broadcast_in_dim3A_493, %broadcast_in_dim3A_494 : vector<16xi1>, vector<16xi32>
      %mul3A_496 = arith.constant 2 : i32
      %mul3A_497 = arith.muli %add3A_133, %mul3A_496 : i32
      %add3A_498 = arith.constant 1 : i32
      %add3A_499 = arith.addi %mul3A_497, %add3A_498 : i32
      %swap3A_500 = arith.index_cast %add3A_499 : i32 to index
      %swap3A_501 = arith.constant 64 : index
      %swap3A_502 = tpu.vector_load %arg8[%swap3A_500, %swap3A_501] {strides = array<i32>} : memref<200x128xi32, #tpu.memory_space<vmem>>, vector<1x16xi32>,
      %swap3A_503 = vector.shape_cast %swap3A_502 : vector<1x16xi32> to vector<16xi32>
      %swap3A_504 = vector.shape_cast %select_n3A_495 : vector<16xi32> to vector<1x16xi32>
      tpu.vector_store %arg8[%swap3A_500, %swap3A_501], %swap3A_504 {strides = array<i32>} : memref<200x128xi32, #tpu.memory_space<vmem>>, vector<1x16xi32>,
      %mul3A_505 = arith.constant 2 : i32
      %mul3A_506 = arith.muli %add3A_133, %mul3A_505 : i32
      %add3A_507 = arith.constant 1 : i32
      %add3A_508 = arith.addi %mul3A_506, %add3A_507 : i32
      %get3A_509 = arith.index_cast %add3A_508 : i32 to index
      %get3A_510 = arith.constant 80 : index
      %get3A_511 = tpu.vector_load %arg6[%get3A_509, %get3A_510] {strides = array<i32>} : memref<200x128xi32, #tpu.memory_space<vmem>>, vector<1x16xi32>,
      %get3A_512 = vector.shape_cast %get3A_511 : vector<1x16xi32> to vector<16xi32>
      %gt3A_513 = arith.constant 0 : i32
      %gt3A_514 = vector.broadcast %gt3A_513 : i32 to vector<16xi32>
      %gt3A_515 = arith.cmpi sgt, %get3A_512, %gt3A_514 : vector<16xi32>
      %jit3A_516 = arith.constant 1 : i32
      %jit3A_517 = arith.constant 0 : i32
      %broadcast_in_dim3A_518 = vector.broadcast %jit3A_516 : i32 to vector<16xi32>
      %broadcast_in_dim3A_519 = vector.broadcast %jit3A_517 : i32 to vector<16xi32>
      %select_n3A_520 = arith.select %gt3A_515, %broadcast_in_dim3A_518, %broadcast_in_dim3A_519 : vector<16xi1>, vector<16xi32>
      %mul3A_521 = arith.constant 2 : i32
      %mul3A_522 = arith.muli %add3A_133, %mul3A_521 : i32
      %add3A_523 = arith.constant 1 : i32
      %add3A_524 = arith.addi %mul3A_522, %add3A_523 : i32
      %swap3A_525 = arith.index_cast %add3A_524 : i32 to index
      %swap3A_526 = arith.constant 80 : index
      %swap3A_527 = tpu.vector_load %arg8[%swap3A_525, %swap3A_526] {strides = array<i32>} : memref<200x128xi32, #tpu.memory_space<vmem>>, vector<1x16xi32>,
      %swap3A_528 = vector.shape_cast %swap3A_527 : vector<1x16xi32> to vector<16xi32>
      %swap3A_529 = vector.shape_cast %select_n3A_520 : vector<16xi32> to vector<1x16xi32>
      tpu.vector_store %arg8[%swap3A_525, %swap3A_526], %swap3A_529 {strides = array<i32>} : memref<200x128xi32, #tpu.memory_space<vmem>>, vector<1x16xi32>,
      %mul3A_530 = arith.constant 2 : i32
      %mul3A_531 = arith.muli %add3A_133, %mul3A_530 : i32
      %add3A_532 = arith.constant 1 : i32
      %add3A_533 = arith.addi %mul3A_531, %add3A_532 : i32
      %get3A_534 = arith.index_cast %add3A_533 : i32 to index
      %get3A_535 = arith.constant 96 : index
      %get3A_536 = tpu.vector_load %arg6[%get3A_534, %get3A_535] {strides = array<i32>} : memref<200x128xi32, #tpu.memory_space<vmem>>, vector<1x16xi32>,
      %get3A_537 = vector.shape_cast %get3A_536 : vector<1x16xi32> to vector<16xi32>
      %gt3A_538 = arith.constant 0 : i32
      %gt3A_539 = vector.broadcast %gt3A_538 : i32 to vector<16xi32>
      %gt3A_540 = arith.cmpi sgt, %get3A_537, %gt3A_539 : vector<16xi32>
      %jit3A_541 = arith.constant 1 : i32
      %jit3A_542 = arith.constant 0 : i32
      %broadcast_in_dim3A_543 = vector.broadcast %jit3A_541 : i32 to vector<16xi32>
      %broadcast_in_dim3A_544 = vector.broadcast %jit3A_542 : i32 to vector<16xi32>
      %select_n3A_545 = arith.select %gt3A_540, %broadcast_in_dim3A_543, %broadcast_in_dim3A_544 : vector<16xi1>, vector<16xi32>
      %mul3A_546 = arith.constant 2 : i32
      %mul3A_547 = arith.muli %add3A_133, %mul3A_546 : i32
      %add3A_548 = arith.constant 1 : i32
      %add3A_549 = arith.addi %mul3A_547, %add3A_548 : i32
      %swap3A_550 = arith.index_cast %add3A_549 : i32 to index
      %swap3A_551 = arith.constant 96 : index
      %swap3A_552 = tpu.vector_load %arg8[%swap3A_550, %swap3A_551] {strides = array<i32>} : memref<200x128xi32, #tpu.memory_space<vmem>>, vector<1x16xi32>,
      %swap3A_553 = vector.shape_cast %swap3A_552 : vector<1x16xi32> to vector<16xi32>
      %swap3A_554 = vector.shape_cast %select_n3A_545 : vector<16xi32> to vector<1x16xi32>
      tpu.vector_store %arg8[%swap3A_550, %swap3A_551], %swap3A_554 {strides = array<i32>} : memref<200x128xi32, #tpu.memory_space<vmem>>, vector<1x16xi32>,
      %mul3A_555 = arith.constant 2 : i32
      %mul3A_556 = arith.muli %add3A_133, %mul3A_555 : i32
      %add3A_557 = arith.constant 1 : i32
      %add3A_558 = arith.addi %mul3A_556, %add3A_557 : i32
      %get3A_559 = arith.index_cast %add3A_558 : i32 to index
      %get3A_560 = arith.constant 112 : index
      %get3A_561 = tpu.vector_load %arg6[%get3A_559, %get3A_560] {strides = array<i32>} : memref<200x128xi32, #tpu.memory_space<vmem>>, vector<1x16xi32>,
      %get3A_562 = vector.shape_cast %get3A_561 : vector<1x16xi32> to vector<16xi32>
      %gt3A_563 = arith.constant 0 : i32
      %gt3A_564 = vector.broadcast %gt3A_563 : i32 to vector<16xi32>
      %gt3A_565 = arith.cmpi sgt, %get3A_562, %gt3A_564 : vector<16xi32>
      %jit3A_566 = arith.constant 1 : i32
      %jit3A_567 = arith.constant 0 : i32
      %broadcast_in_dim3A_568 = vector.broadcast %jit3A_566 : i32 to vector<16xi32>
      %broadcast_in_dim3A_569 = vector.broadcast %jit3A_567 : i32 to vector<16xi32>
      %select_n3A_570 = arith.select %gt3A_565, %broadcast_in_dim3A_568, %broadcast_in_dim3A_569 : vector<16xi1>, vector<16xi32>
      %mul3A_571 = arith.constant 2 : i32
      %mul3A_572 = arith.muli %add3A_133, %mul3A_571 : i32
      %add3A_573 = arith.constant 1 : i32
      %add3A_574 = arith.addi %mul3A_572, %add3A_573 : i32
      %swap3A_575 = arith.index_cast %add3A_574 : i32 to index
      %swap3A_576 = arith.constant 112 : index
      %swap3A_577 = tpu.vector_load %arg8[%swap3A_575, %swap3A_576] {strides = array<i32>} : memref<200x128xi32, #tpu.memory_space<vmem>>, vector<1x16xi32>,
      %swap3A_578 = vector.shape_cast %swap3A_577 : vector<1x16xi32> to vector<16xi32>
      %swap3A_579 = vector.shape_cast %select_n3A_570 : vector<16xi32> to vector<1x16xi32>
      tpu.vector_store %arg8[%swap3A_575, %swap3A_576], %swap3A_579 {strides = array<i32>} : memref<200x128xi32, #tpu.memory_space<vmem>>, vector<1x16xi32>,
      %mul3A_580 = arith.constant 4 : i32
      %mul3A_581 = arith.muli %scan3A_129, %mul3A_580 : i32
      %add3A_582 = arith.constant 1 : i32
      %add3A_583 = arith.addi %mul3A_581, %add3A_582 : i32
      %gt3A_584 = arith.constant 0 : i32
      %gt3A_585 = arith.cmpi sgt, %scan3A_129, %gt3A_584 : i32
      %convert_element_type3A_586 = arith.extui %gt3A_585 : i1 to i32
      %cond3A_587 = arith.constant 0 : i32
      %cond3A_588 = arith.cmpi ne, %convert_element_type3A_586, %cond3A_587 : i32
      scf.if %cond3A_588 {
        %dma_wait3A_1960 = arith.constant 1 : i32
        %dma_wait3A_1961 = arith.constant 0 : i32
        %dma_wait3A_1962 = arith.constant 0 : i32
        %dma_wait3A_1963 = arith.constant 0 : i32
        %dma_wait3A_1964 = tpu.memref_slice %arg7[%dma_wait3A_1960, %dma_wait3A_1961, %dma_wait3A_1962, %dma_wait3A_1963] : memref<4x2x128x64xf32, #tpu.memory_space<vmem>> -> memref<1x2x128x64xf32, #tpu.memory_space<vmem>>
        %dma_wait3A_1965 = tpu.memref_squeeze %dma_wait3A_1964 : memref<1x2x128x64xf32, #tpu.memory_space<vmem>> -> memref<2x128x64xf32, #tpu.memory_space<vmem>>
        %dma_wait3A_1966 = arith.constant 0 : i32
        %dma_wait3A_1967 = arith.constant 0 : i32
        %dma_wait3A_1968 = tpu.memref_slice %arg4[%mul3A_2, %dma_wait3A_1966, %dma_wait3A_1967] : memref<6400x128x64xf32, #tpu.memory_space<hbm>> -> memref<2x128x64xf32, #tpu.memory_space<hbm>>
        %dma_wait3A_1969 = arith.constant 0 : i32
        %dma_wait3A_1970 = arith.constant 0 : i32
        %dma_wait3A_1971 = tpu.memref_slice %arg4[%mul3A_2, %dma_wait3A_1969, %dma_wait3A_1970] : memref<6400x128x64xf32, #tpu.memory_space<hbm>> -> memref<2x128x64xf32, #tpu.memory_space<hbm>>
        %dma_wait3A_1972 = arith.constant 0 : i32
        %dma_wait3A_1973 = arith.constant 0 : i32
        %dma_wait3A_1974 = arith.constant 0 : i32
        %dma_wait3A_1975 = tpu.memref_slice %arg7[%dma_wait3A_1960, %dma_wait3A_1972, %dma_wait3A_1973, %dma_wait3A_1974] : memref<4x2x128x64xf32, #tpu.memory_space<vmem>> -> memref<1x2x128x64xf32, #tpu.memory_space<vmem>>
        %dma_wait3A_1976 = tpu.memref_squeeze %dma_wait3A_1975 : memref<1x2x128x64xf32, #tpu.memory_space<vmem>> -> memref<2x128x64xf32, #tpu.memory_space<vmem>>
        tpu.wait_dma2 semaphore(%arg14 : memref<!tpu.dma_semaphore, #tpu.memory_space<semaphore_mem>>) src(%dma_wait3A_1976 : memref<2x128x64xf32, #tpu.memory_space<vmem>>) dst(%dma_wait3A_1971 : memref<2x128x64xf32, #tpu.memory_space<hbm>>)
      } else {
      }
      %mul3A_589 = arith.constant 2 : i32
      %mul3A_590 = arith.muli %add3A_583, %mul3A_589 : i32
      %add3A_591 = arith.constant 0 : i32
      %add3A_592 = arith.addi %mul3A_590, %add3A_591 : i32
      %dma_start3A_593 = arith.constant 1 : i32
      %dma_start3A_594 = arith.constant 0 : i32
      %dma_start3A_595 = arith.constant 0 : i32
      %dma_start3A_596 = arith.constant 0 : i32
      %dma_start3A_597 = arith.constant 0 : i32
      %dma_start3A_598 = tpu.memref_slice %arg7[%dma_start3A_593, %dma_start3A_595, %dma_start3A_596, %dma_start3A_597] : memref<4x2x128x64xf32, #tpu.memory_space<vmem>> -> memref<1x2x128x64xf32, #tpu.memory_space<vmem>>
      %dma_start3A_599 = tpu.memref_squeeze %dma_start3A_598 : memref<1x2x128x64xf32, #tpu.memory_space<vmem>> -> memref<2x128x64xf32, #tpu.memory_space<vmem>>
      %dma_start3A_600 = arith.constant 0 : i32
      %dma_start3A_601 = arith.constant 0 : i32
      %dma_start3A_602 = tpu.memref_slice %dma_start3A_599[%dma_start3A_594, %dma_start3A_600, %dma_start3A_601] : memref<2x128x64xf32, #tpu.memory_space<vmem>> -> memref<1x128x64xf32, #tpu.memory_space<vmem>>
      %dma_start3A_603 = tpu.memref_squeeze %dma_start3A_602 : memref<1x128x64xf32, #tpu.memory_space<vmem>> -> memref<128x64xf32, #tpu.memory_space<vmem>>
      %dma_start3A_604 = arith.constant 0 : i32
      %dma_start3A_605 = tpu.memref_slice %arg6[%add3A_592, %dma_start3A_604] : memref<200x128xi32, #tpu.memory_space<vmem>> -> memref<1x128xi32, #tpu.memory_space<vmem>>
      %dma_start3A_606 = tpu.memref_squeeze %dma_start3A_605 : memref<1x128xi32, #tpu.memory_space<vmem>> -> memref<128xi32, #tpu.memory_space<vmem>>
      %dma_start3A_607 = arith.constant 0 : i32
      %dma_start3A_608 = arith.constant 0 : i32
      %dma_start3A_609 = tpu.memref_slice %arg2[%dma_start3A_607, %dma_start3A_608] : memref<100000x64xf32, #tpu.memory_space<hbm>> -> memref<100000x64xf32, #tpu.memory_space<hbm>>
      tpu.enqueue_indirect_dma source(%dma_start3A_609 : memref<100000x64xf32, #tpu.memory_space<hbm>>) target(%dma_start3A_603 : memref<128x64xf32, #tpu.memory_space<vmem>>) offsets(%dma_start3A_606 : memref<128xi32, #tpu.memory_space<vmem>>) semaphore(%arg10 : memref<!tpu.dma_semaphore, #tpu.memory_space<semaphore_mem>>)
      %mul3A_610 = arith.constant 2 : i32
      %mul3A_611 = arith.muli %add3A_583, %mul3A_610 : i32
      %add3A_612 = arith.constant 1 : i32
      %add3A_613 = arith.addi %mul3A_611, %add3A_612 : i32
      %dma_start3A_614 = arith.constant 1 : i32
      %dma_start3A_615 = arith.constant 1 : i32
      %dma_start3A_616 = arith.constant 0 : i32
      %dma_start3A_617 = arith.constant 0 : i32
      %dma_start3A_618 = arith.constant 0 : i32
      %dma_start3A_619 = tpu.memref_slice %arg7[%dma_start3A_614, %dma_start3A_616, %dma_start3A_617, %dma_start3A_618] : memref<4x2x128x64xf32, #tpu.memory_space<vmem>> -> memref<1x2x128x64xf32, #tpu.memory_space<vmem>>
      %dma_start3A_620 = tpu.memref_squeeze %dma_start3A_619 : memref<1x2x128x64xf32, #tpu.memory_space<vmem>> -> memref<2x128x64xf32, #tpu.memory_space<vmem>>
      %dma_start3A_621 = arith.constant 0 : i32
      %dma_start3A_622 = arith.constant 0 : i32
      %dma_start3A_623 = tpu.memref_slice %dma_start3A_620[%dma_start3A_615, %dma_start3A_621, %dma_start3A_622] : memref<2x128x64xf32, #tpu.memory_space<vmem>> -> memref<1x128x64xf32, #tpu.memory_space<vmem>>
      %dma_start3A_624 = tpu.memref_squeeze %dma_start3A_623 : memref<1x128x64xf32, #tpu.memory_space<vmem>> -> memref<128x64xf32, #tpu.memory_space<vmem>>
      %dma_start3A_625 = arith.constant 0 : i32
      %dma_start3A_626 = tpu.memref_slice %arg6[%add3A_613, %dma_start3A_625] : memref<200x128xi32, #tpu.memory_space<vmem>> -> memref<1x128xi32, #tpu.memory_space<vmem>>
      %dma_start3A_627 = tpu.memref_squeeze %dma_start3A_626 : memref<1x128xi32, #tpu.memory_space<vmem>> -> memref<128xi32, #tpu.memory_space<vmem>>
      %dma_start3A_628 = arith.constant 0 : i32
      %dma_start3A_629 = arith.constant 0 : i32
      %dma_start3A_630 = tpu.memref_slice %arg2[%dma_start3A_628, %dma_start3A_629] : memref<100000x64xf32, #tpu.memory_space<hbm>> -> memref<100000x64xf32, #tpu.memory_space<hbm>>
      tpu.enqueue_indirect_dma source(%dma_start3A_630 : memref<100000x64xf32, #tpu.memory_space<hbm>>) target(%dma_start3A_624 : memref<128x64xf32, #tpu.memory_space<vmem>>) offsets(%dma_start3A_627 : memref<128xi32, #tpu.memory_space<vmem>>) semaphore(%arg10 : memref<!tpu.dma_semaphore, #tpu.memory_space<semaphore_mem>>)
      %sub3A_631 = arith.constant 1 : i32
      %sub3A_632 = arith.subi %add3A_583, %sub3A_631 : i32
      %gt3A_633 = arith.constant 0 : i32
      %gt3A_634 = arith.cmpi sgt, %scan3A_129, %gt3A_633 : i32
      %or3A_635 = arith.constant true
      %or3A_636 = arith.ori %gt3A_634, %or3A_635 : i1
      %convert_element_type3A_637 = arith.extui %or3A_636 : i1 to i32
      %cond3A_638 = arith.constant 0 : i32
      %cond3A_639 = arith.cmpi ne, %convert_element_type3A_637, %cond3A_638 : i32
      scf.if %cond3A_639 {
        %dma_wait3A_1960 = arith.constant 0 : i32
        %dma_wait3A_1961 = arith.constant 0 : i32
        %dma_wait3A_1962 = arith.constant 0 : i32
        %dma_wait3A_1963 = arith.constant 0 : i32
        %dma_wait3A_1964 = arith.constant 0 : i32
        %dma_wait3A_1965 = arith.constant 0 : i32
        %dma_wait3A_1966 = tpu.memref_slice %arg7[%dma_wait3A_1961, %dma_wait3A_1963, %dma_wait3A_1964, %dma_wait3A_1965] : memref<4x2x128x64xf32, #tpu.memory_space<vmem>> -> memref<1x2x128x64xf32, #tpu.memory_space<vmem>>
        %dma_wait3A_1967 = tpu.memref_squeeze %dma_wait3A_1966 : memref<1x2x128x64xf32, #tpu.memory_space<vmem>> -> memref<2x128x64xf32, #tpu.memory_space<vmem>>
        %dma_wait3A_1968 = arith.constant 0 : i32
        %dma_wait3A_1969 = arith.constant 0 : i32
        %dma_wait3A_1970 = tpu.memref_slice %dma_wait3A_1967[%dma_wait3A_1962, %dma_wait3A_1968, %dma_wait3A_1969] : memref<2x128x64xf32, #tpu.memory_space<vmem>> -> memref<1x128x64xf32, #tpu.memory_space<vmem>>
        %dma_wait3A_1971 = tpu.memref_squeeze %dma_wait3A_1970 : memref<1x128x64xf32, #tpu.memory_space<vmem>> -> memref<128x64xf32, #tpu.memory_space<vmem>>
        %dma_wait3A_1972 = arith.constant 0 : i32
        %dma_wait3A_1973 = tpu.memref_slice %arg6[%dma_wait3A_1960, %dma_wait3A_1972] : memref<200x128xi32, #tpu.memory_space<vmem>> -> memref<1x128xi32, #tpu.memory_space<vmem>>
        %dma_wait3A_1974 = tpu.memref_squeeze %dma_wait3A_1973 : memref<1x128xi32, #tpu.memory_space<vmem>> -> memref<128xi32, #tpu.memory_space<vmem>>
        %dma_wait3A_1975 = arith.constant 0 : i32
        %dma_wait3A_1976 = arith.constant 0 : i32
        %dma_wait3A_1977 = tpu.memref_slice %arg2[%dma_wait3A_1975, %dma_wait3A_1976] : memref<100000x64xf32, #tpu.memory_space<hbm>> -> memref<100000x64xf32, #tpu.memory_space<hbm>>
        tpu.wait_indirect_dma semaphore(%arg9 : memref<!tpu.dma_semaphore, #tpu.memory_space<semaphore_mem>>) src(%dma_wait3A_1977 : memref<100000x64xf32, #tpu.memory_space<hbm>>) dst(%dma_wait3A_1971 : memref<128x64xf32, #tpu.memory_space<vmem>>)
        %dma_wait3A_1978 = arith.constant 1 : i32
        %dma_wait3A_1979 = arith.constant 0 : i32
        %dma_wait3A_1980 = arith.constant 1 : i32
        %dma_wait3A_1981 = arith.constant 0 : i32
        %dma_wait3A_1982 = arith.constant 0 : i32
        %dma_wait3A_1983 = arith.constant 0 : i32
        %dma_wait3A_1984 = tpu.memref_slice %arg7[%dma_wait3A_1979, %dma_wait3A_1981, %dma_wait3A_1982, %dma_wait3A_1983] : memref<4x2x128x64xf32, #tpu.memory_space<vmem>> -> memref<1x2x128x64xf32, #tpu.memory_space<vmem>>
        %dma_wait3A_1985 = tpu.memref_squeeze %dma_wait3A_1984 : memref<1x2x128x64xf32, #tpu.memory_space<vmem>> -> memref<2x128x64xf32, #tpu.memory_space<vmem>>
        %dma_wait3A_1986 = arith.constant 0 : i32
        %dma_wait3A_1987 = arith.constant 0 : i32
        %dma_wait3A_1988 = tpu.memref_slice %dma_wait3A_1985[%dma_wait3A_1980, %dma_wait3A_1986, %dma_wait3A_1987] : memref<2x128x64xf32, #tpu.memory_space<vmem>> -> memref<1x128x64xf32, #tpu.memory_space<vmem>>
        %dma_wait3A_1989 = tpu.memref_squeeze %dma_wait3A_1988 : memref<1x128x64xf32, #tpu.memory_space<vmem>> -> memref<128x64xf32, #tpu.memory_space<vmem>>
        %dma_wait3A_1990 = arith.constant 0 : i32
        %dma_wait3A_1991 = tpu.memref_slice %arg6[%dma_wait3A_1978, %dma_wait3A_1990] : memref<200x128xi32, #tpu.memory_space<vmem>> -> memref<1x128xi32, #tpu.memory_space<vmem>>
        %dma_wait3A_1992 = tpu.memref_squeeze %dma_wait3A_1991 : memref<1x128xi32, #tpu.memory_space<vmem>> -> memref<128xi32, #tpu.memory_space<vmem>>
        %dma_wait3A_1993 = arith.constant 0 : i32
        %dma_wait3A_1994 = arith.constant 0 : i32
        %dma_wait3A_1995 = tpu.memref_slice %arg2[%dma_wait3A_1993, %dma_wait3A_1994] : memref<100000x64xf32, #tpu.memory_space<hbm>> -> memref<100000x64xf32, #tpu.memory_space<hbm>>
        tpu.wait_indirect_dma semaphore(%arg9 : memref<!tpu.dma_semaphore, #tpu.memory_space<semaphore_mem>>) src(%dma_wait3A_1995 : memref<100000x64xf32, #tpu.memory_space<hbm>>) dst(%dma_wait3A_1989 : memref<128x64xf32, #tpu.memory_space<vmem>>)
        %mul3A_1996 = arith.constant 2 : i32
        %mul3A_1997 = arith.muli %sub3A_632, %mul3A_1996 : i32
        %add3A_1998 = arith.addi %mul3A_2, %mul3A_1997 : i32
        %dma_start3A_1999 = arith.constant 0 : i32
        %dma_start3A_2000 = arith.constant 0 : i32
        %dma_start3A_2001 = arith.constant 0 : i32
        %dma_start3A_2002 = arith.constant 0 : i32
        %dma_start3A_2003 = tpu.memref_slice %arg7[%dma_start3A_1999, %dma_start3A_2000, %dma_start3A_2001, %dma_start3A_2002] : memref<4x2x128x64xf32, #tpu.memory_space<vmem>> -> memref<1x2x128x64xf32, #tpu.memory_space<vmem>>
        %dma_start3A_2004 = tpu.memref_squeeze %dma_start3A_2003 : memref<1x2x128x64xf32, #tpu.memory_space<vmem>> -> memref<2x128x64xf32, #tpu.memory_space<vmem>>
        %dma_start3A_2005 = arith.constant 0 : i32
        %dma_start3A_2006 = arith.constant 0 : i32
        %dma_start3A_2007 = tpu.memref_slice %arg4[%add3A_1998, %dma_start3A_2005, %dma_start3A_2006] : memref<6400x128x64xf32, #tpu.memory_space<hbm>> -> memref<2x128x64xf32, #tpu.memory_space<hbm>>
        %dma_start3A_2008 = arith.constant 0 : i32
        %dma_start3A_2009 = arith.constant 0 : i32
        %dma_start3A_2010 = tpu.memref_slice %arg4[%add3A_1998, %dma_start3A_2008, %dma_start3A_2009] : memref<6400x128x64xf32, #tpu.memory_space<hbm>> -> memref<2x128x64xf32, #tpu.memory_space<hbm>>
        %dma_start3A_2011 = arith.constant 0 : i32
        %dma_start3A_2012 = arith.constant 0 : i32
        %dma_start3A_2013 = arith.constant 0 : i32
        %dma_start3A_2014 = tpu.memref_slice %arg7[%dma_start3A_1999, %dma_start3A_2011, %dma_start3A_2012, %dma_start3A_2013] : memref<4x2x128x64xf32, #tpu.memory_space<vmem>> -> memref<1x2x128x64xf32, #tpu.memory_space<vmem>>
        %dma_start3A_2015 = tpu.memref_squeeze %dma_start3A_2014 : memref<1x2x128x64xf32, #tpu.memory_space<vmem>> -> memref<2x128x64xf32, #tpu.memory_space<vmem>>
        tpu.enqueue_dma source(%dma_start3A_2015 : memref<2x128x64xf32, #tpu.memory_space<vmem>>) target(%dma_start3A_2010 : memref<2x128x64xf32, #tpu.memory_space<hbm>>) target_semaphore(%arg13 : memref<!tpu.dma_semaphore, #tpu.memory_space<semaphore_mem>>)
      } else {
      }
      %mul3A_640 = arith.constant 2 : i32
      %mul3A_641 = arith.muli %add3A_583, %mul3A_640 : i32
      %add3A_642 = arith.constant 0 : i32
      %add3A_643 = arith.addi %mul3A_641, %add3A_642 : i32
      %get3A_644 = arith.index_cast %add3A_643 : i32 to index
      %get3A_645 = arith.constant 0 : index
      %get3A_646 = tpu.vector_load %arg6[%get3A_644, %get3A_645] {strides = array<i32>} : memref<200x128xi32, #tpu.memory_space<vmem>>, vector<1x16xi32>,
      %get3A_647 = vector.shape_cast %get3A_646 : vector<1x16xi32> to vector<16xi32>
      %gt3A_648 = arith.constant 0 : i32
      %gt3A_649 = vector.broadcast %gt3A_648 : i32 to vector<16xi32>
      %gt3A_650 = arith.cmpi sgt, %get3A_647, %gt3A_649 : vector<16xi32>
      %jit3A_651 = arith.constant 1 : i32
      %jit3A_652 = arith.constant 0 : i32
      %broadcast_in_dim3A_653 = vector.broadcast %jit3A_651 : i32 to vector<16xi32>
      %broadcast_in_dim3A_654 = vector.broadcast %jit3A_652 : i32 to vector<16xi32>
      %select_n3A_655 = arith.select %gt3A_650, %broadcast_in_dim3A_653, %broadcast_in_dim3A_654 : vector<16xi1>, vector<16xi32>
      %mul3A_656 = arith.constant 2 : i32
      %mul3A_657 = arith.muli %add3A_583, %mul3A_656 : i32
      %add3A_658 = arith.constant 0 : i32
      %add3A_659 = arith.addi %mul3A_657, %add3A_658 : i32
      %swap3A_660 = arith.index_cast %add3A_659 : i32 to index
      %swap3A_661 = arith.constant 0 : index
      %swap3A_662 = tpu.vector_load %arg8[%swap3A_660, %swap3A_661] {strides = array<i32>} : memref<200x128xi32, #tpu.memory_space<vmem>>, vector<1x16xi32>,
      %swap3A_663 = vector.shape_cast %swap3A_662 : vector<1x16xi32> to vector<16xi32>
      %swap3A_664 = vector.shape_cast %select_n3A_655 : vector<16xi32> to vector<1x16xi32>
      tpu.vector_store %arg8[%swap3A_660, %swap3A_661], %swap3A_664 {strides = array<i32>} : memref<200x128xi32, #tpu.memory_space<vmem>>, vector<1x16xi32>,
      %mul3A_665 = arith.constant 2 : i32
      %mul3A_666 = arith.muli %add3A_583, %mul3A_665 : i32
      %add3A_667 = arith.constant 0 : i32
      %add3A_668 = arith.addi %mul3A_666, %add3A_667 : i32
      %get3A_669 = arith.index_cast %add3A_668 : i32 to index
      %get3A_670 = arith.constant 16 : index
      %get3A_671 = tpu.vector_load %arg6[%get3A_669, %get3A_670] {strides = array<i32>} : memref<200x128xi32, #tpu.memory_space<vmem>>, vector<1x16xi32>,
      %get3A_672 = vector.shape_cast %get3A_671 : vector<1x16xi32> to vector<16xi32>
      %gt3A_673 = arith.constant 0 : i32
      %gt3A_674 = vector.broadcast %gt3A_673 : i32 to vector<16xi32>
      %gt3A_675 = arith.cmpi sgt, %get3A_672, %gt3A_674 : vector<16xi32>
      %jit3A_676 = arith.constant 1 : i32
      %jit3A_677 = arith.constant 0 : i32
      %broadcast_in_dim3A_678 = vector.broadcast %jit3A_676 : i32 to vector<16xi32>
      %broadcast_in_dim3A_679 = vector.broadcast %jit3A_677 : i32 to vector<16xi32>
      %select_n3A_680 = arith.select %gt3A_675, %broadcast_in_dim3A_678, %broadcast_in_dim3A_679 : vector<16xi1>, vector<16xi32>
      %mul3A_681 = arith.constant 2 : i32
      %mul3A_682 = arith.muli %add3A_583, %mul3A_681 : i32
      %add3A_683 = arith.constant 0 : i32
      %add3A_684 = arith.addi %mul3A_682, %add3A_683 : i32
      %swap3A_685 = arith.index_cast %add3A_684 : i32 to index
      %swap3A_686 = arith.constant 16 : index
      %swap3A_687 = tpu.vector_load %arg8[%swap3A_685, %swap3A_686] {strides = array<i32>} : memref<200x128xi32, #tpu.memory_space<vmem>>, vector<1x16xi32>,
      %swap3A_688 = vector.shape_cast %swap3A_687 : vector<1x16xi32> to vector<16xi32>
      %swap3A_689 = vector.shape_cast %select_n3A_680 : vector<16xi32> to vector<1x16xi32>
      tpu.vector_store %arg8[%swap3A_685, %swap3A_686], %swap3A_689 {strides = array<i32>} : memref<200x128xi32, #tpu.memory_space<vmem>>, vector<1x16xi32>,
      %mul3A_690 = arith.constant 2 : i32
      %mul3A_691 = arith.muli %add3A_583, %mul3A_690 : i32
      %add3A_692 = arith.constant 0 : i32
      %add3A_693 = arith.addi %mul3A_691, %add3A_692 : i32
      %get3A_694 = arith.index_cast %add3A_693 : i32 to index
      %get3A_695 = arith.constant 32 : index
      %get3A_696 = tpu.vector_load %arg6[%get3A_694, %get3A_695] {strides = array<i32>} : memref<200x128xi32, #tpu.memory_space<vmem>>, vector<1x16xi32>,
      %get3A_697 = vector.shape_cast %get3A_696 : vector<1x16xi32> to vector<16xi32>
      %gt3A_698 = arith.constant 0 : i32
      %gt3A_699 = vector.broadcast %gt3A_698 : i32 to vector<16xi32>
      %gt3A_700 = arith.cmpi sgt, %get3A_697, %gt3A_699 : vector<16xi32>
      %jit3A_701 = arith.constant 1 : i32
      %jit3A_702 = arith.constant 0 : i32
      %broadcast_in_dim3A_703 = vector.broadcast %jit3A_701 : i32 to vector<16xi32>
      %broadcast_in_dim3A_704 = vector.broadcast %jit3A_702 : i32 to vector<16xi32>
      %select_n3A_705 = arith.select %gt3A_700, %broadcast_in_dim3A_703, %broadcast_in_dim3A_704 : vector<16xi1>, vector<16xi32>
      %mul3A_706 = arith.constant 2 : i32
      %mul3A_707 = arith.muli %add3A_583, %mul3A_706 : i32
      %add3A_708 = arith.constant 0 : i32
      %add3A_709 = arith.addi %mul3A_707, %add3A_708 : i32
      %swap3A_710 = arith.index_cast %add3A_709 : i32 to index
      %swap3A_711 = arith.constant 32 : index
      %swap3A_712 = tpu.vector_load %arg8[%swap3A_710, %swap3A_711] {strides = array<i32>} : memref<200x128xi32, #tpu.memory_space<vmem>>, vector<1x16xi32>,
      %swap3A_713 = vector.shape_cast %swap3A_712 : vector<1x16xi32> to vector<16xi32>
      %swap3A_714 = vector.shape_cast %select_n3A_705 : vector<16xi32> to vector<1x16xi32>
      tpu.vector_store %arg8[%swap3A_710, %swap3A_711], %swap3A_714 {strides = array<i32>} : memref<200x128xi32, #tpu.memory_space<vmem>>, vector<1x16xi32>,
      %mul3A_715 = arith.constant 2 : i32
      %mul3A_716 = arith.muli %add3A_583, %mul3A_715 : i32
      %add3A_717 = arith.constant 0 : i32
      %add3A_718 = arith.addi %mul3A_716, %add3A_717 : i32
      %get3A_719 = arith.index_cast %add3A_718 : i32 to index
      %get3A_720 = arith.constant 48 : index
      %get3A_721 = tpu.vector_load %arg6[%get3A_719, %get3A_720] {strides = array<i32>} : memref<200x128xi32, #tpu.memory_space<vmem>>, vector<1x16xi32>,
      %get3A_722 = vector.shape_cast %get3A_721 : vector<1x16xi32> to vector<16xi32>
      %gt3A_723 = arith.constant 0 : i32
      %gt3A_724 = vector.broadcast %gt3A_723 : i32 to vector<16xi32>
      %gt3A_725 = arith.cmpi sgt, %get3A_722, %gt3A_724 : vector<16xi32>
      %jit3A_726 = arith.constant 1 : i32
      %jit3A_727 = arith.constant 0 : i32
      %broadcast_in_dim3A_728 = vector.broadcast %jit3A_726 : i32 to vector<16xi32>
      %broadcast_in_dim3A_729 = vector.broadcast %jit3A_727 : i32 to vector<16xi32>
      %select_n3A_730 = arith.select %gt3A_725, %broadcast_in_dim3A_728, %broadcast_in_dim3A_729 : vector<16xi1>, vector<16xi32>
      %mul3A_731 = arith.constant 2 : i32
      %mul3A_732 = arith.muli %add3A_583, %mul3A_731 : i32
      %add3A_733 = arith.constant 0 : i32
      %add3A_734 = arith.addi %mul3A_732, %add3A_733 : i32
      %swap3A_735 = arith.index_cast %add3A_734 : i32 to index
      %swap3A_736 = arith.constant 48 : index
      %swap3A_737 = tpu.vector_load %arg8[%swap3A_735, %swap3A_736] {strides = array<i32>} : memref<200x128xi32, #tpu.memory_space<vmem>>, vector<1x16xi32>,
      %swap3A_738 = vector.shape_cast %swap3A_737 : vector<1x16xi32> to vector<16xi32>
      %swap3A_739 = vector.shape_cast %select_n3A_730 : vector<16xi32> to vector<1x16xi32>
      tpu.vector_store %arg8[%swap3A_735, %swap3A_736], %swap3A_739 {strides = array<i32>} : memref<200x128xi32, #tpu.memory_space<vmem>>, vector<1x16xi32>,
      %mul3A_740 = arith.constant 2 : i32
      %mul3A_741 = arith.muli %add3A_583, %mul3A_740 : i32
      %add3A_742 = arith.constant 0 : i32
      %add3A_743 = arith.addi %mul3A_741, %add3A_742 : i32
      %get3A_744 = arith.index_cast %add3A_743 : i32 to index
      %get3A_745 = arith.constant 64 : index
      %get3A_746 = tpu.vector_load %arg6[%get3A_744, %get3A_745] {strides = array<i32>} : memref<200x128xi32, #tpu.memory_space<vmem>>, vector<1x16xi32>,
      %get3A_747 = vector.shape_cast %get3A_746 : vector<1x16xi32> to vector<16xi32>
      %gt3A_748 = arith.constant 0 : i32
      %gt3A_749 = vector.broadcast %gt3A_748 : i32 to vector<16xi32>
      %gt3A_750 = arith.cmpi sgt, %get3A_747, %gt3A_749 : vector<16xi32>
      %jit3A_751 = arith.constant 1 : i32
      %jit3A_752 = arith.constant 0 : i32
      %broadcast_in_dim3A_753 = vector.broadcast %jit3A_751 : i32 to vector<16xi32>
      %broadcast_in_dim3A_754 = vector.broadcast %jit3A_752 : i32 to vector<16xi32>
      %select_n3A_755 = arith.select %gt3A_750, %broadcast_in_dim3A_753, %broadcast_in_dim3A_754 : vector<16xi1>, vector<16xi32>
      %mul3A_756 = arith.constant 2 : i32
      %mul3A_757 = arith.muli %add3A_583, %mul3A_756 : i32
      %add3A_758 = arith.constant 0 : i32
      %add3A_759 = arith.addi %mul3A_757, %add3A_758 : i32
      %swap3A_760 = arith.index_cast %add3A_759 : i32 to index
      %swap3A_761 = arith.constant 64 : index
      %swap3A_762 = tpu.vector_load %arg8[%swap3A_760, %swap3A_761] {strides = array<i32>} : memref<200x128xi32, #tpu.memory_space<vmem>>, vector<1x16xi32>,
      %swap3A_763 = vector.shape_cast %swap3A_762 : vector<1x16xi32> to vector<16xi32>
      %swap3A_764 = vector.shape_cast %select_n3A_755 : vector<16xi32> to vector<1x16xi32>
      tpu.vector_store %arg8[%swap3A_760, %swap3A_761], %swap3A_764 {strides = array<i32>} : memref<200x128xi32, #tpu.memory_space<vmem>>, vector<1x16xi32>,
      %mul3A_765 = arith.constant 2 : i32
      %mul3A_766 = arith.muli %add3A_583, %mul3A_765 : i32
      %add3A_767 = arith.constant 0 : i32
      %add3A_768 = arith.addi %mul3A_766, %add3A_767 : i32
      %get3A_769 = arith.index_cast %add3A_768 : i32 to index
      %get3A_770 = arith.constant 80 : index
      %get3A_771 = tpu.vector_load %arg6[%get3A_769, %get3A_770] {strides = array<i32>} : memref<200x128xi32, #tpu.memory_space<vmem>>, vector<1x16xi32>,
      %get3A_772 = vector.shape_cast %get3A_771 : vector<1x16xi32> to vector<16xi32>
      %gt3A_773 = arith.constant 0 : i32
      %gt3A_774 = vector.broadcast %gt3A_773 : i32 to vector<16xi32>
      %gt3A_775 = arith.cmpi sgt, %get3A_772, %gt3A_774 : vector<16xi32>
      %jit3A_776 = arith.constant 1 : i32
      %jit3A_777 = arith.constant 0 : i32
      %broadcast_in_dim3A_778 = vector.broadcast %jit3A_776 : i32 to vector<16xi32>
      %broadcast_in_dim3A_779 = vector.broadcast %jit3A_777 : i32 to vector<16xi32>
      %select_n3A_780 = arith.select %gt3A_775, %broadcast_in_dim3A_778, %broadcast_in_dim3A_779 : vector<16xi1>, vector<16xi32>
      %mul3A_781 = arith.constant 2 : i32
      %mul3A_782 = arith.muli %add3A_583, %mul3A_781 : i32
      %add3A_783 = arith.constant 0 : i32
      %add3A_784 = arith.addi %mul3A_782, %add3A_783 : i32
      %swap3A_785 = arith.index_cast %add3A_784 : i32 to index
      %swap3A_786 = arith.constant 80 : index
      %swap3A_787 = tpu.vector_load %arg8[%swap3A_785, %swap3A_786] {strides = array<i32>} : memref<200x128xi32, #tpu.memory_space<vmem>>, vector<1x16xi32>,
      %swap3A_788 = vector.shape_cast %swap3A_787 : vector<1x16xi32> to vector<16xi32>
      %swap3A_789 = vector.shape_cast %select_n3A_780 : vector<16xi32> to vector<1x16xi32>
      tpu.vector_store %arg8[%swap3A_785, %swap3A_786], %swap3A_789 {strides = array<i32>} : memref<200x128xi32, #tpu.memory_space<vmem>>, vector<1x16xi32>,
      %mul3A_790 = arith.constant 2 : i32
      %mul3A_791 = arith.muli %add3A_583, %mul3A_790 : i32
      %add3A_792 = arith.constant 0 : i32
      %add3A_793 = arith.addi %mul3A_791, %add3A_792 : i32
      %get3A_794 = arith.index_cast %add3A_793 : i32 to index
      %get3A_795 = arith.constant 96 : index
      %get3A_796 = tpu.vector_load %arg6[%get3A_794, %get3A_795] {strides = array<i32>} : memref<200x128xi32, #tpu.memory_space<vmem>>, vector<1x16xi32>,
      %get3A_797 = vector.shape_cast %get3A_796 : vector<1x16xi32> to vector<16xi32>
      %gt3A_798 = arith.constant 0 : i32
      %gt3A_799 = vector.broadcast %gt3A_798 : i32 to vector<16xi32>
      %gt3A_800 = arith.cmpi sgt, %get3A_797, %gt3A_799 : vector<16xi32>
      %jit3A_801 = arith.constant 1 : i32
      %jit3A_802 = arith.constant 0 : i32
      %broadcast_in_dim3A_803 = vector.broadcast %jit3A_801 : i32 to vector<16xi32>
      %broadcast_in_dim3A_804 = vector.broadcast %jit3A_802 : i32 to vector<16xi32>
      %select_n3A_805 = arith.select %gt3A_800, %broadcast_in_dim3A_803, %broadcast_in_dim3A_804 : vector<16xi1>, vector<16xi32>
      %mul3A_806 = arith.constant 2 : i32
      %mul3A_807 = arith.muli %add3A_583, %mul3A_806 : i32
      %add3A_808 = arith.constant 0 : i32
      %add3A_809 = arith.addi %mul3A_807, %add3A_808 : i32
      %swap3A_810 = arith.index_cast %add3A_809 : i32 to index
      %swap3A_811 = arith.constant 96 : index
      %swap3A_812 = tpu.vector_load %arg8[%swap3A_810, %swap3A_811] {strides = array<i32>} : memref<200x128xi32, #tpu.memory_space<vmem>>, vector<1x16xi32>,
      %swap3A_813 = vector.shape_cast %swap3A_812 : vector<1x16xi32> to vector<16xi32>
      %swap3A_814 = vector.shape_cast %select_n3A_805 : vector<16xi32> to vector<1x16xi32>
      tpu.vector_store %arg8[%swap3A_810, %swap3A_811], %swap3A_814 {strides = array<i32>} : memref<200x128xi32, #tpu.memory_space<vmem>>, vector<1x16xi32>,
      %mul3A_815 = arith.constant 2 : i32
      %mul3A_816 = arith.muli %add3A_583, %mul3A_815 : i32
      %add3A_817 = arith.constant 0 : i32
      %add3A_818 = arith.addi %mul3A_816, %add3A_817 : i32
      %get3A_819 = arith.index_cast %add3A_818 : i32 to index
      %get3A_820 = arith.constant 112 : index
      %get3A_821 = tpu.vector_load %arg6[%get3A_819, %get3A_820] {strides = array<i32>} : memref<200x128xi32, #tpu.memory_space<vmem>>, vector<1x16xi32>,
      %get3A_822 = vector.shape_cast %get3A_821 : vector<1x16xi32> to vector<16xi32>
      %gt3A_823 = arith.constant 0 : i32
      %gt3A_824 = vector.broadcast %gt3A_823 : i32 to vector<16xi32>
      %gt3A_825 = arith.cmpi sgt, %get3A_822, %gt3A_824 : vector<16xi32>
      %jit3A_826 = arith.constant 1 : i32
      %jit3A_827 = arith.constant 0 : i32
      %broadcast_in_dim3A_828 = vector.broadcast %jit3A_826 : i32 to vector<16xi32>
      %broadcast_in_dim3A_829 = vector.broadcast %jit3A_827 : i32 to vector<16xi32>
      %select_n3A_830 = arith.select %gt3A_825, %broadcast_in_dim3A_828, %broadcast_in_dim3A_829 : vector<16xi1>, vector<16xi32>
      %mul3A_831 = arith.constant 2 : i32
      %mul3A_832 = arith.muli %add3A_583, %mul3A_831 : i32
      %add3A_833 = arith.constant 0 : i32
      %add3A_834 = arith.addi %mul3A_832, %add3A_833 : i32
      %swap3A_835 = arith.index_cast %add3A_834 : i32 to index
      %swap3A_836 = arith.constant 112 : index
      %swap3A_837 = tpu.vector_load %arg8[%swap3A_835, %swap3A_836] {strides = array<i32>} : memref<200x128xi32, #tpu.memory_space<vmem>>, vector<1x16xi32>,
      %swap3A_838 = vector.shape_cast %swap3A_837 : vector<1x16xi32> to vector<16xi32>
      %swap3A_839 = vector.shape_cast %select_n3A_830 : vector<16xi32> to vector<1x16xi32>
      tpu.vector_store %arg8[%swap3A_835, %swap3A_836], %swap3A_839 {strides = array<i32>} : memref<200x128xi32, #tpu.memory_space<vmem>>, vector<1x16xi32>,
      %mul3A_840 = arith.constant 2 : i32
      %mul3A_841 = arith.muli %add3A_583, %mul3A_840 : i32
      %add3A_842 = arith.constant 1 : i32
      %add3A_843 = arith.addi %mul3A_841, %add3A_842 : i32
      %get3A_844 = arith.index_cast %add3A_843 : i32 to index
      %get3A_845 = arith.constant 0 : index
      %get3A_846 = tpu.vector_load %arg6[%get3A_844, %get3A_845] {strides = array<i32>} : memref<200x128xi32, #tpu.memory_space<vmem>>, vector<1x16xi32>,
      %get3A_847 = vector.shape_cast %get3A_846 : vector<1x16xi32> to vector<16xi32>
      %gt3A_848 = arith.constant 0 : i32
      %gt3A_849 = vector.broadcast %gt3A_848 : i32 to vector<16xi32>
      %gt3A_850 = arith.cmpi sgt, %get3A_847, %gt3A_849 : vector<16xi32>
      %jit3A_851 = arith.constant 1 : i32
      %jit3A_852 = arith.constant 0 : i32
      %broadcast_in_dim3A_853 = vector.broadcast %jit3A_851 : i32 to vector<16xi32>
      %broadcast_in_dim3A_854 = vector.broadcast %jit3A_852 : i32 to vector<16xi32>
      %select_n3A_855 = arith.select %gt3A_850, %broadcast_in_dim3A_853, %broadcast_in_dim3A_854 : vector<16xi1>, vector<16xi32>
      %mul3A_856 = arith.constant 2 : i32
      %mul3A_857 = arith.muli %add3A_583, %mul3A_856 : i32
      %add3A_858 = arith.constant 1 : i32
      %add3A_859 = arith.addi %mul3A_857, %add3A_858 : i32
      %swap3A_860 = arith.index_cast %add3A_859 : i32 to index
      %swap3A_861 = arith.constant 0 : index
      %swap3A_862 = tpu.vector_load %arg8[%swap3A_860, %swap3A_861] {strides = array<i32>} : memref<200x128xi32, #tpu.memory_space<vmem>>, vector<1x16xi32>,
      %swap3A_863 = vector.shape_cast %swap3A_862 : vector<1x16xi32> to vector<16xi32>
      %swap3A_864 = vector.shape_cast %select_n3A_855 : vector<16xi32> to vector<1x16xi32>
      tpu.vector_store %arg8[%swap3A_860, %swap3A_861], %swap3A_864 {strides = array<i32>} : memref<200x128xi32, #tpu.memory_space<vmem>>, vector<1x16xi32>,
      %mul3A_865 = arith.constant 2 : i32
      %mul3A_866 = arith.muli %add3A_583, %mul3A_865 : i32
      %add3A_867 = arith.constant 1 : i32
      %add3A_868 = arith.addi %mul3A_866, %add3A_867 : i32
      %get3A_869 = arith.index_cast %add3A_868 : i32 to index
      %get3A_870 = arith.constant 16 : index
      %get3A_871 = tpu.vector_load %arg6[%get3A_869, %get3A_870] {strides = array<i32>} : memref<200x128xi32, #tpu.memory_space<vmem>>, vector<1x16xi32>,
      %get3A_872 = vector.shape_cast %get3A_871 : vector<1x16xi32> to vector<16xi32>
      %gt3A_873 = arith.constant 0 : i32
      %gt3A_874 = vector.broadcast %gt3A_873 : i32 to vector<16xi32>
      %gt3A_875 = arith.cmpi sgt, %get3A_872, %gt3A_874 : vector<16xi32>
      %jit3A_876 = arith.constant 1 : i32
      %jit3A_877 = arith.constant 0 : i32
      %broadcast_in_dim3A_878 = vector.broadcast %jit3A_876 : i32 to vector<16xi32>
      %broadcast_in_dim3A_879 = vector.broadcast %jit3A_877 : i32 to vector<16xi32>
      %select_n3A_880 = arith.select %gt3A_875, %broadcast_in_dim3A_878, %broadcast_in_dim3A_879 : vector<16xi1>, vector<16xi32>
      %mul3A_881 = arith.constant 2 : i32
      %mul3A_882 = arith.muli %add3A_583, %mul3A_881 : i32
      %add3A_883 = arith.constant 1 : i32
      %add3A_884 = arith.addi %mul3A_882, %add3A_883 : i32
      %swap3A_885 = arith.index_cast %add3A_884 : i32 to index
      %swap3A_886 = arith.constant 16 : index
      %swap3A_887 = tpu.vector_load %arg8[%swap3A_885, %swap3A_886] {strides = array<i32>} : memref<200x128xi32, #tpu.memory_space<vmem>>, vector<1x16xi32>,
      %swap3A_888 = vector.shape_cast %swap3A_887 : vector<1x16xi32> to vector<16xi32>
      %swap3A_889 = vector.shape_cast %select_n3A_880 : vector<16xi32> to vector<1x16xi32>
      tpu.vector_store %arg8[%swap3A_885, %swap3A_886], %swap3A_889 {strides = array<i32>} : memref<200x128xi32, #tpu.memory_space<vmem>>, vector<1x16xi32>,
      %mul3A_890 = arith.constant 2 : i32
      %mul3A_891 = arith.muli %add3A_583, %mul3A_890 : i32
      %add3A_892 = arith.constant 1 : i32
      %add3A_893 = arith.addi %mul3A_891, %add3A_892 : i32
      %get3A_894 = arith.index_cast %add3A_893 : i32 to index
      %get3A_895 = arith.constant 32 : index
      %get3A_896 = tpu.vector_load %arg6[%get3A_894, %get3A_895] {strides = array<i32>} : memref<200x128xi32, #tpu.memory_space<vmem>>, vector<1x16xi32>,
      %get3A_897 = vector.shape_cast %get3A_896 : vector<1x16xi32> to vector<16xi32>
      %gt3A_898 = arith.constant 0 : i32
      %gt3A_899 = vector.broadcast %gt3A_898 : i32 to vector<16xi32>
      %gt3A_900 = arith.cmpi sgt, %get3A_897, %gt3A_899 : vector<16xi32>
      %jit3A_901 = arith.constant 1 : i32
      %jit3A_902 = arith.constant 0 : i32
      %broadcast_in_dim3A_903 = vector.broadcast %jit3A_901 : i32 to vector<16xi32>
      %broadcast_in_dim3A_904 = vector.broadcast %jit3A_902 : i32 to vector<16xi32>
      %select_n3A_905 = arith.select %gt3A_900, %broadcast_in_dim3A_903, %broadcast_in_dim3A_904 : vector<16xi1>, vector<16xi32>
      %mul3A_906 = arith.constant 2 : i32
      %mul3A_907 = arith.muli %add3A_583, %mul3A_906 : i32
      %add3A_908 = arith.constant 1 : i32
      %add3A_909 = arith.addi %mul3A_907, %add3A_908 : i32
      %swap3A_910 = arith.index_cast %add3A_909 : i32 to index
      %swap3A_911 = arith.constant 32 : index
      %swap3A_912 = tpu.vector_load %arg8[%swap3A_910, %swap3A_911] {strides = array<i32>} : memref<200x128xi32, #tpu.memory_space<vmem>>, vector<1x16xi32>,
      %swap3A_913 = vector.shape_cast %swap3A_912 : vector<1x16xi32> to vector<16xi32>
      %swap3A_914 = vector.shape_cast %select_n3A_905 : vector<16xi32> to vector<1x16xi32>
      tpu.vector_store %arg8[%swap3A_910, %swap3A_911], %swap3A_914 {strides = array<i32>} : memref<200x128xi32, #tpu.memory_space<vmem>>, vector<1x16xi32>,
      %mul3A_915 = arith.constant 2 : i32
      %mul3A_916 = arith.muli %add3A_583, %mul3A_915 : i32
      %add3A_917 = arith.constant 1 : i32
      %add3A_918 = arith.addi %mul3A_916, %add3A_917 : i32
      %get3A_919 = arith.index_cast %add3A_918 : i32 to index
      %get3A_920 = arith.constant 48 : index
      %get3A_921 = tpu.vector_load %arg6[%get3A_919, %get3A_920] {strides = array<i32>} : memref<200x128xi32, #tpu.memory_space<vmem>>, vector<1x16xi32>,
      %get3A_922 = vector.shape_cast %get3A_921 : vector<1x16xi32> to vector<16xi32>
      %gt3A_923 = arith.constant 0 : i32
      %gt3A_924 = vector.broadcast %gt3A_923 : i32 to vector<16xi32>
      %gt3A_925 = arith.cmpi sgt, %get3A_922, %gt3A_924 : vector<16xi32>
      %jit3A_926 = arith.constant 1 : i32
      %jit3A_927 = arith.constant 0 : i32
      %broadcast_in_dim3A_928 = vector.broadcast %jit3A_926 : i32 to vector<16xi32>
      %broadcast_in_dim3A_929 = vector.broadcast %jit3A_927 : i32 to vector<16xi32>
      %select_n3A_930 = arith.select %gt3A_925, %broadcast_in_dim3A_928, %broadcast_in_dim3A_929 : vector<16xi1>, vector<16xi32>
      %mul3A_931 = arith.constant 2 : i32
      %mul3A_932 = arith.muli %add3A_583, %mul3A_931 : i32
      %add3A_933 = arith.constant 1 : i32
      %add3A_934 = arith.addi %mul3A_932, %add3A_933 : i32
      %swap3A_935 = arith.index_cast %add3A_934 : i32 to index
      %swap3A_936 = arith.constant 48 : index
      %swap3A_937 = tpu.vector_load %arg8[%swap3A_935, %swap3A_936] {strides = array<i32>} : memref<200x128xi32, #tpu.memory_space<vmem>>, vector<1x16xi32>,
      %swap3A_938 = vector.shape_cast %swap3A_937 : vector<1x16xi32> to vector<16xi32>
      %swap3A_939 = vector.shape_cast %select_n3A_930 : vector<16xi32> to vector<1x16xi32>
      tpu.vector_store %arg8[%swap3A_935, %swap3A_936], %swap3A_939 {strides = array<i32>} : memref<200x128xi32, #tpu.memory_space<vmem>>, vector<1x16xi32>,
      %mul3A_940 = arith.constant 2 : i32
      %mul3A_941 = arith.muli %add3A_583, %mul3A_940 : i32
      %add3A_942 = arith.constant 1 : i32
      %add3A_943 = arith.addi %mul3A_941, %add3A_942 : i32
      %get3A_944 = arith.index_cast %add3A_943 : i32 to index
      %get3A_945 = arith.constant 64 : index
      %get3A_946 = tpu.vector_load %arg6[%get3A_944, %get3A_945] {strides = array<i32>} : memref<200x128xi32, #tpu.memory_space<vmem>>, vector<1x16xi32>,
      %get3A_947 = vector.shape_cast %get3A_946 : vector<1x16xi32> to vector<16xi32>
      %gt3A_948 = arith.constant 0 : i32
      %gt3A_949 = vector.broadcast %gt3A_948 : i32 to vector<16xi32>
      %gt3A_950 = arith.cmpi sgt, %get3A_947, %gt3A_949 : vector<16xi32>
      %jit3A_951 = arith.constant 1 : i32
      %jit3A_952 = arith.constant 0 : i32
      %broadcast_in_dim3A_953 = vector.broadcast %jit3A_951 : i32 to vector<16xi32>
      %broadcast_in_dim3A_954 = vector.broadcast %jit3A_952 : i32 to vector<16xi32>
      %select_n3A_955 = arith.select %gt3A_950, %broadcast_in_dim3A_953, %broadcast_in_dim3A_954 : vector<16xi1>, vector<16xi32>
      %mul3A_956 = arith.constant 2 : i32
      %mul3A_957 = arith.muli %add3A_583, %mul3A_956 : i32
      %add3A_958 = arith.constant 1 : i32
      %add3A_959 = arith.addi %mul3A_957, %add3A_958 : i32
      %swap3A_960 = arith.index_cast %add3A_959 : i32 to index
      %swap3A_961 = arith.constant 64 : index
      %swap3A_962 = tpu.vector_load %arg8[%swap3A_960, %swap3A_961] {strides = array<i32>} : memref<200x128xi32, #tpu.memory_space<vmem>>, vector<1x16xi32>,
      %swap3A_963 = vector.shape_cast %swap3A_962 : vector<1x16xi32> to vector<16xi32>
      %swap3A_964 = vector.shape_cast %select_n3A_955 : vector<16xi32> to vector<1x16xi32>
      tpu.vector_store %arg8[%swap3A_960, %swap3A_961], %swap3A_964 {strides = array<i32>} : memref<200x128xi32, #tpu.memory_space<vmem>>, vector<1x16xi32>,
      %mul3A_965 = arith.constant 2 : i32
      %mul3A_966 = arith.muli %add3A_583, %mul3A_965 : i32
      %add3A_967 = arith.constant 1 : i32
      %add3A_968 = arith.addi %mul3A_966, %add3A_967 : i32
      %get3A_969 = arith.index_cast %add3A_968 : i32 to index
      %get3A_970 = arith.constant 80 : index
      %get3A_971 = tpu.vector_load %arg6[%get3A_969, %get3A_970] {strides = array<i32>} : memref<200x128xi32, #tpu.memory_space<vmem>>, vector<1x16xi32>,
      %get3A_972 = vector.shape_cast %get3A_971 : vector<1x16xi32> to vector<16xi32>
      %gt3A_973 = arith.constant 0 : i32
      %gt3A_974 = vector.broadcast %gt3A_973 : i32 to vector<16xi32>
      %gt3A_975 = arith.cmpi sgt, %get3A_972, %gt3A_974 : vector<16xi32>
      %jit3A_976 = arith.constant 1 : i32
      %jit3A_977 = arith.constant 0 : i32
      %broadcast_in_dim3A_978 = vector.broadcast %jit3A_976 : i32 to vector<16xi32>
      %broadcast_in_dim3A_979 = vector.broadcast %jit3A_977 : i32 to vector<16xi32>
      %select_n3A_980 = arith.select %gt3A_975, %broadcast_in_dim3A_978, %broadcast_in_dim3A_979 : vector<16xi1>, vector<16xi32>
      %mul3A_981 = arith.constant 2 : i32
      %mul3A_982 = arith.muli %add3A_583, %mul3A_981 : i32
      %add3A_983 = arith.constant 1 : i32
      %add3A_984 = arith.addi %mul3A_982, %add3A_983 : i32
      %swap3A_985 = arith.index_cast %add3A_984 : i32 to index
      %swap3A_986 = arith.constant 80 : index
      %swap3A_987 = tpu.vector_load %arg8[%swap3A_985, %swap3A_986] {strides = array<i32>} : memref<200x128xi32, #tpu.memory_space<vmem>>, vector<1x16xi32>,
      %swap3A_988 = vector.shape_cast %swap3A_987 : vector<1x16xi32> to vector<16xi32>
      %swap3A_989 = vector.shape_cast %select_n3A_980 : vector<16xi32> to vector<1x16xi32>
      tpu.vector_store %arg8[%swap3A_985, %swap3A_986], %swap3A_989 {strides = array<i32>} : memref<200x128xi32, #tpu.memory_space<vmem>>, vector<1x16xi32>,
      %mul3A_990 = arith.constant 2 : i32
      %mul3A_991 = arith.muli %add3A_583, %mul3A_990 : i32
      %add3A_992 = arith.constant 1 : i32
      %add3A_993 = arith.addi %mul3A_991, %add3A_992 : i32
      %get3A_994 = arith.index_cast %add3A_993 : i32 to index
      %get3A_995 = arith.constant 96 : index
      %get3A_996 = tpu.vector_load %arg6[%get3A_994, %get3A_995] {strides = array<i32>} : memref<200x128xi32, #tpu.memory_space<vmem>>, vector<1x16xi32>,
      %get3A_997 = vector.shape_cast %get3A_996 : vector<1x16xi32> to vector<16xi32>
      %gt3A_998 = arith.constant 0 : i32
      %gt3A_999 = vector.broadcast %gt3A_998 : i32 to vector<16xi32>
      %gt3A_1000 = arith.cmpi sgt, %get3A_997, %gt3A_999 : vector<16xi32>
      %jit3A_1001 = arith.constant 1 : i32
      %jit3A_1002 = arith.constant 0 : i32
      %broadcast_in_dim3A_1003 = vector.broadcast %jit3A_1001 : i32 to vector<16xi32>
      %broadcast_in_dim3A_1004 = vector.broadcast %jit3A_1002 : i32 to vector<16xi32>
      %select_n3A_1005 = arith.select %gt3A_1000, %broadcast_in_dim3A_1003, %broadcast_in_dim3A_1004 : vector<16xi1>, vector<16xi32>
      %mul3A_1006 = arith.constant 2 : i32
      %mul3A_1007 = arith.muli %add3A_583, %mul3A_1006 : i32
      %add3A_1008 = arith.constant 1 : i32
      %add3A_1009 = arith.addi %mul3A_1007, %add3A_1008 : i32
      %swap3A_1010 = arith.index_cast %add3A_1009 : i32 to index
      %swap3A_1011 = arith.constant 96 : index
      %swap3A_1012 = tpu.vector_load %arg8[%swap3A_1010, %swap3A_1011] {strides = array<i32>} : memref<200x128xi32, #tpu.memory_space<vmem>>, vector<1x16xi32>,
      %swap3A_1013 = vector.shape_cast %swap3A_1012 : vector<1x16xi32> to vector<16xi32>
      %swap3A_1014 = vector.shape_cast %select_n3A_1005 : vector<16xi32> to vector<1x16xi32>
      tpu.vector_store %arg8[%swap3A_1010, %swap3A_1011], %swap3A_1014 {strides = array<i32>} : memref<200x128xi32, #tpu.memory_space<vmem>>, vector<1x16xi32>,
      %mul3A_1015 = arith.constant 2 : i32
      %mul3A_1016 = arith.muli %add3A_583, %mul3A_1015 : i32
      %add3A_1017 = arith.constant 1 : i32
      %add3A_1018 = arith.addi %mul3A_1016, %add3A_1017 : i32
      %get3A_1019 = arith.index_cast %add3A_1018 : i32 to index
      %get3A_1020 = arith.constant 112 : index
      %get3A_1021 = tpu.vector_load %arg6[%get3A_1019, %get3A_1020] {strides = array<i32>} : memref<200x128xi32, #tpu.memory_space<vmem>>, vector<1x16xi32>,
      %get3A_1022 = vector.shape_cast %get3A_1021 : vector<1x16xi32> to vector<16xi32>
      %gt3A_1023 = arith.constant 0 : i32
      %gt3A_1024 = vector.broadcast %gt3A_1023 : i32 to vector<16xi32>
      %gt3A_1025 = arith.cmpi sgt, %get3A_1022, %gt3A_1024 : vector<16xi32>
      %jit3A_1026 = arith.constant 1 : i32
      %jit3A_1027 = arith.constant 0 : i32
      %broadcast_in_dim3A_1028 = vector.broadcast %jit3A_1026 : i32 to vector<16xi32>
      %broadcast_in_dim3A_1029 = vector.broadcast %jit3A_1027 : i32 to vector<16xi32>
      %select_n3A_1030 = arith.select %gt3A_1025, %broadcast_in_dim3A_1028, %broadcast_in_dim3A_1029 : vector<16xi1>, vector<16xi32>
      %mul3A_1031 = arith.constant 2 : i32
      %mul3A_1032 = arith.muli %add3A_583, %mul3A_1031 : i32
      %add3A_1033 = arith.constant 1 : i32
      %add3A_1034 = arith.addi %mul3A_1032, %add3A_1033 : i32
      %swap3A_1035 = arith.index_cast %add3A_1034 : i32 to index
      %swap3A_1036 = arith.constant 112 : index
      %swap3A_1037 = tpu.vector_load %arg8[%swap3A_1035, %swap3A_1036] {strides = array<i32>} : memref<200x128xi32, #tpu.memory_space<vmem>>, vector<1x16xi32>,
      %swap3A_1038 = vector.shape_cast %swap3A_1037 : vector<1x16xi32> to vector<16xi32>
      %swap3A_1039 = vector.shape_cast %select_n3A_1030 : vector<16xi32> to vector<1x16xi32>
      tpu.vector_store %arg8[%swap3A_1035, %swap3A_1036], %swap3A_1039 {strides = array<i32>} : memref<200x128xi32, #tpu.memory_space<vmem>>, vector<1x16xi32>,
      %mul3A_1040 = arith.constant 4 : i32
      %mul3A_1041 = arith.muli %scan3A_129, %mul3A_1040 : i32
      %add3A_1042 = arith.constant 2 : i32
      %add3A_1043 = arith.addi %mul3A_1041, %add3A_1042 : i32
      %gt3A_1044 = arith.constant 0 : i32
      %gt3A_1045 = arith.cmpi sgt, %scan3A_129, %gt3A_1044 : i32
      %convert_element_type3A_1046 = arith.extui %gt3A_1045 : i1 to i32
      %cond3A_1047 = arith.constant 0 : i32
      %cond3A_1048 = arith.cmpi ne, %convert_element_type3A_1046, %cond3A_1047 : i32
      scf.if %cond3A_1048 {
        %dma_wait3A_1960 = arith.constant 2 : i32
        %dma_wait3A_1961 = arith.constant 0 : i32
        %dma_wait3A_1962 = arith.constant 0 : i32
        %dma_wait3A_1963 = arith.constant 0 : i32
        %dma_wait3A_1964 = tpu.memref_slice %arg7[%dma_wait3A_1960, %dma_wait3A_1961, %dma_wait3A_1962, %dma_wait3A_1963] : memref<4x2x128x64xf32, #tpu.memory_space<vmem>> -> memref<1x2x128x64xf32, #tpu.memory_space<vmem>>
        %dma_wait3A_1965 = tpu.memref_squeeze %dma_wait3A_1964 : memref<1x2x128x64xf32, #tpu.memory_space<vmem>> -> memref<2x128x64xf32, #tpu.memory_space<vmem>>
        %dma_wait3A_1966 = arith.constant 0 : i32
        %dma_wait3A_1967 = arith.constant 0 : i32
        %dma_wait3A_1968 = tpu.memref_slice %arg4[%mul3A_2, %dma_wait3A_1966, %dma_wait3A_1967] : memref<6400x128x64xf32, #tpu.memory_space<hbm>> -> memref<2x128x64xf32, #tpu.memory_space<hbm>>
        %dma_wait3A_1969 = arith.constant 0 : i32
        %dma_wait3A_1970 = arith.constant 0 : i32
        %dma_wait3A_1971 = tpu.memref_slice %arg4[%mul3A_2, %dma_wait3A_1969, %dma_wait3A_1970] : memref<6400x128x64xf32, #tpu.memory_space<hbm>> -> memref<2x128x64xf32, #tpu.memory_space<hbm>>
        %dma_wait3A_1972 = arith.constant 0 : i32
        %dma_wait3A_1973 = arith.constant 0 : i32
        %dma_wait3A_1974 = arith.constant 0 : i32
        %dma_wait3A_1975 = tpu.memref_slice %arg7[%dma_wait3A_1960, %dma_wait3A_1972, %dma_wait3A_1973, %dma_wait3A_1974] : memref<4x2x128x64xf32, #tpu.memory_space<vmem>> -> memref<1x2x128x64xf32, #tpu.memory_space<vmem>>
        %dma_wait3A_1976 = tpu.memref_squeeze %dma_wait3A_1975 : memref<1x2x128x64xf32, #tpu.memory_space<vmem>> -> memref<2x128x64xf32, #tpu.memory_space<vmem>>
        tpu.wait_dma2 semaphore(%arg15 : memref<!tpu.dma_semaphore, #tpu.memory_space<semaphore_mem>>) src(%dma_wait3A_1976 : memref<2x128x64xf32, #tpu.memory_space<vmem>>) dst(%dma_wait3A_1971 : memref<2x128x64xf32, #tpu.memory_space<hbm>>)
      } else {
      }
      %mul3A_1049 = arith.constant 2 : i32
      %mul3A_1050 = arith.muli %add3A_1043, %mul3A_1049 : i32
      %add3A_1051 = arith.constant 0 : i32
      %add3A_1052 = arith.addi %mul3A_1050, %add3A_1051 : i32
      %dma_start3A_1053 = arith.constant 2 : i32
      %dma_start3A_1054 = arith.constant 0 : i32
      %dma_start3A_1055 = arith.constant 0 : i32
      %dma_start3A_1056 = arith.constant 0 : i32
      %dma_start3A_1057 = arith.constant 0 : i32
      %dma_start3A_1058 = tpu.memref_slice %arg7[%dma_start3A_1053, %dma_start3A_1055, %dma_start3A_1056, %dma_start3A_1057] : memref<4x2x128x64xf32, #tpu.memory_space<vmem>> -> memref<1x2x128x64xf32, #tpu.memory_space<vmem>>
      %dma_start3A_1059 = tpu.memref_squeeze %dma_start3A_1058 : memref<1x2x128x64xf32, #tpu.memory_space<vmem>> -> memref<2x128x64xf32, #tpu.memory_space<vmem>>
      %dma_start3A_1060 = arith.constant 0 : i32
      %dma_start3A_1061 = arith.constant 0 : i32
      %dma_start3A_1062 = tpu.memref_slice %dma_start3A_1059[%dma_start3A_1054, %dma_start3A_1060, %dma_start3A_1061] : memref<2x128x64xf32, #tpu.memory_space<vmem>> -> memref<1x128x64xf32, #tpu.memory_space<vmem>>
      %dma_start3A_1063 = tpu.memref_squeeze %dma_start3A_1062 : memref<1x128x64xf32, #tpu.memory_space<vmem>> -> memref<128x64xf32, #tpu.memory_space<vmem>>
      %dma_start3A_1064 = arith.constant 0 : i32
      %dma_start3A_1065 = tpu.memref_slice %arg6[%add3A_1052, %dma_start3A_1064] : memref<200x128xi32, #tpu.memory_space<vmem>> -> memref<1x128xi32, #tpu.memory_space<vmem>>
      %dma_start3A_1066 = tpu.memref_squeeze %dma_start3A_1065 : memref<1x128xi32, #tpu.memory_space<vmem>> -> memref<128xi32, #tpu.memory_space<vmem>>
      %dma_start3A_1067 = arith.constant 0 : i32
      %dma_start3A_1068 = arith.constant 0 : i32
      %dma_start3A_1069 = tpu.memref_slice %arg2[%dma_start3A_1067, %dma_start3A_1068] : memref<100000x64xf32, #tpu.memory_space<hbm>> -> memref<100000x64xf32, #tpu.memory_space<hbm>>
      tpu.enqueue_indirect_dma source(%dma_start3A_1069 : memref<100000x64xf32, #tpu.memory_space<hbm>>) target(%dma_start3A_1063 : memref<128x64xf32, #tpu.memory_space<vmem>>) offsets(%dma_start3A_1066 : memref<128xi32, #tpu.memory_space<vmem>>) semaphore(%arg11 : memref<!tpu.dma_semaphore, #tpu.memory_space<semaphore_mem>>)
      %mul3A_1070 = arith.constant 2 : i32
      %mul3A_1071 = arith.muli %add3A_1043, %mul3A_1070 : i32
      %add3A_1072 = arith.constant 1 : i32
      %add3A_1073 = arith.addi %mul3A_1071, %add3A_1072 : i32
      %dma_start3A_1074 = arith.constant 2 : i32
      %dma_start3A_1075 = arith.constant 1 : i32
      %dma_start3A_1076 = arith.constant 0 : i32
      %dma_start3A_1077 = arith.constant 0 : i32
      %dma_start3A_1078 = arith.constant 0 : i32
      %dma_start3A_1079 = tpu.memref_slice %arg7[%dma_start3A_1074, %dma_start3A_1076, %dma_start3A_1077, %dma_start3A_1078] : memref<4x2x128x64xf32, #tpu.memory_space<vmem>> -> memref<1x2x128x64xf32, #tpu.memory_space<vmem>>
      %dma_start3A_1080 = tpu.memref_squeeze %dma_start3A_1079 : memref<1x2x128x64xf32, #tpu.memory_space<vmem>> -> memref<2x128x64xf32, #tpu.memory_space<vmem>>
      %dma_start3A_1081 = arith.constant 0 : i32
      %dma_start3A_1082 = arith.constant 0 : i32
      %dma_start3A_1083 = tpu.memref_slice %dma_start3A_1080[%dma_start3A_1075, %dma_start3A_1081, %dma_start3A_1082] : memref<2x128x64xf32, #tpu.memory_space<vmem>> -> memref<1x128x64xf32, #tpu.memory_space<vmem>>
      %dma_start3A_1084 = tpu.memref_squeeze %dma_start3A_1083 : memref<1x128x64xf32, #tpu.memory_space<vmem>> -> memref<128x64xf32, #tpu.memory_space<vmem>>
      %dma_start3A_1085 = arith.constant 0 : i32
      %dma_start3A_1086 = tpu.memref_slice %arg6[%add3A_1073, %dma_start3A_1085] : memref<200x128xi32, #tpu.memory_space<vmem>> -> memref<1x128xi32, #tpu.memory_space<vmem>>
      %dma_start3A_1087 = tpu.memref_squeeze %dma_start3A_1086 : memref<1x128xi32, #tpu.memory_space<vmem>> -> memref<128xi32, #tpu.memory_space<vmem>>
      %dma_start3A_1088 = arith.constant 0 : i32
      %dma_start3A_1089 = arith.constant 0 : i32
      %dma_start3A_1090 = tpu.memref_slice %arg2[%dma_start3A_1088, %dma_start3A_1089] : memref<100000x64xf32, #tpu.memory_space<hbm>> -> memref<100000x64xf32, #tpu.memory_space<hbm>>
      tpu.enqueue_indirect_dma source(%dma_start3A_1090 : memref<100000x64xf32, #tpu.memory_space<hbm>>) target(%dma_start3A_1084 : memref<128x64xf32, #tpu.memory_space<vmem>>) offsets(%dma_start3A_1087 : memref<128xi32, #tpu.memory_space<vmem>>) semaphore(%arg11 : memref<!tpu.dma_semaphore, #tpu.memory_space<semaphore_mem>>)
      %sub3A_1091 = arith.constant 1 : i32
      %sub3A_1092 = arith.subi %add3A_1043, %sub3A_1091 : i32
      %gt3A_1093 = arith.constant 0 : i32
      %gt3A_1094 = arith.cmpi sgt, %scan3A_129, %gt3A_1093 : i32
      %or3A_1095 = arith.constant true
      %or3A_1096 = arith.ori %gt3A_1094, %or3A_1095 : i1
      %convert_element_type3A_1097 = arith.extui %or3A_1096 : i1 to i32
      %cond3A_1098 = arith.constant 0 : i32
      %cond3A_1099 = arith.cmpi ne, %convert_element_type3A_1097, %cond3A_1098 : i32
      scf.if %cond3A_1099 {
        %dma_wait3A_1960 = arith.constant 0 : i32
        %dma_wait3A_1961 = arith.constant 1 : i32
        %dma_wait3A_1962 = arith.constant 0 : i32
        %dma_wait3A_1963 = arith.constant 0 : i32
        %dma_wait3A_1964 = arith.constant 0 : i32
        %dma_wait3A_1965 = arith.constant 0 : i32
        %dma_wait3A_1966 = tpu.memref_slice %arg7[%dma_wait3A_1961, %dma_wait3A_1963, %dma_wait3A_1964, %dma_wait3A_1965] : memref<4x2x128x64xf32, #tpu.memory_space<vmem>> -> memref<1x2x128x64xf32, #tpu.memory_space<vmem>>
        %dma_wait3A_1967 = tpu.memref_squeeze %dma_wait3A_1966 : memref<1x2x128x64xf32, #tpu.memory_space<vmem>> -> memref<2x128x64xf32, #tpu.memory_space<vmem>>
        %dma_wait3A_1968 = arith.constant 0 : i32
        %dma_wait3A_1969 = arith.constant 0 : i32
        %dma_wait3A_1970 = tpu.memref_slice %dma_wait3A_1967[%dma_wait3A_1962, %dma_wait3A_1968, %dma_wait3A_1969] : memref<2x128x64xf32, #tpu.memory_space<vmem>> -> memref<1x128x64xf32, #tpu.memory_space<vmem>>
        %dma_wait3A_1971 = tpu.memref_squeeze %dma_wait3A_1970 : memref<1x128x64xf32, #tpu.memory_space<vmem>> -> memref<128x64xf32, #tpu.memory_space<vmem>>
        %dma_wait3A_1972 = arith.constant 0 : i32
        %dma_wait3A_1973 = tpu.memref_slice %arg6[%dma_wait3A_1960, %dma_wait3A_1972] : memref<200x128xi32, #tpu.memory_space<vmem>> -> memref<1x128xi32, #tpu.memory_space<vmem>>
        %dma_wait3A_1974 = tpu.memref_squeeze %dma_wait3A_1973 : memref<1x128xi32, #tpu.memory_space<vmem>> -> memref<128xi32, #tpu.memory_space<vmem>>
        %dma_wait3A_1975 = arith.constant 0 : i32
        %dma_wait3A_1976 = arith.constant 0 : i32
        %dma_wait3A_1977 = tpu.memref_slice %arg2[%dma_wait3A_1975, %dma_wait3A_1976] : memref<100000x64xf32, #tpu.memory_space<hbm>> -> memref<100000x64xf32, #tpu.memory_space<hbm>>
        tpu.wait_indirect_dma semaphore(%arg10 : memref<!tpu.dma_semaphore, #tpu.memory_space<semaphore_mem>>) src(%dma_wait3A_1977 : memref<100000x64xf32, #tpu.memory_space<hbm>>) dst(%dma_wait3A_1971 : memref<128x64xf32, #tpu.memory_space<vmem>>)
        %dma_wait3A_1978 = arith.constant 1 : i32
        %dma_wait3A_1979 = arith.constant 1 : i32
        %dma_wait3A_1980 = arith.constant 1 : i32
        %dma_wait3A_1981 = arith.constant 0 : i32
        %dma_wait3A_1982 = arith.constant 0 : i32
        %dma_wait3A_1983 = arith.constant 0 : i32
        %dma_wait3A_1984 = tpu.memref_slice %arg7[%dma_wait3A_1979, %dma_wait3A_1981, %dma_wait3A_1982, %dma_wait3A_1983] : memref<4x2x128x64xf32, #tpu.memory_space<vmem>> -> memref<1x2x128x64xf32, #tpu.memory_space<vmem>>
        %dma_wait3A_1985 = tpu.memref_squeeze %dma_wait3A_1984 : memref<1x2x128x64xf32, #tpu.memory_space<vmem>> -> memref<2x128x64xf32, #tpu.memory_space<vmem>>
        %dma_wait3A_1986 = arith.constant 0 : i32
        %dma_wait3A_1987 = arith.constant 0 : i32
        %dma_wait3A_1988 = tpu.memref_slice %dma_wait3A_1985[%dma_wait3A_1980, %dma_wait3A_1986, %dma_wait3A_1987] : memref<2x128x64xf32, #tpu.memory_space<vmem>> -> memref<1x128x64xf32, #tpu.memory_space<vmem>>
        %dma_wait3A_1989 = tpu.memref_squeeze %dma_wait3A_1988 : memref<1x128x64xf32, #tpu.memory_space<vmem>> -> memref<128x64xf32, #tpu.memory_space<vmem>>
        %dma_wait3A_1990 = arith.constant 0 : i32
        %dma_wait3A_1991 = tpu.memref_slice %arg6[%dma_wait3A_1978, %dma_wait3A_1990] : memref<200x128xi32, #tpu.memory_space<vmem>> -> memref<1x128xi32, #tpu.memory_space<vmem>>
        %dma_wait3A_1992 = tpu.memref_squeeze %dma_wait3A_1991 : memref<1x128xi32, #tpu.memory_space<vmem>> -> memref<128xi32, #tpu.memory_space<vmem>>
        %dma_wait3A_1993 = arith.constant 0 : i32
        %dma_wait3A_1994 = arith.constant 0 : i32
        %dma_wait3A_1995 = tpu.memref_slice %arg2[%dma_wait3A_1993, %dma_wait3A_1994] : memref<100000x64xf32, #tpu.memory_space<hbm>> -> memref<100000x64xf32, #tpu.memory_space<hbm>>
        tpu.wait_indirect_dma semaphore(%arg10 : memref<!tpu.dma_semaphore, #tpu.memory_space<semaphore_mem>>) src(%dma_wait3A_1995 : memref<100000x64xf32, #tpu.memory_space<hbm>>) dst(%dma_wait3A_1989 : memref<128x64xf32, #tpu.memory_space<vmem>>)
        %mul3A_1996 = arith.constant 2 : i32
        %mul3A_1997 = arith.muli %sub3A_1092, %mul3A_1996 : i32
        %add3A_1998 = arith.addi %mul3A_2, %mul3A_1997 : i32
        %dma_start3A_1999 = arith.constant 1 : i32
        %dma_start3A_2000 = arith.constant 0 : i32
        %dma_start3A_2001 = arith.constant 0 : i32
        %dma_start3A_2002 = arith.constant 0 : i32
        %dma_start3A_2003 = tpu.memref_slice %arg7[%dma_start3A_1999, %dma_start3A_2000, %dma_start3A_2001, %dma_start3A_2002] : memref<4x2x128x64xf32, #tpu.memory_space<vmem>> -> memref<1x2x128x64xf32, #tpu.memory_space<vmem>>
        %dma_start3A_2004 = tpu.memref_squeeze %dma_start3A_2003 : memref<1x2x128x64xf32, #tpu.memory_space<vmem>> -> memref<2x128x64xf32, #tpu.memory_space<vmem>>
        %dma_start3A_2005 = arith.constant 0 : i32
        %dma_start3A_2006 = arith.constant 0 : i32
        %dma_start3A_2007 = tpu.memref_slice %arg4[%add3A_1998, %dma_start3A_2005, %dma_start3A_2006] : memref<6400x128x64xf32, #tpu.memory_space<hbm>> -> memref<2x128x64xf32, #tpu.memory_space<hbm>>
        %dma_start3A_2008 = arith.constant 0 : i32
        %dma_start3A_2009 = arith.constant 0 : i32
        %dma_start3A_2010 = tpu.memref_slice %arg4[%add3A_1998, %dma_start3A_2008, %dma_start3A_2009] : memref<6400x128x64xf32, #tpu.memory_space<hbm>> -> memref<2x128x64xf32, #tpu.memory_space<hbm>>
        %dma_start3A_2011 = arith.constant 0 : i32
        %dma_start3A_2012 = arith.constant 0 : i32
        %dma_start3A_2013 = arith.constant 0 : i32
        %dma_start3A_2014 = tpu.memref_slice %arg7[%dma_start3A_1999, %dma_start3A_2011, %dma_start3A_2012, %dma_start3A_2013] : memref<4x2x128x64xf32, #tpu.memory_space<vmem>> -> memref<1x2x128x64xf32, #tpu.memory_space<vmem>>
        %dma_start3A_2015 = tpu.memref_squeeze %dma_start3A_2014 : memref<1x2x128x64xf32, #tpu.memory_space<vmem>> -> memref<2x128x64xf32, #tpu.memory_space<vmem>>
        tpu.enqueue_dma source(%dma_start3A_2015 : memref<2x128x64xf32, #tpu.memory_space<vmem>>) target(%dma_start3A_2010 : memref<2x128x64xf32, #tpu.memory_space<hbm>>) target_semaphore(%arg14 : memref<!tpu.dma_semaphore, #tpu.memory_space<semaphore_mem>>)
      } else {
      }
      %mul3A_1100 = arith.constant 2 : i32
      %mul3A_1101 = arith.muli %add3A_1043, %mul3A_1100 : i32
      %add3A_1102 = arith.constant 0 : i32
      %add3A_1103 = arith.addi %mul3A_1101, %add3A_1102 : i32
      %get3A_1104 = arith.index_cast %add3A_1103 : i32 to index
      %get3A_1105 = arith.constant 0 : index
      %get3A_1106 = tpu.vector_load %arg6[%get3A_1104, %get3A_1105] {strides = array<i32>} : memref<200x128xi32, #tpu.memory_space<vmem>>, vector<1x16xi32>,
      %get3A_1107 = vector.shape_cast %get3A_1106 : vector<1x16xi32> to vector<16xi32>
      %gt3A_1108 = arith.constant 0 : i32
      %gt3A_1109 = vector.broadcast %gt3A_1108 : i32 to vector<16xi32>
      %gt3A_1110 = arith.cmpi sgt, %get3A_1107, %gt3A_1109 : vector<16xi32>
      %jit3A_1111 = arith.constant 1 : i32
      %jit3A_1112 = arith.constant 0 : i32
      %broadcast_in_dim3A_1113 = vector.broadcast %jit3A_1111 : i32 to vector<16xi32>
      %broadcast_in_dim3A_1114 = vector.broadcast %jit3A_1112 : i32 to vector<16xi32>
      %select_n3A_1115 = arith.select %gt3A_1110, %broadcast_in_dim3A_1113, %broadcast_in_dim3A_1114 : vector<16xi1>, vector<16xi32>
      %mul3A_1116 = arith.constant 2 : i32
      %mul3A_1117 = arith.muli %add3A_1043, %mul3A_1116 : i32
      %add3A_1118 = arith.constant 0 : i32
      %add3A_1119 = arith.addi %mul3A_1117, %add3A_1118 : i32
      %swap3A_1120 = arith.index_cast %add3A_1119 : i32 to index
      %swap3A_1121 = arith.constant 0 : index
      %swap3A_1122 = tpu.vector_load %arg8[%swap3A_1120, %swap3A_1121] {strides = array<i32>} : memref<200x128xi32, #tpu.memory_space<vmem>>, vector<1x16xi32>,
      %swap3A_1123 = vector.shape_cast %swap3A_1122 : vector<1x16xi32> to vector<16xi32>
      %swap3A_1124 = vector.shape_cast %select_n3A_1115 : vector<16xi32> to vector<1x16xi32>
      tpu.vector_store %arg8[%swap3A_1120, %swap3A_1121], %swap3A_1124 {strides = array<i32>} : memref<200x128xi32, #tpu.memory_space<vmem>>, vector<1x16xi32>,
      %mul3A_1125 = arith.constant 2 : i32
      %mul3A_1126 = arith.muli %add3A_1043, %mul3A_1125 : i32
      %add3A_1127 = arith.constant 0 : i32
      %add3A_1128 = arith.addi %mul3A_1126, %add3A_1127 : i32
      %get3A_1129 = arith.index_cast %add3A_1128 : i32 to index
      %get3A_1130 = arith.constant 16 : index
      %get3A_1131 = tpu.vector_load %arg6[%get3A_1129, %get3A_1130] {strides = array<i32>} : memref<200x128xi32, #tpu.memory_space<vmem>>, vector<1x16xi32>,
      %get3A_1132 = vector.shape_cast %get3A_1131 : vector<1x16xi32> to vector<16xi32>
      %gt3A_1133 = arith.constant 0 : i32
      %gt3A_1134 = vector.broadcast %gt3A_1133 : i32 to vector<16xi32>
      %gt3A_1135 = arith.cmpi sgt, %get3A_1132, %gt3A_1134 : vector<16xi32>
      %jit3A_1136 = arith.constant 1 : i32
      %jit3A_1137 = arith.constant 0 : i32
      %broadcast_in_dim3A_1138 = vector.broadcast %jit3A_1136 : i32 to vector<16xi32>
      %broadcast_in_dim3A_1139 = vector.broadcast %jit3A_1137 : i32 to vector<16xi32>
      %select_n3A_1140 = arith.select %gt3A_1135, %broadcast_in_dim3A_1138, %broadcast_in_dim3A_1139 : vector<16xi1>, vector<16xi32>
      %mul3A_1141 = arith.constant 2 : i32
      %mul3A_1142 = arith.muli %add3A_1043, %mul3A_1141 : i32
      %add3A_1143 = arith.constant 0 : i32
      %add3A_1144 = arith.addi %mul3A_1142, %add3A_1143 : i32
      %swap3A_1145 = arith.index_cast %add3A_1144 : i32 to index
      %swap3A_1146 = arith.constant 16 : index
      %swap3A_1147 = tpu.vector_load %arg8[%swap3A_1145, %swap3A_1146] {strides = array<i32>} : memref<200x128xi32, #tpu.memory_space<vmem>>, vector<1x16xi32>,
      %swap3A_1148 = vector.shape_cast %swap3A_1147 : vector<1x16xi32> to vector<16xi32>
      %swap3A_1149 = vector.shape_cast %select_n3A_1140 : vector<16xi32> to vector<1x16xi32>
      tpu.vector_store %arg8[%swap3A_1145, %swap3A_1146], %swap3A_1149 {strides = array<i32>} : memref<200x128xi32, #tpu.memory_space<vmem>>, vector<1x16xi32>,
      %mul3A_1150 = arith.constant 2 : i32
      %mul3A_1151 = arith.muli %add3A_1043, %mul3A_1150 : i32
      %add3A_1152 = arith.constant 0 : i32
      %add3A_1153 = arith.addi %mul3A_1151, %add3A_1152 : i32
      %get3A_1154 = arith.index_cast %add3A_1153 : i32 to index
      %get3A_1155 = arith.constant 32 : index
      %get3A_1156 = tpu.vector_load %arg6[%get3A_1154, %get3A_1155] {strides = array<i32>} : memref<200x128xi32, #tpu.memory_space<vmem>>, vector<1x16xi32>,
      %get3A_1157 = vector.shape_cast %get3A_1156 : vector<1x16xi32> to vector<16xi32>
      %gt3A_1158 = arith.constant 0 : i32
      %gt3A_1159 = vector.broadcast %gt3A_1158 : i32 to vector<16xi32>
      %gt3A_1160 = arith.cmpi sgt, %get3A_1157, %gt3A_1159 : vector<16xi32>
      %jit3A_1161 = arith.constant 1 : i32
      %jit3A_1162 = arith.constant 0 : i32
      %broadcast_in_dim3A_1163 = vector.broadcast %jit3A_1161 : i32 to vector<16xi32>
      %broadcast_in_dim3A_1164 = vector.broadcast %jit3A_1162 : i32 to vector<16xi32>
      %select_n3A_1165 = arith.select %gt3A_1160, %broadcast_in_dim3A_1163, %broadcast_in_dim3A_1164 : vector<16xi1>, vector<16xi32>
      %mul3A_1166 = arith.constant 2 : i32
      %mul3A_1167 = arith.muli %add3A_1043, %mul3A_1166 : i32
      %add3A_1168 = arith.constant 0 : i32
      %add3A_1169 = arith.addi %mul3A_1167, %add3A_1168 : i32
      %swap3A_1170 = arith.index_cast %add3A_1169 : i32 to index
      %swap3A_1171 = arith.constant 32 : index
      %swap3A_1172 = tpu.vector_load %arg8[%swap3A_1170, %swap3A_1171] {strides = array<i32>} : memref<200x128xi32, #tpu.memory_space<vmem>>, vector<1x16xi32>,
      %swap3A_1173 = vector.shape_cast %swap3A_1172 : vector<1x16xi32> to vector<16xi32>
      %swap3A_1174 = vector.shape_cast %select_n3A_1165 : vector<16xi32> to vector<1x16xi32>
      tpu.vector_store %arg8[%swap3A_1170, %swap3A_1171], %swap3A_1174 {strides = array<i32>} : memref<200x128xi32, #tpu.memory_space<vmem>>, vector<1x16xi32>,
      %mul3A_1175 = arith.constant 2 : i32
      %mul3A_1176 = arith.muli %add3A_1043, %mul3A_1175 : i32
      %add3A_1177 = arith.constant 0 : i32
      %add3A_1178 = arith.addi %mul3A_1176, %add3A_1177 : i32
      %get3A_1179 = arith.index_cast %add3A_1178 : i32 to index
      %get3A_1180 = arith.constant 48 : index
      %get3A_1181 = tpu.vector_load %arg6[%get3A_1179, %get3A_1180] {strides = array<i32>} : memref<200x128xi32, #tpu.memory_space<vmem>>, vector<1x16xi32>,
      %get3A_1182 = vector.shape_cast %get3A_1181 : vector<1x16xi32> to vector<16xi32>
      %gt3A_1183 = arith.constant 0 : i32
      %gt3A_1184 = vector.broadcast %gt3A_1183 : i32 to vector<16xi32>
      %gt3A_1185 = arith.cmpi sgt, %get3A_1182, %gt3A_1184 : vector<16xi32>
      %jit3A_1186 = arith.constant 1 : i32
      %jit3A_1187 = arith.constant 0 : i32
      %broadcast_in_dim3A_1188 = vector.broadcast %jit3A_1186 : i32 to vector<16xi32>
      %broadcast_in_dim3A_1189 = vector.broadcast %jit3A_1187 : i32 to vector<16xi32>
      %select_n3A_1190 = arith.select %gt3A_1185, %broadcast_in_dim3A_1188, %broadcast_in_dim3A_1189 : vector<16xi1>, vector<16xi32>
      %mul3A_1191 = arith.constant 2 : i32
      %mul3A_1192 = arith.muli %add3A_1043, %mul3A_1191 : i32
      %add3A_1193 = arith.constant 0 : i32
      %add3A_1194 = arith.addi %mul3A_1192, %add3A_1193 : i32
      %swap3A_1195 = arith.index_cast %add3A_1194 : i32 to index
      %swap3A_1196 = arith.constant 48 : index
      %swap3A_1197 = tpu.vector_load %arg8[%swap3A_1195, %swap3A_1196] {strides = array<i32>} : memref<200x128xi32, #tpu.memory_space<vmem>>, vector<1x16xi32>,
      %swap3A_1198 = vector.shape_cast %swap3A_1197 : vector<1x16xi32> to vector<16xi32>
      %swap3A_1199 = vector.shape_cast %select_n3A_1190 : vector<16xi32> to vector<1x16xi32>
      tpu.vector_store %arg8[%swap3A_1195, %swap3A_1196], %swap3A_1199 {strides = array<i32>} : memref<200x128xi32, #tpu.memory_space<vmem>>, vector<1x16xi32>,
      %mul3A_1200 = arith.constant 2 : i32
      %mul3A_1201 = arith.muli %add3A_1043, %mul3A_1200 : i32
      %add3A_1202 = arith.constant 0 : i32
      %add3A_1203 = arith.addi %mul3A_1201, %add3A_1202 : i32
      %get3A_1204 = arith.index_cast %add3A_1203 : i32 to index
      %get3A_1205 = arith.constant 64 : index
      %get3A_1206 = tpu.vector_load %arg6[%get3A_1204, %get3A_1205] {strides = array<i32>} : memref<200x128xi32, #tpu.memory_space<vmem>>, vector<1x16xi32>,
      %get3A_1207 = vector.shape_cast %get3A_1206 : vector<1x16xi32> to vector<16xi32>
      %gt3A_1208 = arith.constant 0 : i32
      %gt3A_1209 = vector.broadcast %gt3A_1208 : i32 to vector<16xi32>
      %gt3A_1210 = arith.cmpi sgt, %get3A_1207, %gt3A_1209 : vector<16xi32>
      %jit3A_1211 = arith.constant 1 : i32
      %jit3A_1212 = arith.constant 0 : i32
      %broadcast_in_dim3A_1213 = vector.broadcast %jit3A_1211 : i32 to vector<16xi32>
      %broadcast_in_dim3A_1214 = vector.broadcast %jit3A_1212 : i32 to vector<16xi32>
      %select_n3A_1215 = arith.select %gt3A_1210, %broadcast_in_dim3A_1213, %broadcast_in_dim3A_1214 : vector<16xi1>, vector<16xi32>
      %mul3A_1216 = arith.constant 2 : i32
      %mul3A_1217 = arith.muli %add3A_1043, %mul3A_1216 : i32
      %add3A_1218 = arith.constant 0 : i32
      %add3A_1219 = arith.addi %mul3A_1217, %add3A_1218 : i32
      %swap3A_1220 = arith.index_cast %add3A_1219 : i32 to index
      %swap3A_1221 = arith.constant 64 : index
      %swap3A_1222 = tpu.vector_load %arg8[%swap3A_1220, %swap3A_1221] {strides = array<i32>} : memref<200x128xi32, #tpu.memory_space<vmem>>, vector<1x16xi32>,
      %swap3A_1223 = vector.shape_cast %swap3A_1222 : vector<1x16xi32> to vector<16xi32>
      %swap3A_1224 = vector.shape_cast %select_n3A_1215 : vector<16xi32> to vector<1x16xi32>
      tpu.vector_store %arg8[%swap3A_1220, %swap3A_1221], %swap3A_1224 {strides = array<i32>} : memref<200x128xi32, #tpu.memory_space<vmem>>, vector<1x16xi32>,
      %mul3A_1225 = arith.constant 2 : i32
      %mul3A_1226 = arith.muli %add3A_1043, %mul3A_1225 : i32
      %add3A_1227 = arith.constant 0 : i32
      %add3A_1228 = arith.addi %mul3A_1226, %add3A_1227 : i32
      %get3A_1229 = arith.index_cast %add3A_1228 : i32 to index
      %get3A_1230 = arith.constant 80 : index
      %get3A_1231 = tpu.vector_load %arg6[%get3A_1229, %get3A_1230] {strides = array<i32>} : memref<200x128xi32, #tpu.memory_space<vmem>>, vector<1x16xi32>,
      %get3A_1232 = vector.shape_cast %get3A_1231 : vector<1x16xi32> to vector<16xi32>
      %gt3A_1233 = arith.constant 0 : i32
      %gt3A_1234 = vector.broadcast %gt3A_1233 : i32 to vector<16xi32>
      %gt3A_1235 = arith.cmpi sgt, %get3A_1232, %gt3A_1234 : vector<16xi32>
      %jit3A_1236 = arith.constant 1 : i32
      %jit3A_1237 = arith.constant 0 : i32
      %broadcast_in_dim3A_1238 = vector.broadcast %jit3A_1236 : i32 to vector<16xi32>
      %broadcast_in_dim3A_1239 = vector.broadcast %jit3A_1237 : i32 to vector<16xi32>
      %select_n3A_1240 = arith.select %gt3A_1235, %broadcast_in_dim3A_1238, %broadcast_in_dim3A_1239 : vector<16xi1>, vector<16xi32>
      %mul3A_1241 = arith.constant 2 : i32
      %mul3A_1242 = arith.muli %add3A_1043, %mul3A_1241 : i32
      %add3A_1243 = arith.constant 0 : i32
      %add3A_1244 = arith.addi %mul3A_1242, %add3A_1243 : i32
      %swap3A_1245 = arith.index_cast %add3A_1244 : i32 to index
      %swap3A_1246 = arith.constant 80 : index
      %swap3A_1247 = tpu.vector_load %arg8[%swap3A_1245, %swap3A_1246] {strides = array<i32>} : memref<200x128xi32, #tpu.memory_space<vmem>>, vector<1x16xi32>,
      %swap3A_1248 = vector.shape_cast %swap3A_1247 : vector<1x16xi32> to vector<16xi32>
      %swap3A_1249 = vector.shape_cast %select_n3A_1240 : vector<16xi32> to vector<1x16xi32>
      tpu.vector_store %arg8[%swap3A_1245, %swap3A_1246], %swap3A_1249 {strides = array<i32>} : memref<200x128xi32, #tpu.memory_space<vmem>>, vector<1x16xi32>,
      %mul3A_1250 = arith.constant 2 : i32
      %mul3A_1251 = arith.muli %add3A_1043, %mul3A_1250 : i32
      %add3A_1252 = arith.constant 0 : i32
      %add3A_1253 = arith.addi %mul3A_1251, %add3A_1252 : i32
      %get3A_1254 = arith.index_cast %add3A_1253 : i32 to index
      %get3A_1255 = arith.constant 96 : index
      %get3A_1256 = tpu.vector_load %arg6[%get3A_1254, %get3A_1255] {strides = array<i32>} : memref<200x128xi32, #tpu.memory_space<vmem>>, vector<1x16xi32>,
      %get3A_1257 = vector.shape_cast %get3A_1256 : vector<1x16xi32> to vector<16xi32>
      %gt3A_1258 = arith.constant 0 : i32
      %gt3A_1259 = vector.broadcast %gt3A_1258 : i32 to vector<16xi32>
      %gt3A_1260 = arith.cmpi sgt, %get3A_1257, %gt3A_1259 : vector<16xi32>
      %jit3A_1261 = arith.constant 1 : i32
      %jit3A_1262 = arith.constant 0 : i32
      %broadcast_in_dim3A_1263 = vector.broadcast %jit3A_1261 : i32 to vector<16xi32>
      %broadcast_in_dim3A_1264 = vector.broadcast %jit3A_1262 : i32 to vector<16xi32>
      %select_n3A_1265 = arith.select %gt3A_1260, %broadcast_in_dim3A_1263, %broadcast_in_dim3A_1264 : vector<16xi1>, vector<16xi32>
      %mul3A_1266 = arith.constant 2 : i32
      %mul3A_1267 = arith.muli %add3A_1043, %mul3A_1266 : i32
      %add3A_1268 = arith.constant 0 : i32
      %add3A_1269 = arith.addi %mul3A_1267, %add3A_1268 : i32
      %swap3A_1270 = arith.index_cast %add3A_1269 : i32 to index
      %swap3A_1271 = arith.constant 96 : index
      %swap3A_1272 = tpu.vector_load %arg8[%swap3A_1270, %swap3A_1271] {strides = array<i32>} : memref<200x128xi32, #tpu.memory_space<vmem>>, vector<1x16xi32>,
      %swap3A_1273 = vector.shape_cast %swap3A_1272 : vector<1x16xi32> to vector<16xi32>
      %swap3A_1274 = vector.shape_cast %select_n3A_1265 : vector<16xi32> to vector<1x16xi32>
      tpu.vector_store %arg8[%swap3A_1270, %swap3A_1271], %swap3A_1274 {strides = array<i32>} : memref<200x128xi32, #tpu.memory_space<vmem>>, vector<1x16xi32>,
      %mul3A_1275 = arith.constant 2 : i32
      %mul3A_1276 = arith.muli %add3A_1043, %mul3A_1275 : i32
      %add3A_1277 = arith.constant 0 : i32
      %add3A_1278 = arith.addi %mul3A_1276, %add3A_1277 : i32
      %get3A_1279 = arith.index_cast %add3A_1278 : i32 to index
      %get3A_1280 = arith.constant 112 : index
      %get3A_1281 = tpu.vector_load %arg6[%get3A_1279, %get3A_1280] {strides = array<i32>} : memref<200x128xi32, #tpu.memory_space<vmem>>, vector<1x16xi32>,
      %get3A_1282 = vector.shape_cast %get3A_1281 : vector<1x16xi32> to vector<16xi32>
      %gt3A_1283 = arith.constant 0 : i32
      %gt3A_1284 = vector.broadcast %gt3A_1283 : i32 to vector<16xi32>
      %gt3A_1285 = arith.cmpi sgt, %get3A_1282, %gt3A_1284 : vector<16xi32>
      %jit3A_1286 = arith.constant 1 : i32
      %jit3A_1287 = arith.constant 0 : i32
      %broadcast_in_dim3A_1288 = vector.broadcast %jit3A_1286 : i32 to vector<16xi32>
      %broadcast_in_dim3A_1289 = vector.broadcast %jit3A_1287 : i32 to vector<16xi32>
      %select_n3A_1290 = arith.select %gt3A_1285, %broadcast_in_dim3A_1288, %broadcast_in_dim3A_1289 : vector<16xi1>, vector<16xi32>
      %mul3A_1291 = arith.constant 2 : i32
      %mul3A_1292 = arith.muli %add3A_1043, %mul3A_1291 : i32
      %add3A_1293 = arith.constant 0 : i32
      %add3A_1294 = arith.addi %mul3A_1292, %add3A_1293 : i32
      %swap3A_1295 = arith.index_cast %add3A_1294 : i32 to index
      %swap3A_1296 = arith.constant 112 : index
      %swap3A_1297 = tpu.vector_load %arg8[%swap3A_1295, %swap3A_1296] {strides = array<i32>} : memref<200x128xi32, #tpu.memory_space<vmem>>, vector<1x16xi32>,
      %swap3A_1298 = vector.shape_cast %swap3A_1297 : vector<1x16xi32> to vector<16xi32>
      %swap3A_1299 = vector.shape_cast %select_n3A_1290 : vector<16xi32> to vector<1x16xi32>
      tpu.vector_store %arg8[%swap3A_1295, %swap3A_1296], %swap3A_1299 {strides = array<i32>} : memref<200x128xi32, #tpu.memory_space<vmem>>, vector<1x16xi32>,
      %mul3A_1300 = arith.constant 2 : i32
      %mul3A_1301 = arith.muli %add3A_1043, %mul3A_1300 : i32
      %add3A_1302 = arith.constant 1 : i32
      %add3A_1303 = arith.addi %mul3A_1301, %add3A_1302 : i32
      %get3A_1304 = arith.index_cast %add3A_1303 : i32 to index
      %get3A_1305 = arith.constant 0 : index
      %get3A_1306 = tpu.vector_load %arg6[%get3A_1304, %get3A_1305] {strides = array<i32>} : memref<200x128xi32, #tpu.memory_space<vmem>>, vector<1x16xi32>,
      %get3A_1307 = vector.shape_cast %get3A_1306 : vector<1x16xi32> to vector<16xi32>
      %gt3A_1308 = arith.constant 0 : i32
      %gt3A_1309 = vector.broadcast %gt3A_1308 : i32 to vector<16xi32>
      %gt3A_1310 = arith.cmpi sgt, %get3A_1307, %gt3A_1309 : vector<16xi32>
      %jit3A_1311 = arith.constant 1 : i32
      %jit3A_1312 = arith.constant 0 : i32
      %broadcast_in_dim3A_1313 = vector.broadcast %jit3A_1311 : i32 to vector<16xi32>
      %broadcast_in_dim3A_1314 = vector.broadcast %jit3A_1312 : i32 to vector<16xi32>
      %select_n3A_1315 = arith.select %gt3A_1310, %broadcast_in_dim3A_1313, %broadcast_in_dim3A_1314 : vector<16xi1>, vector<16xi32>
      %mul3A_1316 = arith.constant 2 : i32
      %mul3A_1317 = arith.muli %add3A_1043, %mul3A_1316 : i32
      %add3A_1318 = arith.constant 1 : i32
      %add3A_1319 = arith.addi %mul3A_1317, %add3A_1318 : i32
      %swap3A_1320 = arith.index_cast %add3A_1319 : i32 to index
      %swap3A_1321 = arith.constant 0 : index
      %swap3A_1322 = tpu.vector_load %arg8[%swap3A_1320, %swap3A_1321] {strides = array<i32>} : memref<200x128xi32, #tpu.memory_space<vmem>>, vector<1x16xi32>,
      %swap3A_1323 = vector.shape_cast %swap3A_1322 : vector<1x16xi32> to vector<16xi32>
      %swap3A_1324 = vector.shape_cast %select_n3A_1315 : vector<16xi32> to vector<1x16xi32>
      tpu.vector_store %arg8[%swap3A_1320, %swap3A_1321], %swap3A_1324 {strides = array<i32>} : memref<200x128xi32, #tpu.memory_space<vmem>>, vector<1x16xi32>,
      %mul3A_1325 = arith.constant 2 : i32
      %mul3A_1326 = arith.muli %add3A_1043, %mul3A_1325 : i32
      %add3A_1327 = arith.constant 1 : i32
      %add3A_1328 = arith.addi %mul3A_1326, %add3A_1327 : i32
      %get3A_1329 = arith.index_cast %add3A_1328 : i32 to index
      %get3A_1330 = arith.constant 16 : index
      %get3A_1331 = tpu.vector_load %arg6[%get3A_1329, %get3A_1330] {strides = array<i32>} : memref<200x128xi32, #tpu.memory_space<vmem>>, vector<1x16xi32>,
      %get3A_1332 = vector.shape_cast %get3A_1331 : vector<1x16xi32> to vector<16xi32>
      %gt3A_1333 = arith.constant 0 : i32
      %gt3A_1334 = vector.broadcast %gt3A_1333 : i32 to vector<16xi32>
      %gt3A_1335 = arith.cmpi sgt, %get3A_1332, %gt3A_1334 : vector<16xi32>
      %jit3A_1336 = arith.constant 1 : i32
      %jit3A_1337 = arith.constant 0 : i32
      %broadcast_in_dim3A_1338 = vector.broadcast %jit3A_1336 : i32 to vector<16xi32>
      %broadcast_in_dim3A_1339 = vector.broadcast %jit3A_1337 : i32 to vector<16xi32>
      %select_n3A_1340 = arith.select %gt3A_1335, %broadcast_in_dim3A_1338, %broadcast_in_dim3A_1339 : vector<16xi1>, vector<16xi32>
      %mul3A_1341 = arith.constant 2 : i32
      %mul3A_1342 = arith.muli %add3A_1043, %mul3A_1341 : i32
      %add3A_1343 = arith.constant 1 : i32
      %add3A_1344 = arith.addi %mul3A_1342, %add3A_1343 : i32
      %swap3A_1345 = arith.index_cast %add3A_1344 : i32 to index
      %swap3A_1346 = arith.constant 16 : index
      %swap3A_1347 = tpu.vector_load %arg8[%swap3A_1345, %swap3A_1346] {strides = array<i32>} : memref<200x128xi32, #tpu.memory_space<vmem>>, vector<1x16xi32>,
      %swap3A_1348 = vector.shape_cast %swap3A_1347 : vector<1x16xi32> to vector<16xi32>
      %swap3A_1349 = vector.shape_cast %select_n3A_1340 : vector<16xi32> to vector<1x16xi32>
      tpu.vector_store %arg8[%swap3A_1345, %swap3A_1346], %swap3A_1349 {strides = array<i32>} : memref<200x128xi32, #tpu.memory_space<vmem>>, vector<1x16xi32>,
      %mul3A_1350 = arith.constant 2 : i32
      %mul3A_1351 = arith.muli %add3A_1043, %mul3A_1350 : i32
      %add3A_1352 = arith.constant 1 : i32
      %add3A_1353 = arith.addi %mul3A_1351, %add3A_1352 : i32
      %get3A_1354 = arith.index_cast %add3A_1353 : i32 to index
      %get3A_1355 = arith.constant 32 : index
      %get3A_1356 = tpu.vector_load %arg6[%get3A_1354, %get3A_1355] {strides = array<i32>} : memref<200x128xi32, #tpu.memory_space<vmem>>, vector<1x16xi32>,
      %get3A_1357 = vector.shape_cast %get3A_1356 : vector<1x16xi32> to vector<16xi32>
      %gt3A_1358 = arith.constant 0 : i32
      %gt3A_1359 = vector.broadcast %gt3A_1358 : i32 to vector<16xi32>
      %gt3A_1360 = arith.cmpi sgt, %get3A_1357, %gt3A_1359 : vector<16xi32>
      %jit3A_1361 = arith.constant 1 : i32
      %jit3A_1362 = arith.constant 0 : i32
      %broadcast_in_dim3A_1363 = vector.broadcast %jit3A_1361 : i32 to vector<16xi32>
      %broadcast_in_dim3A_1364 = vector.broadcast %jit3A_1362 : i32 to vector<16xi32>
      %select_n3A_1365 = arith.select %gt3A_1360, %broadcast_in_dim3A_1363, %broadcast_in_dim3A_1364 : vector<16xi1>, vector<16xi32>
      %mul3A_1366 = arith.constant 2 : i32
      %mul3A_1367 = arith.muli %add3A_1043, %mul3A_1366 : i32
      %add3A_1368 = arith.constant 1 : i32
      %add3A_1369 = arith.addi %mul3A_1367, %add3A_1368 : i32
      %swap3A_1370 = arith.index_cast %add3A_1369 : i32 to index
      %swap3A_1371 = arith.constant 32 : index
      %swap3A_1372 = tpu.vector_load %arg8[%swap3A_1370, %swap3A_1371] {strides = array<i32>} : memref<200x128xi32, #tpu.memory_space<vmem>>, vector<1x16xi32>,
      %swap3A_1373 = vector.shape_cast %swap3A_1372 : vector<1x16xi32> to vector<16xi32>
      %swap3A_1374 = vector.shape_cast %select_n3A_1365 : vector<16xi32> to vector<1x16xi32>
      tpu.vector_store %arg8[%swap3A_1370, %swap3A_1371], %swap3A_1374 {strides = array<i32>} : memref<200x128xi32, #tpu.memory_space<vmem>>, vector<1x16xi32>,
      %mul3A_1375 = arith.constant 2 : i32
      %mul3A_1376 = arith.muli %add3A_1043, %mul3A_1375 : i32
      %add3A_1377 = arith.constant 1 : i32
      %add3A_1378 = arith.addi %mul3A_1376, %add3A_1377 : i32
      %get3A_1379 = arith.index_cast %add3A_1378 : i32 to index
      %get3A_1380 = arith.constant 48 : index
      %get3A_1381 = tpu.vector_load %arg6[%get3A_1379, %get3A_1380] {strides = array<i32>} : memref<200x128xi32, #tpu.memory_space<vmem>>, vector<1x16xi32>,
      %get3A_1382 = vector.shape_cast %get3A_1381 : vector<1x16xi32> to vector<16xi32>
      %gt3A_1383 = arith.constant 0 : i32
      %gt3A_1384 = vector.broadcast %gt3A_1383 : i32 to vector<16xi32>
      %gt3A_1385 = arith.cmpi sgt, %get3A_1382, %gt3A_1384 : vector<16xi32>
      %jit3A_1386 = arith.constant 1 : i32
      %jit3A_1387 = arith.constant 0 : i32
      %broadcast_in_dim3A_1388 = vector.broadcast %jit3A_1386 : i32 to vector<16xi32>
      %broadcast_in_dim3A_1389 = vector.broadcast %jit3A_1387 : i32 to vector<16xi32>
      %select_n3A_1390 = arith.select %gt3A_1385, %broadcast_in_dim3A_1388, %broadcast_in_dim3A_1389 : vector<16xi1>, vector<16xi32>
      %mul3A_1391 = arith.constant 2 : i32
      %mul3A_1392 = arith.muli %add3A_1043, %mul3A_1391 : i32
      %add3A_1393 = arith.constant 1 : i32
      %add3A_1394 = arith.addi %mul3A_1392, %add3A_1393 : i32
      %swap3A_1395 = arith.index_cast %add3A_1394 : i32 to index
      %swap3A_1396 = arith.constant 48 : index
      %swap3A_1397 = tpu.vector_load %arg8[%swap3A_1395, %swap3A_1396] {strides = array<i32>} : memref<200x128xi32, #tpu.memory_space<vmem>>, vector<1x16xi32>,
      %swap3A_1398 = vector.shape_cast %swap3A_1397 : vector<1x16xi32> to vector<16xi32>
      %swap3A_1399 = vector.shape_cast %select_n3A_1390 : vector<16xi32> to vector<1x16xi32>
      tpu.vector_store %arg8[%swap3A_1395, %swap3A_1396], %swap3A_1399 {strides = array<i32>} : memref<200x128xi32, #tpu.memory_space<vmem>>, vector<1x16xi32>,
      %mul3A_1400 = arith.constant 2 : i32
      %mul3A_1401 = arith.muli %add3A_1043, %mul3A_1400 : i32
      %add3A_1402 = arith.constant 1 : i32
      %add3A_1403 = arith.addi %mul3A_1401, %add3A_1402 : i32
      %get3A_1404 = arith.index_cast %add3A_1403 : i32 to index
      %get3A_1405 = arith.constant 64 : index
      %get3A_1406 = tpu.vector_load %arg6[%get3A_1404, %get3A_1405] {strides = array<i32>} : memref<200x128xi32, #tpu.memory_space<vmem>>, vector<1x16xi32>,
      %get3A_1407 = vector.shape_cast %get3A_1406 : vector<1x16xi32> to vector<16xi32>
      %gt3A_1408 = arith.constant 0 : i32
      %gt3A_1409 = vector.broadcast %gt3A_1408 : i32 to vector<16xi32>
      %gt3A_1410 = arith.cmpi sgt, %get3A_1407, %gt3A_1409 : vector<16xi32>
      %jit3A_1411 = arith.constant 1 : i32
      %jit3A_1412 = arith.constant 0 : i32
      %broadcast_in_dim3A_1413 = vector.broadcast %jit3A_1411 : i32 to vector<16xi32>
      %broadcast_in_dim3A_1414 = vector.broadcast %jit3A_1412 : i32 to vector<16xi32>
      %select_n3A_1415 = arith.select %gt3A_1410, %broadcast_in_dim3A_1413, %broadcast_in_dim3A_1414 : vector<16xi1>, vector<16xi32>
      %mul3A_1416 = arith.constant 2 : i32
      %mul3A_1417 = arith.muli %add3A_1043, %mul3A_1416 : i32
      %add3A_1418 = arith.constant 1 : i32
      %add3A_1419 = arith.addi %mul3A_1417, %add3A_1418 : i32
      %swap3A_1420 = arith.index_cast %add3A_1419 : i32 to index
      %swap3A_1421 = arith.constant 64 : index
      %swap3A_1422 = tpu.vector_load %arg8[%swap3A_1420, %swap3A_1421] {strides = array<i32>} : memref<200x128xi32, #tpu.memory_space<vmem>>, vector<1x16xi32>,
      %swap3A_1423 = vector.shape_cast %swap3A_1422 : vector<1x16xi32> to vector<16xi32>
      %swap3A_1424 = vector.shape_cast %select_n3A_1415 : vector<16xi32> to vector<1x16xi32>
      tpu.vector_store %arg8[%swap3A_1420, %swap3A_1421], %swap3A_1424 {strides = array<i32>} : memref<200x128xi32, #tpu.memory_space<vmem>>, vector<1x16xi32>,
      %mul3A_1425 = arith.constant 2 : i32
      %mul3A_1426 = arith.muli %add3A_1043, %mul3A_1425 : i32
      %add3A_1427 = arith.constant 1 : i32
      %add3A_1428 = arith.addi %mul3A_1426, %add3A_1427 : i32
      %get3A_1429 = arith.index_cast %add3A_1428 : i32 to index
      %get3A_1430 = arith.constant 80 : index
      %get3A_1431 = tpu.vector_load %arg6[%get3A_1429, %get3A_1430] {strides = array<i32>} : memref<200x128xi32, #tpu.memory_space<vmem>>, vector<1x16xi32>,
      %get3A_1432 = vector.shape_cast %get3A_1431 : vector<1x16xi32> to vector<16xi32>
      %gt3A_1433 = arith.constant 0 : i32
      %gt3A_1434 = vector.broadcast %gt3A_1433 : i32 to vector<16xi32>
      %gt3A_1435 = arith.cmpi sgt, %get3A_1432, %gt3A_1434 : vector<16xi32>
      %jit3A_1436 = arith.constant 1 : i32
      %jit3A_1437 = arith.constant 0 : i32
      %broadcast_in_dim3A_1438 = vector.broadcast %jit3A_1436 : i32 to vector<16xi32>
      %broadcast_in_dim3A_1439 = vector.broadcast %jit3A_1437 : i32 to vector<16xi32>
      %select_n3A_1440 = arith.select %gt3A_1435, %broadcast_in_dim3A_1438, %broadcast_in_dim3A_1439 : vector<16xi1>, vector<16xi32>
      %mul3A_1441 = arith.constant 2 : i32
      %mul3A_1442 = arith.muli %add3A_1043, %mul3A_1441 : i32
      %add3A_1443 = arith.constant 1 : i32
      %add3A_1444 = arith.addi %mul3A_1442, %add3A_1443 : i32
      %swap3A_1445 = arith.index_cast %add3A_1444 : i32 to index
      %swap3A_1446 = arith.constant 80 : index
      %swap3A_1447 = tpu.vector_load %arg8[%swap3A_1445, %swap3A_1446] {strides = array<i32>} : memref<200x128xi32, #tpu.memory_space<vmem>>, vector<1x16xi32>,
      %swap3A_1448 = vector.shape_cast %swap3A_1447 : vector<1x16xi32> to vector<16xi32>
      %swap3A_1449 = vector.shape_cast %select_n3A_1440 : vector<16xi32> to vector<1x16xi32>
      tpu.vector_store %arg8[%swap3A_1445, %swap3A_1446], %swap3A_1449 {strides = array<i32>} : memref<200x128xi32, #tpu.memory_space<vmem>>, vector<1x16xi32>,
      %mul3A_1450 = arith.constant 2 : i32
      %mul3A_1451 = arith.muli %add3A_1043, %mul3A_1450 : i32
      %add3A_1452 = arith.constant 1 : i32
      %add3A_1453 = arith.addi %mul3A_1451, %add3A_1452 : i32
      %get3A_1454 = arith.index_cast %add3A_1453 : i32 to index
      %get3A_1455 = arith.constant 96 : index
      %get3A_1456 = tpu.vector_load %arg6[%get3A_1454, %get3A_1455] {strides = array<i32>} : memref<200x128xi32, #tpu.memory_space<vmem>>, vector<1x16xi32>,
      %get3A_1457 = vector.shape_cast %get3A_1456 : vector<1x16xi32> to vector<16xi32>
      %gt3A_1458 = arith.constant 0 : i32
      %gt3A_1459 = vector.broadcast %gt3A_1458 : i32 to vector<16xi32>
      %gt3A_1460 = arith.cmpi sgt, %get3A_1457, %gt3A_1459 : vector<16xi32>
      %jit3A_1461 = arith.constant 1 : i32
      %jit3A_1462 = arith.constant 0 : i32
      %broadcast_in_dim3A_1463 = vector.broadcast %jit3A_1461 : i32 to vector<16xi32>
      %broadcast_in_dim3A_1464 = vector.broadcast %jit3A_1462 : i32 to vector<16xi32>
      %select_n3A_1465 = arith.select %gt3A_1460, %broadcast_in_dim3A_1463, %broadcast_in_dim3A_1464 : vector<16xi1>, vector<16xi32>
      %mul3A_1466 = arith.constant 2 : i32
      %mul3A_1467 = arith.muli %add3A_1043, %mul3A_1466 : i32
      %add3A_1468 = arith.constant 1 : i32
      %add3A_1469 = arith.addi %mul3A_1467, %add3A_1468 : i32
      %swap3A_1470 = arith.index_cast %add3A_1469 : i32 to index
      %swap3A_1471 = arith.constant 96 : index
      %swap3A_1472 = tpu.vector_load %arg8[%swap3A_1470, %swap3A_1471] {strides = array<i32>} : memref<200x128xi32, #tpu.memory_space<vmem>>, vector<1x16xi32>,
      %swap3A_1473 = vector.shape_cast %swap3A_1472 : vector<1x16xi32> to vector<16xi32>
      %swap3A_1474 = vector.shape_cast %select_n3A_1465 : vector<16xi32> to vector<1x16xi32>
      tpu.vector_store %arg8[%swap3A_1470, %swap3A_1471], %swap3A_1474 {strides = array<i32>} : memref<200x128xi32, #tpu.memory_space<vmem>>, vector<1x16xi32>,
      %mul3A_1475 = arith.constant 2 : i32
      %mul3A_1476 = arith.muli %add3A_1043, %mul3A_1475 : i32
      %add3A_1477 = arith.constant 1 : i32
      %add3A_1478 = arith.addi %mul3A_1476, %add3A_1477 : i32
      %get3A_1479 = arith.index_cast %add3A_1478 : i32 to index
      %get3A_1480 = arith.constant 112 : index
      %get3A_1481 = tpu.vector_load %arg6[%get3A_1479, %get3A_1480] {strides = array<i32>} : memref<200x128xi32, #tpu.memory_space<vmem>>, vector<1x16xi32>,
      %get3A_1482 = vector.shape_cast %get3A_1481 : vector<1x16xi32> to vector<16xi32>
      %gt3A_1483 = arith.constant 0 : i32
      %gt3A_1484 = vector.broadcast %gt3A_1483 : i32 to vector<16xi32>
      %gt3A_1485 = arith.cmpi sgt, %get3A_1482, %gt3A_1484 : vector<16xi32>
      %jit3A_1486 = arith.constant 1 : i32
      %jit3A_1487 = arith.constant 0 : i32
      %broadcast_in_dim3A_1488 = vector.broadcast %jit3A_1486 : i32 to vector<16xi32>
      %broadcast_in_dim3A_1489 = vector.broadcast %jit3A_1487 : i32 to vector<16xi32>
      %select_n3A_1490 = arith.select %gt3A_1485, %broadcast_in_dim3A_1488, %broadcast_in_dim3A_1489 : vector<16xi1>, vector<16xi32>
      %mul3A_1491 = arith.constant 2 : i32
      %mul3A_1492 = arith.muli %add3A_1043, %mul3A_1491 : i32
      %add3A_1493 = arith.constant 1 : i32
      %add3A_1494 = arith.addi %mul3A_1492, %add3A_1493 : i32
      %swap3A_1495 = arith.index_cast %add3A_1494 : i32 to index
      %swap3A_1496 = arith.constant 112 : index
      %swap3A_1497 = tpu.vector_load %arg8[%swap3A_1495, %swap3A_1496] {strides = array<i32>} : memref<200x128xi32, #tpu.memory_space<vmem>>, vector<1x16xi32>,
      %swap3A_1498 = vector.shape_cast %swap3A_1497 : vector<1x16xi32> to vector<16xi32>
      %swap3A_1499 = vector.shape_cast %select_n3A_1490 : vector<16xi32> to vector<1x16xi32>
      tpu.vector_store %arg8[%swap3A_1495, %swap3A_1496], %swap3A_1499 {strides = array<i32>} : memref<200x128xi32, #tpu.memory_space<vmem>>, vector<1x16xi32>,
      %mul3A_1500 = arith.constant 4 : i32
      %mul3A_1501 = arith.muli %scan3A_129, %mul3A_1500 : i32
      %add3A_1502 = arith.constant 3 : i32
      %add3A_1503 = arith.addi %mul3A_1501, %add3A_1502 : i32
      %gt3A_1504 = arith.constant 0 : i32
      %gt3A_1505 = arith.cmpi sgt, %scan3A_129, %gt3A_1504 : i32
      %convert_element_type3A_1506 = arith.extui %gt3A_1505 : i1 to i32
      %cond3A_1507 = arith.constant 0 : i32
      %cond3A_1508 = arith.cmpi ne, %convert_element_type3A_1506, %cond3A_1507 : i32
      scf.if %cond3A_1508 {
        %dma_wait3A_1960 = arith.constant 3 : i32
        %dma_wait3A_1961 = arith.constant 0 : i32
        %dma_wait3A_1962 = arith.constant 0 : i32
        %dma_wait3A_1963 = arith.constant 0 : i32
        %dma_wait3A_1964 = tpu.memref_slice %arg7[%dma_wait3A_1960, %dma_wait3A_1961, %dma_wait3A_1962, %dma_wait3A_1963] : memref<4x2x128x64xf32, #tpu.memory_space<vmem>> -> memref<1x2x128x64xf32, #tpu.memory_space<vmem>>
        %dma_wait3A_1965 = tpu.memref_squeeze %dma_wait3A_1964 : memref<1x2x128x64xf32, #tpu.memory_space<vmem>> -> memref<2x128x64xf32, #tpu.memory_space<vmem>>
        %dma_wait3A_1966 = arith.constant 0 : i32
        %dma_wait3A_1967 = arith.constant 0 : i32
        %dma_wait3A_1968 = tpu.memref_slice %arg4[%mul3A_2, %dma_wait3A_1966, %dma_wait3A_1967] : memref<6400x128x64xf32, #tpu.memory_space<hbm>> -> memref<2x128x64xf32, #tpu.memory_space<hbm>>
        %dma_wait3A_1969 = arith.constant 0 : i32
        %dma_wait3A_1970 = arith.constant 0 : i32
        %dma_wait3A_1971 = tpu.memref_slice %arg4[%mul3A_2, %dma_wait3A_1969, %dma_wait3A_1970] : memref<6400x128x64xf32, #tpu.memory_space<hbm>> -> memref<2x128x64xf32, #tpu.memory_space<hbm>>
        %dma_wait3A_1972 = arith.constant 0 : i32
        %dma_wait3A_1973 = arith.constant 0 : i32
        %dma_wait3A_1974 = arith.constant 0 : i32
        %dma_wait3A_1975 = tpu.memref_slice %arg7[%dma_wait3A_1960, %dma_wait3A_1972, %dma_wait3A_1973, %dma_wait3A_1974] : memref<4x2x128x64xf32, #tpu.memory_space<vmem>> -> memref<1x2x128x64xf32, #tpu.memory_space<vmem>>
        %dma_wait3A_1976 = tpu.memref_squeeze %dma_wait3A_1975 : memref<1x2x128x64xf32, #tpu.memory_space<vmem>> -> memref<2x128x64xf32, #tpu.memory_space<vmem>>
        tpu.wait_dma2 semaphore(%arg16 : memref<!tpu.dma_semaphore, #tpu.memory_space<semaphore_mem>>) src(%dma_wait3A_1976 : memref<2x128x64xf32, #tpu.memory_space<vmem>>) dst(%dma_wait3A_1971 : memref<2x128x64xf32, #tpu.memory_space<hbm>>)
      } else {
      }
      %mul3A_1509 = arith.constant 2 : i32
      %mul3A_1510 = arith.muli %add3A_1503, %mul3A_1509 : i32
      %add3A_1511 = arith.constant 0 : i32
      %add3A_1512 = arith.addi %mul3A_1510, %add3A_1511 : i32
      %dma_start3A_1513 = arith.constant 3 : i32
      %dma_start3A_1514 = arith.constant 0 : i32
      %dma_start3A_1515 = arith.constant 0 : i32
      %dma_start3A_1516 = arith.constant 0 : i32
      %dma_start3A_1517 = arith.constant 0 : i32
      %dma_start3A_1518 = tpu.memref_slice %arg7[%dma_start3A_1513, %dma_start3A_1515, %dma_start3A_1516, %dma_start3A_1517] : memref<4x2x128x64xf32, #tpu.memory_space<vmem>> -> memref<1x2x128x64xf32, #tpu.memory_space<vmem>>
      %dma_start3A_1519 = tpu.memref_squeeze %dma_start3A_1518 : memref<1x2x128x64xf32, #tpu.memory_space<vmem>> -> memref<2x128x64xf32, #tpu.memory_space<vmem>>
      %dma_start3A_1520 = arith.constant 0 : i32
      %dma_start3A_1521 = arith.constant 0 : i32
      %dma_start3A_1522 = tpu.memref_slice %dma_start3A_1519[%dma_start3A_1514, %dma_start3A_1520, %dma_start3A_1521] : memref<2x128x64xf32, #tpu.memory_space<vmem>> -> memref<1x128x64xf32, #tpu.memory_space<vmem>>
      %dma_start3A_1523 = tpu.memref_squeeze %dma_start3A_1522 : memref<1x128x64xf32, #tpu.memory_space<vmem>> -> memref<128x64xf32, #tpu.memory_space<vmem>>
      %dma_start3A_1524 = arith.constant 0 : i32
      %dma_start3A_1525 = tpu.memref_slice %arg6[%add3A_1512, %dma_start3A_1524] : memref<200x128xi32, #tpu.memory_space<vmem>> -> memref<1x128xi32, #tpu.memory_space<vmem>>
      %dma_start3A_1526 = tpu.memref_squeeze %dma_start3A_1525 : memref<1x128xi32, #tpu.memory_space<vmem>> -> memref<128xi32, #tpu.memory_space<vmem>>
      %dma_start3A_1527 = arith.constant 0 : i32
      %dma_start3A_1528 = arith.constant 0 : i32
      %dma_start3A_1529 = tpu.memref_slice %arg2[%dma_start3A_1527, %dma_start3A_1528] : memref<100000x64xf32, #tpu.memory_space<hbm>> -> memref<100000x64xf32, #tpu.memory_space<hbm>>
      tpu.enqueue_indirect_dma source(%dma_start3A_1529 : memref<100000x64xf32, #tpu.memory_space<hbm>>) target(%dma_start3A_1523 : memref<128x64xf32, #tpu.memory_space<vmem>>) offsets(%dma_start3A_1526 : memref<128xi32, #tpu.memory_space<vmem>>) semaphore(%arg12 : memref<!tpu.dma_semaphore, #tpu.memory_space<semaphore_mem>>)
      %mul3A_1530 = arith.constant 2 : i32
      %mul3A_1531 = arith.muli %add3A_1503, %mul3A_1530 : i32
      %add3A_1532 = arith.constant 1 : i32
      %add3A_1533 = arith.addi %mul3A_1531, %add3A_1532 : i32
      %dma_start3A_1534 = arith.constant 3 : i32
      %dma_start3A_1535 = arith.constant 1 : i32
      %dma_start3A_1536 = arith.constant 0 : i32
      %dma_start3A_1537 = arith.constant 0 : i32
      %dma_start3A_1538 = arith.constant 0 : i32
      %dma_start3A_1539 = tpu.memref_slice %arg7[%dma_start3A_1534, %dma_start3A_1536, %dma_start3A_1537, %dma_start3A_1538] : memref<4x2x128x64xf32, #tpu.memory_space<vmem>> -> memref<1x2x128x64xf32, #tpu.memory_space<vmem>>
      %dma_start3A_1540 = tpu.memref_squeeze %dma_start3A_1539 : memref<1x2x128x64xf32, #tpu.memory_space<vmem>> -> memref<2x128x64xf32, #tpu.memory_space<vmem>>
      %dma_start3A_1541 = arith.constant 0 : i32
      %dma_start3A_1542 = arith.constant 0 : i32
      %dma_start3A_1543 = tpu.memref_slice %dma_start3A_1540[%dma_start3A_1535, %dma_start3A_1541, %dma_start3A_1542] : memref<2x128x64xf32, #tpu.memory_space<vmem>> -> memref<1x128x64xf32, #tpu.memory_space<vmem>>
      %dma_start3A_1544 = tpu.memref_squeeze %dma_start3A_1543 : memref<1x128x64xf32, #tpu.memory_space<vmem>> -> memref<128x64xf32, #tpu.memory_space<vmem>>
      %dma_start3A_1545 = arith.constant 0 : i32
      %dma_start3A_1546 = tpu.memref_slice %arg6[%add3A_1533, %dma_start3A_1545] : memref<200x128xi32, #tpu.memory_space<vmem>> -> memref<1x128xi32, #tpu.memory_space<vmem>>
      %dma_start3A_1547 = tpu.memref_squeeze %dma_start3A_1546 : memref<1x128xi32, #tpu.memory_space<vmem>> -> memref<128xi32, #tpu.memory_space<vmem>>
      %dma_start3A_1548 = arith.constant 0 : i32
      %dma_start3A_1549 = arith.constant 0 : i32
      %dma_start3A_1550 = tpu.memref_slice %arg2[%dma_start3A_1548, %dma_start3A_1549] : memref<100000x64xf32, #tpu.memory_space<hbm>> -> memref<100000x64xf32, #tpu.memory_space<hbm>>
      tpu.enqueue_indirect_dma source(%dma_start3A_1550 : memref<100000x64xf32, #tpu.memory_space<hbm>>) target(%dma_start3A_1544 : memref<128x64xf32, #tpu.memory_space<vmem>>) offsets(%dma_start3A_1547 : memref<128xi32, #tpu.memory_space<vmem>>) semaphore(%arg12 : memref<!tpu.dma_semaphore, #tpu.memory_space<semaphore_mem>>)
      %sub3A_1551 = arith.constant 1 : i32
      %sub3A_1552 = arith.subi %add3A_1503, %sub3A_1551 : i32
      %gt3A_1553 = arith.constant 0 : i32
      %gt3A_1554 = arith.cmpi sgt, %scan3A_129, %gt3A_1553 : i32
      %or3A_1555 = arith.constant true
      %or3A_1556 = arith.ori %gt3A_1554, %or3A_1555 : i1
      %convert_element_type3A_1557 = arith.extui %or3A_1556 : i1 to i32
      %cond3A_1558 = arith.constant 0 : i32
      %cond3A_1559 = arith.cmpi ne, %convert_element_type3A_1557, %cond3A_1558 : i32
      scf.if %cond3A_1559 {
        %dma_wait3A_1960 = arith.constant 0 : i32
        %dma_wait3A_1961 = arith.constant 2 : i32
        %dma_wait3A_1962 = arith.constant 0 : i32
        %dma_wait3A_1963 = arith.constant 0 : i32
        %dma_wait3A_1964 = arith.constant 0 : i32
        %dma_wait3A_1965 = arith.constant 0 : i32
        %dma_wait3A_1966 = tpu.memref_slice %arg7[%dma_wait3A_1961, %dma_wait3A_1963, %dma_wait3A_1964, %dma_wait3A_1965] : memref<4x2x128x64xf32, #tpu.memory_space<vmem>> -> memref<1x2x128x64xf32, #tpu.memory_space<vmem>>
        %dma_wait3A_1967 = tpu.memref_squeeze %dma_wait3A_1966 : memref<1x2x128x64xf32, #tpu.memory_space<vmem>> -> memref<2x128x64xf32, #tpu.memory_space<vmem>>
        %dma_wait3A_1968 = arith.constant 0 : i32
        %dma_wait3A_1969 = arith.constant 0 : i32
        %dma_wait3A_1970 = tpu.memref_slice %dma_wait3A_1967[%dma_wait3A_1962, %dma_wait3A_1968, %dma_wait3A_1969] : memref<2x128x64xf32, #tpu.memory_space<vmem>> -> memref<1x128x64xf32, #tpu.memory_space<vmem>>
        %dma_wait3A_1971 = tpu.memref_squeeze %dma_wait3A_1970 : memref<1x128x64xf32, #tpu.memory_space<vmem>> -> memref<128x64xf32, #tpu.memory_space<vmem>>
        %dma_wait3A_1972 = arith.constant 0 : i32
        %dma_wait3A_1973 = tpu.memref_slice %arg6[%dma_wait3A_1960, %dma_wait3A_1972] : memref<200x128xi32, #tpu.memory_space<vmem>> -> memref<1x128xi32, #tpu.memory_space<vmem>>
        %dma_wait3A_1974 = tpu.memref_squeeze %dma_wait3A_1973 : memref<1x128xi32, #tpu.memory_space<vmem>> -> memref<128xi32, #tpu.memory_space<vmem>>
        %dma_wait3A_1975 = arith.constant 0 : i32
        %dma_wait3A_1976 = arith.constant 0 : i32
        %dma_wait3A_1977 = tpu.memref_slice %arg2[%dma_wait3A_1975, %dma_wait3A_1976] : memref<100000x64xf32, #tpu.memory_space<hbm>> -> memref<100000x64xf32, #tpu.memory_space<hbm>>
        tpu.wait_indirect_dma semaphore(%arg11 : memref<!tpu.dma_semaphore, #tpu.memory_space<semaphore_mem>>) src(%dma_wait3A_1977 : memref<100000x64xf32, #tpu.memory_space<hbm>>) dst(%dma_wait3A_1971 : memref<128x64xf32, #tpu.memory_space<vmem>>)
        %dma_wait3A_1978 = arith.constant 1 : i32
        %dma_wait3A_1979 = arith.constant 2 : i32
        %dma_wait3A_1980 = arith.constant 1 : i32
        %dma_wait3A_1981 = arith.constant 0 : i32
        %dma_wait3A_1982 = arith.constant 0 : i32
        %dma_wait3A_1983 = arith.constant 0 : i32
        %dma_wait3A_1984 = tpu.memref_slice %arg7[%dma_wait3A_1979, %dma_wait3A_1981, %dma_wait3A_1982, %dma_wait3A_1983] : memref<4x2x128x64xf32, #tpu.memory_space<vmem>> -> memref<1x2x128x64xf32, #tpu.memory_space<vmem>>
        %dma_wait3A_1985 = tpu.memref_squeeze %dma_wait3A_1984 : memref<1x2x128x64xf32, #tpu.memory_space<vmem>> -> memref<2x128x64xf32, #tpu.memory_space<vmem>>
        %dma_wait3A_1986 = arith.constant 0 : i32
        %dma_wait3A_1987 = arith.constant 0 : i32
        %dma_wait3A_1988 = tpu.memref_slice %dma_wait3A_1985[%dma_wait3A_1980, %dma_wait3A_1986, %dma_wait3A_1987] : memref<2x128x64xf32, #tpu.memory_space<vmem>> -> memref<1x128x64xf32, #tpu.memory_space<vmem>>
        %dma_wait3A_1989 = tpu.memref_squeeze %dma_wait3A_1988 : memref<1x128x64xf32, #tpu.memory_space<vmem>> -> memref<128x64xf32, #tpu.memory_space<vmem>>
        %dma_wait3A_1990 = arith.constant 0 : i32
        %dma_wait3A_1991 = tpu.memref_slice %arg6[%dma_wait3A_1978, %dma_wait3A_1990] : memref<200x128xi32, #tpu.memory_space<vmem>> -> memref<1x128xi32, #tpu.memory_space<vmem>>
        %dma_wait3A_1992 = tpu.memref_squeeze %dma_wait3A_1991 : memref<1x128xi32, #tpu.memory_space<vmem>> -> memref<128xi32, #tpu.memory_space<vmem>>
        %dma_wait3A_1993 = arith.constant 0 : i32
        %dma_wait3A_1994 = arith.constant 0 : i32
        %dma_wait3A_1995 = tpu.memref_slice %arg2[%dma_wait3A_1993, %dma_wait3A_1994] : memref<100000x64xf32, #tpu.memory_space<hbm>> -> memref<100000x64xf32, #tpu.memory_space<hbm>>
        tpu.wait_indirect_dma semaphore(%arg11 : memref<!tpu.dma_semaphore, #tpu.memory_space<semaphore_mem>>) src(%dma_wait3A_1995 : memref<100000x64xf32, #tpu.memory_space<hbm>>) dst(%dma_wait3A_1989 : memref<128x64xf32, #tpu.memory_space<vmem>>)
        %mul3A_1996 = arith.constant 2 : i32
        %mul3A_1997 = arith.muli %sub3A_1552, %mul3A_1996 : i32
        %add3A_1998 = arith.addi %mul3A_2, %mul3A_1997 : i32
        %dma_start3A_1999 = arith.constant 2 : i32
        %dma_start3A_2000 = arith.constant 0 : i32
        %dma_start3A_2001 = arith.constant 0 : i32
        %dma_start3A_2002 = arith.constant 0 : i32
        %dma_start3A_2003 = tpu.memref_slice %arg7[%dma_start3A_1999, %dma_start3A_2000, %dma_start3A_2001, %dma_start3A_2002] : memref<4x2x128x64xf32, #tpu.memory_space<vmem>> -> memref<1x2x128x64xf32, #tpu.memory_space<vmem>>
        %dma_start3A_2004 = tpu.memref_squeeze %dma_start3A_2003 : memref<1x2x128x64xf32, #tpu.memory_space<vmem>> -> memref<2x128x64xf32, #tpu.memory_space<vmem>>
        %dma_start3A_2005 = arith.constant 0 : i32
        %dma_start3A_2006 = arith.constant 0 : i32
        %dma_start3A_2007 = tpu.memref_slice %arg4[%add3A_1998, %dma_start3A_2005, %dma_start3A_2006] : memref<6400x128x64xf32, #tpu.memory_space<hbm>> -> memref<2x128x64xf32, #tpu.memory_space<hbm>>
        %dma_start3A_2008 = arith.constant 0 : i32
        %dma_start3A_2009 = arith.constant 0 : i32
        %dma_start3A_2010 = tpu.memref_slice %arg4[%add3A_1998, %dma_start3A_2008, %dma_start3A_2009] : memref<6400x128x64xf32, #tpu.memory_space<hbm>> -> memref<2x128x64xf32, #tpu.memory_space<hbm>>
        %dma_start3A_2011 = arith.constant 0 : i32
        %dma_start3A_2012 = arith.constant 0 : i32
        %dma_start3A_2013 = arith.constant 0 : i32
        %dma_start3A_2014 = tpu.memref_slice %arg7[%dma_start3A_1999, %dma_start3A_2011, %dma_start3A_2012, %dma_start3A_2013] : memref<4x2x128x64xf32, #tpu.memory_space<vmem>> -> memref<1x2x128x64xf32, #tpu.memory_space<vmem>>
        %dma_start3A_2015 = tpu.memref_squeeze %dma_start3A_2014 : memref<1x2x128x64xf32, #tpu.memory_space<vmem>> -> memref<2x128x64xf32, #tpu.memory_space<vmem>>
        tpu.enqueue_dma source(%dma_start3A_2015 : memref<2x128x64xf32, #tpu.memory_space<vmem>>) target(%dma_start3A_2010 : memref<2x128x64xf32, #tpu.memory_space<hbm>>) target_semaphore(%arg15 : memref<!tpu.dma_semaphore, #tpu.memory_space<semaphore_mem>>)
      } else {
      }
      %mul3A_1560 = arith.constant 2 : i32
      %mul3A_1561 = arith.muli %add3A_1503, %mul3A_1560 : i32
      %add3A_1562 = arith.constant 0 : i32
      %add3A_1563 = arith.addi %mul3A_1561, %add3A_1562 : i32
      %get3A_1564 = arith.index_cast %add3A_1563 : i32 to index
      %get3A_1565 = arith.constant 0 : index
      %get3A_1566 = tpu.vector_load %arg6[%get3A_1564, %get3A_1565] {strides = array<i32>} : memref<200x128xi32, #tpu.memory_space<vmem>>, vector<1x16xi32>,
      %get3A_1567 = vector.shape_cast %get3A_1566 : vector<1x16xi32> to vector<16xi32>
      %gt3A_1568 = arith.constant 0 : i32
      %gt3A_1569 = vector.broadcast %gt3A_1568 : i32 to vector<16xi32>
      %gt3A_1570 = arith.cmpi sgt, %get3A_1567, %gt3A_1569 : vector<16xi32>
      %jit3A_1571 = arith.constant 1 : i32
      %jit3A_1572 = arith.constant 0 : i32
      %broadcast_in_dim3A_1573 = vector.broadcast %jit3A_1571 : i32 to vector<16xi32>
      %broadcast_in_dim3A_1574 = vector.broadcast %jit3A_1572 : i32 to vector<16xi32>
      %select_n3A_1575 = arith.select %gt3A_1570, %broadcast_in_dim3A_1573, %broadcast_in_dim3A_1574 : vector<16xi1>, vector<16xi32>
      %mul3A_1576 = arith.constant 2 : i32
      %mul3A_1577 = arith.muli %add3A_1503, %mul3A_1576 : i32
      %add3A_1578 = arith.constant 0 : i32
      %add3A_1579 = arith.addi %mul3A_1577, %add3A_1578 : i32
      %swap3A_1580 = arith.index_cast %add3A_1579 : i32 to index
      %swap3A_1581 = arith.constant 0 : index
      %swap3A_1582 = tpu.vector_load %arg8[%swap3A_1580, %swap3A_1581] {strides = array<i32>} : memref<200x128xi32, #tpu.memory_space<vmem>>, vector<1x16xi32>,
      %swap3A_1583 = vector.shape_cast %swap3A_1582 : vector<1x16xi32> to vector<16xi32>
      %swap3A_1584 = vector.shape_cast %select_n3A_1575 : vector<16xi32> to vector<1x16xi32>
      tpu.vector_store %arg8[%swap3A_1580, %swap3A_1581], %swap3A_1584 {strides = array<i32>} : memref<200x128xi32, #tpu.memory_space<vmem>>, vector<1x16xi32>,
      %mul3A_1585 = arith.constant 2 : i32
      %mul3A_1586 = arith.muli %add3A_1503, %mul3A_1585 : i32
      %add3A_1587 = arith.constant 0 : i32
      %add3A_1588 = arith.addi %mul3A_1586, %add3A_1587 : i32
      %get3A_1589 = arith.index_cast %add3A_1588 : i32 to index
      %get3A_1590 = arith.constant 16 : index
      %get3A_1591 = tpu.vector_load %arg6[%get3A_1589, %get3A_1590] {strides = array<i32>} : memref<200x128xi32, #tpu.memory_space<vmem>>, vector<1x16xi32>,
      %get3A_1592 = vector.shape_cast %get3A_1591 : vector<1x16xi32> to vector<16xi32>
      %gt3A_1593 = arith.constant 0 : i32
      %gt3A_1594 = vector.broadcast %gt3A_1593 : i32 to vector<16xi32>
      %gt3A_1595 = arith.cmpi sgt, %get3A_1592, %gt3A_1594 : vector<16xi32>
      %jit3A_1596 = arith.constant 1 : i32
      %jit3A_1597 = arith.constant 0 : i32
      %broadcast_in_dim3A_1598 = vector.broadcast %jit3A_1596 : i32 to vector<16xi32>
      %broadcast_in_dim3A_1599 = vector.broadcast %jit3A_1597 : i32 to vector<16xi32>
      %select_n3A_1600 = arith.select %gt3A_1595, %broadcast_in_dim3A_1598, %broadcast_in_dim3A_1599 : vector<16xi1>, vector<16xi32>
      %mul3A_1601 = arith.constant 2 : i32
      %mul3A_1602 = arith.muli %add3A_1503, %mul3A_1601 : i32
      %add3A_1603 = arith.constant 0 : i32
      %add3A_1604 = arith.addi %mul3A_1602, %add3A_1603 : i32
      %swap3A_1605 = arith.index_cast %add3A_1604 : i32 to index
      %swap3A_1606 = arith.constant 16 : index
      %swap3A_1607 = tpu.vector_load %arg8[%swap3A_1605, %swap3A_1606] {strides = array<i32>} : memref<200x128xi32, #tpu.memory_space<vmem>>, vector<1x16xi32>,
      %swap3A_1608 = vector.shape_cast %swap3A_1607 : vector<1x16xi32> to vector<16xi32>
      %swap3A_1609 = vector.shape_cast %select_n3A_1600 : vector<16xi32> to vector<1x16xi32>
      tpu.vector_store %arg8[%swap3A_1605, %swap3A_1606], %swap3A_1609 {strides = array<i32>} : memref<200x128xi32, #tpu.memory_space<vmem>>, vector<1x16xi32>,
      %mul3A_1610 = arith.constant 2 : i32
      %mul3A_1611 = arith.muli %add3A_1503, %mul3A_1610 : i32
      %add3A_1612 = arith.constant 0 : i32
      %add3A_1613 = arith.addi %mul3A_1611, %add3A_1612 : i32
      %get3A_1614 = arith.index_cast %add3A_1613 : i32 to index
      %get3A_1615 = arith.constant 32 : index
      %get3A_1616 = tpu.vector_load %arg6[%get3A_1614, %get3A_1615] {strides = array<i32>} : memref<200x128xi32, #tpu.memory_space<vmem>>, vector<1x16xi32>,
      %get3A_1617 = vector.shape_cast %get3A_1616 : vector<1x16xi32> to vector<16xi32>
      %gt3A_1618 = arith.constant 0 : i32
      %gt3A_1619 = vector.broadcast %gt3A_1618 : i32 to vector<16xi32>
      %gt3A_1620 = arith.cmpi sgt, %get3A_1617, %gt3A_1619 : vector<16xi32>
      %jit3A_1621 = arith.constant 1 : i32
      %jit3A_1622 = arith.constant 0 : i32
      %broadcast_in_dim3A_1623 = vector.broadcast %jit3A_1621 : i32 to vector<16xi32>
      %broadcast_in_dim3A_1624 = vector.broadcast %jit3A_1622 : i32 to vector<16xi32>
      %select_n3A_1625 = arith.select %gt3A_1620, %broadcast_in_dim3A_1623, %broadcast_in_dim3A_1624 : vector<16xi1>, vector<16xi32>
      %mul3A_1626 = arith.constant 2 : i32
      %mul3A_1627 = arith.muli %add3A_1503, %mul3A_1626 : i32
      %add3A_1628 = arith.constant 0 : i32
      %add3A_1629 = arith.addi %mul3A_1627, %add3A_1628 : i32
      %swap3A_1630 = arith.index_cast %add3A_1629 : i32 to index
      %swap3A_1631 = arith.constant 32 : index
      %swap3A_1632 = tpu.vector_load %arg8[%swap3A_1630, %swap3A_1631] {strides = array<i32>} : memref<200x128xi32, #tpu.memory_space<vmem>>, vector<1x16xi32>,
      %swap3A_1633 = vector.shape_cast %swap3A_1632 : vector<1x16xi32> to vector<16xi32>
      %swap3A_1634 = vector.shape_cast %select_n3A_1625 : vector<16xi32> to vector<1x16xi32>
      tpu.vector_store %arg8[%swap3A_1630, %swap3A_1631], %swap3A_1634 {strides = array<i32>} : memref<200x128xi32, #tpu.memory_space<vmem>>, vector<1x16xi32>,
      %mul3A_1635 = arith.constant 2 : i32
      %mul3A_1636 = arith.muli %add3A_1503, %mul3A_1635 : i32
      %add3A_1637 = arith.constant 0 : i32
      %add3A_1638 = arith.addi %mul3A_1636, %add3A_1637 : i32
      %get3A_1639 = arith.index_cast %add3A_1638 : i32 to index
      %get3A_1640 = arith.constant 48 : index
      %get3A_1641 = tpu.vector_load %arg6[%get3A_1639, %get3A_1640] {strides = array<i32>} : memref<200x128xi32, #tpu.memory_space<vmem>>, vector<1x16xi32>,
      %get3A_1642 = vector.shape_cast %get3A_1641 : vector<1x16xi32> to vector<16xi32>
      %gt3A_1643 = arith.constant 0 : i32
      %gt3A_1644 = vector.broadcast %gt3A_1643 : i32 to vector<16xi32>
      %gt3A_1645 = arith.cmpi sgt, %get3A_1642, %gt3A_1644 : vector<16xi32>
      %jit3A_1646 = arith.constant 1 : i32
      %jit3A_1647 = arith.constant 0 : i32
      %broadcast_in_dim3A_1648 = vector.broadcast %jit3A_1646 : i32 to vector<16xi32>
      %broadcast_in_dim3A_1649 = vector.broadcast %jit3A_1647 : i32 to vector<16xi32>
      %select_n3A_1650 = arith.select %gt3A_1645, %broadcast_in_dim3A_1648, %broadcast_in_dim3A_1649 : vector<16xi1>, vector<16xi32>
      %mul3A_1651 = arith.constant 2 : i32
      %mul3A_1652 = arith.muli %add3A_1503, %mul3A_1651 : i32
      %add3A_1653 = arith.constant 0 : i32
      %add3A_1654 = arith.addi %mul3A_1652, %add3A_1653 : i32
      %swap3A_1655 = arith.index_cast %add3A_1654 : i32 to index
      %swap3A_1656 = arith.constant 48 : index
      %swap3A_1657 = tpu.vector_load %arg8[%swap3A_1655, %swap3A_1656] {strides = array<i32>} : memref<200x128xi32, #tpu.memory_space<vmem>>, vector<1x16xi32>,
      %swap3A_1658 = vector.shape_cast %swap3A_1657 : vector<1x16xi32> to vector<16xi32>
      %swap3A_1659 = vector.shape_cast %select_n3A_1650 : vector<16xi32> to vector<1x16xi32>
      tpu.vector_store %arg8[%swap3A_1655, %swap3A_1656], %swap3A_1659 {strides = array<i32>} : memref<200x128xi32, #tpu.memory_space<vmem>>, vector<1x16xi32>,
      %mul3A_1660 = arith.constant 2 : i32
      %mul3A_1661 = arith.muli %add3A_1503, %mul3A_1660 : i32
      %add3A_1662 = arith.constant 0 : i32
      %add3A_1663 = arith.addi %mul3A_1661, %add3A_1662 : i32
      %get3A_1664 = arith.index_cast %add3A_1663 : i32 to index
      %get3A_1665 = arith.constant 64 : index
      %get3A_1666 = tpu.vector_load %arg6[%get3A_1664, %get3A_1665] {strides = array<i32>} : memref<200x128xi32, #tpu.memory_space<vmem>>, vector<1x16xi32>,
      %get3A_1667 = vector.shape_cast %get3A_1666 : vector<1x16xi32> to vector<16xi32>
      %gt3A_1668 = arith.constant 0 : i32
      %gt3A_1669 = vector.broadcast %gt3A_1668 : i32 to vector<16xi32>
      %gt3A_1670 = arith.cmpi sgt, %get3A_1667, %gt3A_1669 : vector<16xi32>
      %jit3A_1671 = arith.constant 1 : i32
      %jit3A_1672 = arith.constant 0 : i32
      %broadcast_in_dim3A_1673 = vector.broadcast %jit3A_1671 : i32 to vector<16xi32>
      %broadcast_in_dim3A_1674 = vector.broadcast %jit3A_1672 : i32 to vector<16xi32>
      %select_n3A_1675 = arith.select %gt3A_1670, %broadcast_in_dim3A_1673, %broadcast_in_dim3A_1674 : vector<16xi1>, vector<16xi32>
      %mul3A_1676 = arith.constant 2 : i32
      %mul3A_1677 = arith.muli %add3A_1503, %mul3A_1676 : i32
      %add3A_1678 = arith.constant 0 : i32
      %add3A_1679 = arith.addi %mul3A_1677, %add3A_1678 : i32
      %swap3A_1680 = arith.index_cast %add3A_1679 : i32 to index
      %swap3A_1681 = arith.constant 64 : index
      %swap3A_1682 = tpu.vector_load %arg8[%swap3A_1680, %swap3A_1681] {strides = array<i32>} : memref<200x128xi32, #tpu.memory_space<vmem>>, vector<1x16xi32>,
      %swap3A_1683 = vector.shape_cast %swap3A_1682 : vector<1x16xi32> to vector<16xi32>
      %swap3A_1684 = vector.shape_cast %select_n3A_1675 : vector<16xi32> to vector<1x16xi32>
      tpu.vector_store %arg8[%swap3A_1680, %swap3A_1681], %swap3A_1684 {strides = array<i32>} : memref<200x128xi32, #tpu.memory_space<vmem>>, vector<1x16xi32>,
      %mul3A_1685 = arith.constant 2 : i32
      %mul3A_1686 = arith.muli %add3A_1503, %mul3A_1685 : i32
      %add3A_1687 = arith.constant 0 : i32
      %add3A_1688 = arith.addi %mul3A_1686, %add3A_1687 : i32
      %get3A_1689 = arith.index_cast %add3A_1688 : i32 to index
      %get3A_1690 = arith.constant 80 : index
      %get3A_1691 = tpu.vector_load %arg6[%get3A_1689, %get3A_1690] {strides = array<i32>} : memref<200x128xi32, #tpu.memory_space<vmem>>, vector<1x16xi32>,
      %get3A_1692 = vector.shape_cast %get3A_1691 : vector<1x16xi32> to vector<16xi32>
      %gt3A_1693 = arith.constant 0 : i32
      %gt3A_1694 = vector.broadcast %gt3A_1693 : i32 to vector<16xi32>
      %gt3A_1695 = arith.cmpi sgt, %get3A_1692, %gt3A_1694 : vector<16xi32>
      %jit3A_1696 = arith.constant 1 : i32
      %jit3A_1697 = arith.constant 0 : i32
      %broadcast_in_dim3A_1698 = vector.broadcast %jit3A_1696 : i32 to vector<16xi32>
      %broadcast_in_dim3A_1699 = vector.broadcast %jit3A_1697 : i32 to vector<16xi32>
      %select_n3A_1700 = arith.select %gt3A_1695, %broadcast_in_dim3A_1698, %broadcast_in_dim3A_1699 : vector<16xi1>, vector<16xi32>
      %mul3A_1701 = arith.constant 2 : i32
      %mul3A_1702 = arith.muli %add3A_1503, %mul3A_1701 : i32
      %add3A_1703 = arith.constant 0 : i32
      %add3A_1704 = arith.addi %mul3A_1702, %add3A_1703 : i32
      %swap3A_1705 = arith.index_cast %add3A_1704 : i32 to index
      %swap3A_1706 = arith.constant 80 : index
      %swap3A_1707 = tpu.vector_load %arg8[%swap3A_1705, %swap3A_1706] {strides = array<i32>} : memref<200x128xi32, #tpu.memory_space<vmem>>, vector<1x16xi32>,
      %swap3A_1708 = vector.shape_cast %swap3A_1707 : vector<1x16xi32> to vector<16xi32>
      %swap3A_1709 = vector.shape_cast %select_n3A_1700 : vector<16xi32> to vector<1x16xi32>
      tpu.vector_store %arg8[%swap3A_1705, %swap3A_1706], %swap3A_1709 {strides = array<i32>} : memref<200x128xi32, #tpu.memory_space<vmem>>, vector<1x16xi32>,
      %mul3A_1710 = arith.constant 2 : i32
      %mul3A_1711 = arith.muli %add3A_1503, %mul3A_1710 : i32
      %add3A_1712 = arith.constant 0 : i32
      %add3A_1713 = arith.addi %mul3A_1711, %add3A_1712 : i32
      %get3A_1714 = arith.index_cast %add3A_1713 : i32 to index
      %get3A_1715 = arith.constant 96 : index
      %get3A_1716 = tpu.vector_load %arg6[%get3A_1714, %get3A_1715] {strides = array<i32>} : memref<200x128xi32, #tpu.memory_space<vmem>>, vector<1x16xi32>,
      %get3A_1717 = vector.shape_cast %get3A_1716 : vector<1x16xi32> to vector<16xi32>
      %gt3A_1718 = arith.constant 0 : i32
      %gt3A_1719 = vector.broadcast %gt3A_1718 : i32 to vector<16xi32>
      %gt3A_1720 = arith.cmpi sgt, %get3A_1717, %gt3A_1719 : vector<16xi32>
      %jit3A_1721 = arith.constant 1 : i32
      %jit3A_1722 = arith.constant 0 : i32
      %broadcast_in_dim3A_1723 = vector.broadcast %jit3A_1721 : i32 to vector<16xi32>
      %broadcast_in_dim3A_1724 = vector.broadcast %jit3A_1722 : i32 to vector<16xi32>
      %select_n3A_1725 = arith.select %gt3A_1720, %broadcast_in_dim3A_1723, %broadcast_in_dim3A_1724 : vector<16xi1>, vector<16xi32>
      %mul3A_1726 = arith.constant 2 : i32
      %mul3A_1727 = arith.muli %add3A_1503, %mul3A_1726 : i32
      %add3A_1728 = arith.constant 0 : i32
      %add3A_1729 = arith.addi %mul3A_1727, %add3A_1728 : i32
      %swap3A_1730 = arith.index_cast %add3A_1729 : i32 to index
      %swap3A_1731 = arith.constant 96 : index
      %swap3A_1732 = tpu.vector_load %arg8[%swap3A_1730, %swap3A_1731] {strides = array<i32>} : memref<200x128xi32, #tpu.memory_space<vmem>>, vector<1x16xi32>,
      %swap3A_1733 = vector.shape_cast %swap3A_1732 : vector<1x16xi32> to vector<16xi32>
      %swap3A_1734 = vector.shape_cast %select_n3A_1725 : vector<16xi32> to vector<1x16xi32>
      tpu.vector_store %arg8[%swap3A_1730, %swap3A_1731], %swap3A_1734 {strides = array<i32>} : memref<200x128xi32, #tpu.memory_space<vmem>>, vector<1x16xi32>,
      %mul3A_1735 = arith.constant 2 : i32
      %mul3A_1736 = arith.muli %add3A_1503, %mul3A_1735 : i32
      %add3A_1737 = arith.constant 0 : i32
      %add3A_1738 = arith.addi %mul3A_1736, %add3A_1737 : i32
      %get3A_1739 = arith.index_cast %add3A_1738 : i32 to index
      %get3A_1740 = arith.constant 112 : index
      %get3A_1741 = tpu.vector_load %arg6[%get3A_1739, %get3A_1740] {strides = array<i32>} : memref<200x128xi32, #tpu.memory_space<vmem>>, vector<1x16xi32>,
      %get3A_1742 = vector.shape_cast %get3A_1741 : vector<1x16xi32> to vector<16xi32>
      %gt3A_1743 = arith.constant 0 : i32
      %gt3A_1744 = vector.broadcast %gt3A_1743 : i32 to vector<16xi32>
      %gt3A_1745 = arith.cmpi sgt, %get3A_1742, %gt3A_1744 : vector<16xi32>
      %jit3A_1746 = arith.constant 1 : i32
      %jit3A_1747 = arith.constant 0 : i32
      %broadcast_in_dim3A_1748 = vector.broadcast %jit3A_1746 : i32 to vector<16xi32>
      %broadcast_in_dim3A_1749 = vector.broadcast %jit3A_1747 : i32 to vector<16xi32>
      %select_n3A_1750 = arith.select %gt3A_1745, %broadcast_in_dim3A_1748, %broadcast_in_dim3A_1749 : vector<16xi1>, vector<16xi32>
      %mul3A_1751 = arith.constant 2 : i32
      %mul3A_1752 = arith.muli %add3A_1503, %mul3A_1751 : i32
      %add3A_1753 = arith.constant 0 : i32
      %add3A_1754 = arith.addi %mul3A_1752, %add3A_1753 : i32
      %swap3A_1755 = arith.index_cast %add3A_1754 : i32 to index
      %swap3A_1756 = arith.constant 112 : index
      %swap3A_1757 = tpu.vector_load %arg8[%swap3A_1755, %swap3A_1756] {strides = array<i32>} : memref<200x128xi32, #tpu.memory_space<vmem>>, vector<1x16xi32>,
      %swap3A_1758 = vector.shape_cast %swap3A_1757 : vector<1x16xi32> to vector<16xi32>
      %swap3A_1759 = vector.shape_cast %select_n3A_1750 : vector<16xi32> to vector<1x16xi32>
      tpu.vector_store %arg8[%swap3A_1755, %swap3A_1756], %swap3A_1759 {strides = array<i32>} : memref<200x128xi32, #tpu.memory_space<vmem>>, vector<1x16xi32>,
      %mul3A_1760 = arith.constant 2 : i32
      %mul3A_1761 = arith.muli %add3A_1503, %mul3A_1760 : i32
      %add3A_1762 = arith.constant 1 : i32
      %add3A_1763 = arith.addi %mul3A_1761, %add3A_1762 : i32
      %get3A_1764 = arith.index_cast %add3A_1763 : i32 to index
      %get3A_1765 = arith.constant 0 : index
      %get3A_1766 = tpu.vector_load %arg6[%get3A_1764, %get3A_1765] {strides = array<i32>} : memref<200x128xi32, #tpu.memory_space<vmem>>, vector<1x16xi32>,
      %get3A_1767 = vector.shape_cast %get3A_1766 : vector<1x16xi32> to vector<16xi32>
      %gt3A_1768 = arith.constant 0 : i32
      %gt3A_1769 = vector.broadcast %gt3A_1768 : i32 to vector<16xi32>
      %gt3A_1770 = arith.cmpi sgt, %get3A_1767, %gt3A_1769 : vector<16xi32>
      %jit3A_1771 = arith.constant 1 : i32
      %jit3A_1772 = arith.constant 0 : i32
      %broadcast_in_dim3A_1773 = vector.broadcast %jit3A_1771 : i32 to vector<16xi32>
      %broadcast_in_dim3A_1774 = vector.broadcast %jit3A_1772 : i32 to vector<16xi32>
      %select_n3A_1775 = arith.select %gt3A_1770, %broadcast_in_dim3A_1773, %broadcast_in_dim3A_1774 : vector<16xi1>, vector<16xi32>
      %mul3A_1776 = arith.constant 2 : i32
      %mul3A_1777 = arith.muli %add3A_1503, %mul3A_1776 : i32
      %add3A_1778 = arith.constant 1 : i32
      %add3A_1779 = arith.addi %mul3A_1777, %add3A_1778 : i32
      %swap3A_1780 = arith.index_cast %add3A_1779 : i32 to index
      %swap3A_1781 = arith.constant 0 : index
      %swap3A_1782 = tpu.vector_load %arg8[%swap3A_1780, %swap3A_1781] {strides = array<i32>} : memref<200x128xi32, #tpu.memory_space<vmem>>, vector<1x16xi32>,
      %swap3A_1783 = vector.shape_cast %swap3A_1782 : vector<1x16xi32> to vector<16xi32>
      %swap3A_1784 = vector.shape_cast %select_n3A_1775 : vector<16xi32> to vector<1x16xi32>
      tpu.vector_store %arg8[%swap3A_1780, %swap3A_1781], %swap3A_1784 {strides = array<i32>} : memref<200x128xi32, #tpu.memory_space<vmem>>, vector<1x16xi32>,
      %mul3A_1785 = arith.constant 2 : i32
      %mul3A_1786 = arith.muli %add3A_1503, %mul3A_1785 : i32
      %add3A_1787 = arith.constant 1 : i32
      %add3A_1788 = arith.addi %mul3A_1786, %add3A_1787 : i32
      %get3A_1789 = arith.index_cast %add3A_1788 : i32 to index
      %get3A_1790 = arith.constant 16 : index
      %get3A_1791 = tpu.vector_load %arg6[%get3A_1789, %get3A_1790] {strides = array<i32>} : memref<200x128xi32, #tpu.memory_space<vmem>>, vector<1x16xi32>,
      %get3A_1792 = vector.shape_cast %get3A_1791 : vector<1x16xi32> to vector<16xi32>
      %gt3A_1793 = arith.constant 0 : i32
      %gt3A_1794 = vector.broadcast %gt3A_1793 : i32 to vector<16xi32>
      %gt3A_1795 = arith.cmpi sgt, %get3A_1792, %gt3A_1794 : vector<16xi32>
      %jit3A_1796 = arith.constant 1 : i32
      %jit3A_1797 = arith.constant 0 : i32
      %broadcast_in_dim3A_1798 = vector.broadcast %jit3A_1796 : i32 to vector<16xi32>
      %broadcast_in_dim3A_1799 = vector.broadcast %jit3A_1797 : i32 to vector<16xi32>
      %select_n3A_1800 = arith.select %gt3A_1795, %broadcast_in_dim3A_1798, %broadcast_in_dim3A_1799 : vector<16xi1>, vector<16xi32>
      %mul3A_1801 = arith.constant 2 : i32
      %mul3A_1802 = arith.muli %add3A_1503, %mul3A_1801 : i32
      %add3A_1803 = arith.constant 1 : i32
      %add3A_1804 = arith.addi %mul3A_1802, %add3A_1803 : i32
      %swap3A_1805 = arith.index_cast %add3A_1804 : i32 to index
      %swap3A_1806 = arith.constant 16 : index
      %swap3A_1807 = tpu.vector_load %arg8[%swap3A_1805, %swap3A_1806] {strides = array<i32>} : memref<200x128xi32, #tpu.memory_space<vmem>>, vector<1x16xi32>,
      %swap3A_1808 = vector.shape_cast %swap3A_1807 : vector<1x16xi32> to vector<16xi32>
      %swap3A_1809 = vector.shape_cast %select_n3A_1800 : vector<16xi32> to vector<1x16xi32>
      tpu.vector_store %arg8[%swap3A_1805, %swap3A_1806], %swap3A_1809 {strides = array<i32>} : memref<200x128xi32, #tpu.memory_space<vmem>>, vector<1x16xi32>,
      %mul3A_1810 = arith.constant 2 : i32
      %mul3A_1811 = arith.muli %add3A_1503, %mul3A_1810 : i32
      %add3A_1812 = arith.constant 1 : i32
      %add3A_1813 = arith.addi %mul3A_1811, %add3A_1812 : i32
      %get3A_1814 = arith.index_cast %add3A_1813 : i32 to index
      %get3A_1815 = arith.constant 32 : index
      %get3A_1816 = tpu.vector_load %arg6[%get3A_1814, %get3A_1815] {strides = array<i32>} : memref<200x128xi32, #tpu.memory_space<vmem>>, vector<1x16xi32>,
      %get3A_1817 = vector.shape_cast %get3A_1816 : vector<1x16xi32> to vector<16xi32>
      %gt3A_1818 = arith.constant 0 : i32
      %gt3A_1819 = vector.broadcast %gt3A_1818 : i32 to vector<16xi32>
      %gt3A_1820 = arith.cmpi sgt, %get3A_1817, %gt3A_1819 : vector<16xi32>
      %jit3A_1821 = arith.constant 1 : i32
      %jit3A_1822 = arith.constant 0 : i32
      %broadcast_in_dim3A_1823 = vector.broadcast %jit3A_1821 : i32 to vector<16xi32>
      %broadcast_in_dim3A_1824 = vector.broadcast %jit3A_1822 : i32 to vector<16xi32>
      %select_n3A_1825 = arith.select %gt3A_1820, %broadcast_in_dim3A_1823, %broadcast_in_dim3A_1824 : vector<16xi1>, vector<16xi32>
      %mul3A_1826 = arith.constant 2 : i32
      %mul3A_1827 = arith.muli %add3A_1503, %mul3A_1826 : i32
      %add3A_1828 = arith.constant 1 : i32
      %add3A_1829 = arith.addi %mul3A_1827, %add3A_1828 : i32
      %swap3A_1830 = arith.index_cast %add3A_1829 : i32 to index
      %swap3A_1831 = arith.constant 32 : index
      %swap3A_1832 = tpu.vector_load %arg8[%swap3A_1830, %swap3A_1831] {strides = array<i32>} : memref<200x128xi32, #tpu.memory_space<vmem>>, vector<1x16xi32>,
      %swap3A_1833 = vector.shape_cast %swap3A_1832 : vector<1x16xi32> to vector<16xi32>
      %swap3A_1834 = vector.shape_cast %select_n3A_1825 : vector<16xi32> to vector<1x16xi32>
      tpu.vector_store %arg8[%swap3A_1830, %swap3A_1831], %swap3A_1834 {strides = array<i32>} : memref<200x128xi32, #tpu.memory_space<vmem>>, vector<1x16xi32>,
      %mul3A_1835 = arith.constant 2 : i32
      %mul3A_1836 = arith.muli %add3A_1503, %mul3A_1835 : i32
      %add3A_1837 = arith.constant 1 : i32
      %add3A_1838 = arith.addi %mul3A_1836, %add3A_1837 : i32
      %get3A_1839 = arith.index_cast %add3A_1838 : i32 to index
      %get3A_1840 = arith.constant 48 : index
      %get3A_1841 = tpu.vector_load %arg6[%get3A_1839, %get3A_1840] {strides = array<i32>} : memref<200x128xi32, #tpu.memory_space<vmem>>, vector<1x16xi32>,
      %get3A_1842 = vector.shape_cast %get3A_1841 : vector<1x16xi32> to vector<16xi32>
      %gt3A_1843 = arith.constant 0 : i32
      %gt3A_1844 = vector.broadcast %gt3A_1843 : i32 to vector<16xi32>
      %gt3A_1845 = arith.cmpi sgt, %get3A_1842, %gt3A_1844 : vector<16xi32>
      %jit3A_1846 = arith.constant 1 : i32
      %jit3A_1847 = arith.constant 0 : i32
      %broadcast_in_dim3A_1848 = vector.broadcast %jit3A_1846 : i32 to vector<16xi32>
      %broadcast_in_dim3A_1849 = vector.broadcast %jit3A_1847 : i32 to vector<16xi32>
      %select_n3A_1850 = arith.select %gt3A_1845, %broadcast_in_dim3A_1848, %broadcast_in_dim3A_1849 : vector<16xi1>, vector<16xi32>
      %mul3A_1851 = arith.constant 2 : i32
      %mul3A_1852 = arith.muli %add3A_1503, %mul3A_1851 : i32
      %add3A_1853 = arith.constant 1 : i32
      %add3A_1854 = arith.addi %mul3A_1852, %add3A_1853 : i32
      %swap3A_1855 = arith.index_cast %add3A_1854 : i32 to index
      %swap3A_1856 = arith.constant 48 : index
      %swap3A_1857 = tpu.vector_load %arg8[%swap3A_1855, %swap3A_1856] {strides = array<i32>} : memref<200x128xi32, #tpu.memory_space<vmem>>, vector<1x16xi32>,
      %swap3A_1858 = vector.shape_cast %swap3A_1857 : vector<1x16xi32> to vector<16xi32>
      %swap3A_1859 = vector.shape_cast %select_n3A_1850 : vector<16xi32> to vector<1x16xi32>
      tpu.vector_store %arg8[%swap3A_1855, %swap3A_1856], %swap3A_1859 {strides = array<i32>} : memref<200x128xi32, #tpu.memory_space<vmem>>, vector<1x16xi32>,
      %mul3A_1860 = arith.constant 2 : i32
      %mul3A_1861 = arith.muli %add3A_1503, %mul3A_1860 : i32
      %add3A_1862 = arith.constant 1 : i32
      %add3A_1863 = arith.addi %mul3A_1861, %add3A_1862 : i32
      %get3A_1864 = arith.index_cast %add3A_1863 : i32 to index
      %get3A_1865 = arith.constant 64 : index
      %get3A_1866 = tpu.vector_load %arg6[%get3A_1864, %get3A_1865] {strides = array<i32>} : memref<200x128xi32, #tpu.memory_space<vmem>>, vector<1x16xi32>,
      %get3A_1867 = vector.shape_cast %get3A_1866 : vector<1x16xi32> to vector<16xi32>
      %gt3A_1868 = arith.constant 0 : i32
      %gt3A_1869 = vector.broadcast %gt3A_1868 : i32 to vector<16xi32>
      %gt3A_1870 = arith.cmpi sgt, %get3A_1867, %gt3A_1869 : vector<16xi32>
      %jit3A_1871 = arith.constant 1 : i32
      %jit3A_1872 = arith.constant 0 : i32
      %broadcast_in_dim3A_1873 = vector.broadcast %jit3A_1871 : i32 to vector<16xi32>
      %broadcast_in_dim3A_1874 = vector.broadcast %jit3A_1872 : i32 to vector<16xi32>
      %select_n3A_1875 = arith.select %gt3A_1870, %broadcast_in_dim3A_1873, %broadcast_in_dim3A_1874 : vector<16xi1>, vector<16xi32>
      %mul3A_1876 = arith.constant 2 : i32
      %mul3A_1877 = arith.muli %add3A_1503, %mul3A_1876 : i32
      %add3A_1878 = arith.constant 1 : i32
      %add3A_1879 = arith.addi %mul3A_1877, %add3A_1878 : i32
      %swap3A_1880 = arith.index_cast %add3A_1879 : i32 to index
      %swap3A_1881 = arith.constant 64 : index
      %swap3A_1882 = tpu.vector_load %arg8[%swap3A_1880, %swap3A_1881] {strides = array<i32>} : memref<200x128xi32, #tpu.memory_space<vmem>>, vector<1x16xi32>,
      %swap3A_1883 = vector.shape_cast %swap3A_1882 : vector<1x16xi32> to vector<16xi32>
      %swap3A_1884 = vector.shape_cast %select_n3A_1875 : vector<16xi32> to vector<1x16xi32>
      tpu.vector_store %arg8[%swap3A_1880, %swap3A_1881], %swap3A_1884 {strides = array<i32>} : memref<200x128xi32, #tpu.memory_space<vmem>>, vector<1x16xi32>,
      %mul3A_1885 = arith.constant 2 : i32
      %mul3A_1886 = arith.muli %add3A_1503, %mul3A_1885 : i32
      %add3A_1887 = arith.constant 1 : i32
      %add3A_1888 = arith.addi %mul3A_1886, %add3A_1887 : i32
      %get3A_1889 = arith.index_cast %add3A_1888 : i32 to index
      %get3A_1890 = arith.constant 80 : index
      %get3A_1891 = tpu.vector_load %arg6[%get3A_1889, %get3A_1890] {strides = array<i32>} : memref<200x128xi32, #tpu.memory_space<vmem>>, vector<1x16xi32>,
      %get3A_1892 = vector.shape_cast %get3A_1891 : vector<1x16xi32> to vector<16xi32>
      %gt3A_1893 = arith.constant 0 : i32
      %gt3A_1894 = vector.broadcast %gt3A_1893 : i32 to vector<16xi32>
      %gt3A_1895 = arith.cmpi sgt, %get3A_1892, %gt3A_1894 : vector<16xi32>
      %jit3A_1896 = arith.constant 1 : i32
      %jit3A_1897 = arith.constant 0 : i32
      %broadcast_in_dim3A_1898 = vector.broadcast %jit3A_1896 : i32 to vector<16xi32>
      %broadcast_in_dim3A_1899 = vector.broadcast %jit3A_1897 : i32 to vector<16xi32>
      %select_n3A_1900 = arith.select %gt3A_1895, %broadcast_in_dim3A_1898, %broadcast_in_dim3A_1899 : vector<16xi1>, vector<16xi32>
      %mul3A_1901 = arith.constant 2 : i32
      %mul3A_1902 = arith.muli %add3A_1503, %mul3A_1901 : i32
      %add3A_1903 = arith.constant 1 : i32
      %add3A_1904 = arith.addi %mul3A_1902, %add3A_1903 : i32
      %swap3A_1905 = arith.index_cast %add3A_1904 : i32 to index
      %swap3A_1906 = arith.constant 80 : index
      %swap3A_1907 = tpu.vector_load %arg8[%swap3A_1905, %swap3A_1906] {strides = array<i32>} : memref<200x128xi32, #tpu.memory_space<vmem>>, vector<1x16xi32>,
      %swap3A_1908 = vector.shape_cast %swap3A_1907 : vector<1x16xi32> to vector<16xi32>
      %swap3A_1909 = vector.shape_cast %select_n3A_1900 : vector<16xi32> to vector<1x16xi32>
      tpu.vector_store %arg8[%swap3A_1905, %swap3A_1906], %swap3A_1909 {strides = array<i32>} : memref<200x128xi32, #tpu.memory_space<vmem>>, vector<1x16xi32>,
      %mul3A_1910 = arith.constant 2 : i32
      %mul3A_1911 = arith.muli %add3A_1503, %mul3A_1910 : i32
      %add3A_1912 = arith.constant 1 : i32
      %add3A_1913 = arith.addi %mul3A_1911, %add3A_1912 : i32
      %get3A_1914 = arith.index_cast %add3A_1913 : i32 to index
      %get3A_1915 = arith.constant 96 : index
      %get3A_1916 = tpu.vector_load %arg6[%get3A_1914, %get3A_1915] {strides = array<i32>} : memref<200x128xi32, #tpu.memory_space<vmem>>, vector<1x16xi32>,
      %get3A_1917 = vector.shape_cast %get3A_1916 : vector<1x16xi32> to vector<16xi32>
      %gt3A_1918 = arith.constant 0 : i32
      %gt3A_1919 = vector.broadcast %gt3A_1918 : i32 to vector<16xi32>
      %gt3A_1920 = arith.cmpi sgt, %get3A_1917, %gt3A_1919 : vector<16xi32>
      %jit3A_1921 = arith.constant 1 : i32
      %jit3A_1922 = arith.constant 0 : i32
      %broadcast_in_dim3A_1923 = vector.broadcast %jit3A_1921 : i32 to vector<16xi32>
      %broadcast_in_dim3A_1924 = vector.broadcast %jit3A_1922 : i32 to vector<16xi32>
      %select_n3A_1925 = arith.select %gt3A_1920, %broadcast_in_dim3A_1923, %broadcast_in_dim3A_1924 : vector<16xi1>, vector<16xi32>
      %mul3A_1926 = arith.constant 2 : i32
      %mul3A_1927 = arith.muli %add3A_1503, %mul3A_1926 : i32
      %add3A_1928 = arith.constant 1 : i32
      %add3A_1929 = arith.addi %mul3A_1927, %add3A_1928 : i32
      %swap3A_1930 = arith.index_cast %add3A_1929 : i32 to index
      %swap3A_1931 = arith.constant 96 : index
      %swap3A_1932 = tpu.vector_load %arg8[%swap3A_1930, %swap3A_1931] {strides = array<i32>} : memref<200x128xi32, #tpu.memory_space<vmem>>, vector<1x16xi32>,
      %swap3A_1933 = vector.shape_cast %swap3A_1932 : vector<1x16xi32> to vector<16xi32>
      %swap3A_1934 = vector.shape_cast %select_n3A_1925 : vector<16xi32> to vector<1x16xi32>
      tpu.vector_store %arg8[%swap3A_1930, %swap3A_1931], %swap3A_1934 {strides = array<i32>} : memref<200x128xi32, #tpu.memory_space<vmem>>, vector<1x16xi32>,
      %mul3A_1935 = arith.constant 2 : i32
      %mul3A_1936 = arith.muli %add3A_1503, %mul3A_1935 : i32
      %add3A_1937 = arith.constant 1 : i32
      %add3A_1938 = arith.addi %mul3A_1936, %add3A_1937 : i32
      %get3A_1939 = arith.index_cast %add3A_1938 : i32 to index
      %get3A_1940 = arith.constant 112 : index
      %get3A_1941 = tpu.vector_load %arg6[%get3A_1939, %get3A_1940] {strides = array<i32>} : memref<200x128xi32, #tpu.memory_space<vmem>>, vector<1x16xi32>,
      %get3A_1942 = vector.shape_cast %get3A_1941 : vector<1x16xi32> to vector<16xi32>
      %gt3A_1943 = arith.constant 0 : i32
      %gt3A_1944 = vector.broadcast %gt3A_1943 : i32 to vector<16xi32>
      %gt3A_1945 = arith.cmpi sgt, %get3A_1942, %gt3A_1944 : vector<16xi32>
      %jit3A_1946 = arith.constant 1 : i32
      %jit3A_1947 = arith.constant 0 : i32
      %broadcast_in_dim3A_1948 = vector.broadcast %jit3A_1946 : i32 to vector<16xi32>
      %broadcast_in_dim3A_1949 = vector.broadcast %jit3A_1947 : i32 to vector<16xi32>
      %select_n3A_1950 = arith.select %gt3A_1945, %broadcast_in_dim3A_1948, %broadcast_in_dim3A_1949 : vector<16xi1>, vector<16xi32>
      %mul3A_1951 = arith.constant 2 : i32
      %mul3A_1952 = arith.muli %add3A_1503, %mul3A_1951 : i32
      %add3A_1953 = arith.constant 1 : i32
      %add3A_1954 = arith.addi %mul3A_1952, %add3A_1953 : i32
      %swap3A_1955 = arith.index_cast %add3A_1954 : i32 to index
      %swap3A_1956 = arith.constant 112 : index
      %swap3A_1957 = tpu.vector_load %arg8[%swap3A_1955, %swap3A_1956] {strides = array<i32>} : memref<200x128xi32, #tpu.memory_space<vmem>>, vector<1x16xi32>,
      %swap3A_1958 = vector.shape_cast %swap3A_1957 : vector<1x16xi32> to vector<16xi32>
      %swap3A_1959 = vector.shape_cast %select_n3A_1950 : vector<16xi32> to vector<1x16xi32>
      tpu.vector_store %arg8[%swap3A_1955, %swap3A_1956], %swap3A_1959 {strides = array<i32>} : memref<200x128xi32, #tpu.memory_space<vmem>>, vector<1x16xi32>,
    }
    %scan3A_7 = arith.constant 25 : i32
    %dma_wait3A = arith.constant 0 : i32
    %dma_wait3A_8 = arith.constant 3 : i32
    %dma_wait3A_9 = arith.constant 0 : i32
    %dma_wait3A_10 = arith.constant 0 : i32
    %dma_wait3A_11 = arith.constant 0 : i32
    %dma_wait3A_12 = arith.constant 0 : i32
    %dma_wait3A_13 = tpu.memref_slice %arg7[%dma_wait3A_8, %dma_wait3A_10, %dma_wait3A_11, %dma_wait3A_12] : memref<4x2x128x64xf32, #tpu.memory_space<vmem>> -> memref<1x2x128x64xf32, #tpu.memory_space<vmem>>
    %dma_wait3A_14 = tpu.memref_squeeze %dma_wait3A_13 : memref<1x2x128x64xf32, #tpu.memory_space<vmem>> -> memref<2x128x64xf32, #tpu.memory_space<vmem>>
    %dma_wait3A_15 = arith.constant 0 : i32
    %dma_wait3A_16 = arith.constant 0 : i32
    %dma_wait3A_17 = tpu.memref_slice %dma_wait3A_14[%dma_wait3A_9, %dma_wait3A_15, %dma_wait3A_16] : memref<2x128x64xf32, #tpu.memory_space<vmem>> -> memref<1x128x64xf32, #tpu.memory_space<vmem>>
    %dma_wait3A_18 = tpu.memref_squeeze %dma_wait3A_17 : memref<1x128x64xf32, #tpu.memory_space<vmem>> -> memref<128x64xf32, #tpu.memory_space<vmem>>
    %dma_wait3A_19 = arith.constant 0 : i32
    %dma_wait3A_20 = tpu.memref_slice %arg6[%dma_wait3A, %dma_wait3A_19] : memref<200x128xi32, #tpu.memory_space<vmem>> -> memref<1x128xi32, #tpu.memory_space<vmem>>
    %dma_wait3A_21 = tpu.memref_squeeze %dma_wait3A_20 : memref<1x128xi32, #tpu.memory_space<vmem>> -> memref<128xi32, #tpu.memory_space<vmem>>
    %dma_wait3A_22 = arith.constant 0 : i32
    %dma_wait3A_23 = arith.constant 0 : i32
    %dma_wait3A_24 = tpu.memref_slice %arg2[%dma_wait3A_22, %dma_wait3A_23] : memref<100000x64xf32, #tpu.memory_space<hbm>> -> memref<100000x64xf32, #tpu.memory_space<hbm>>
    tpu.wait_indirect_dma semaphore(%arg12 : memref<!tpu.dma_semaphore, #tpu.memory_space<semaphore_mem>>) src(%dma_wait3A_24 : memref<100000x64xf32, #tpu.memory_space<hbm>>) dst(%dma_wait3A_18 : memref<128x64xf32, #tpu.memory_space<vmem>>)
    %dma_wait3A_25 = arith.constant 1 : i32
    %dma_wait3A_26 = arith.constant 3 : i32
    %dma_wait3A_27 = arith.constant 1 : i32
    %dma_wait3A_28 = arith.constant 0 : i32
    %dma_wait3A_29 = arith.constant 0 : i32
    %dma_wait3A_30 = arith.constant 0 : i32
    %dma_wait3A_31 = tpu.memref_slice %arg7[%dma_wait3A_26, %dma_wait3A_28, %dma_wait3A_29, %dma_wait3A_30] : memref<4x2x128x64xf32, #tpu.memory_space<vmem>> -> memref<1x2x128x64xf32, #tpu.memory_space<vmem>>
    %dma_wait3A_32 = tpu.memref_squeeze %dma_wait3A_31 : memref<1x2x128x64xf32, #tpu.memory_space<vmem>> -> memref<2x128x64xf32, #tpu.memory_space<vmem>>
    %dma_wait3A_33 = arith.constant 0 : i32
    %dma_wait3A_34 = arith.constant 0 : i32
    %dma_wait3A_35 = tpu.memref_slice %dma_wait3A_32[%dma_wait3A_27, %dma_wait3A_33, %dma_wait3A_34] : memref<2x128x64xf32, #tpu.memory_space<vmem>> -> memref<1x128x64xf32, #tpu.memory_space<vmem>>
    %dma_wait3A_36 = tpu.memref_squeeze %dma_wait3A_35 : memref<1x128x64xf32, #tpu.memory_space<vmem>> -> memref<128x64xf32, #tpu.memory_space<vmem>>
    %dma_wait3A_37 = arith.constant 0 : i32
    %dma_wait3A_38 = tpu.memref_slice %arg6[%dma_wait3A_25, %dma_wait3A_37] : memref<200x128xi32, #tpu.memory_space<vmem>> -> memref<1x128xi32, #tpu.memory_space<vmem>>
    %dma_wait3A_39 = tpu.memref_squeeze %dma_wait3A_38 : memref<1x128xi32, #tpu.memory_space<vmem>> -> memref<128xi32, #tpu.memory_space<vmem>>
    %dma_wait3A_40 = arith.constant 0 : i32
    %dma_wait3A_41 = arith.constant 0 : i32
    %dma_wait3A_42 = tpu.memref_slice %arg2[%dma_wait3A_40, %dma_wait3A_41] : memref<100000x64xf32, #tpu.memory_space<hbm>> -> memref<100000x64xf32, #tpu.memory_space<hbm>>
    tpu.wait_indirect_dma semaphore(%arg12 : memref<!tpu.dma_semaphore, #tpu.memory_space<semaphore_mem>>) src(%dma_wait3A_42 : memref<100000x64xf32, #tpu.memory_space<hbm>>) dst(%dma_wait3A_36 : memref<128x64xf32, #tpu.memory_space<vmem>>)
    %add3A_43 = arith.constant 198 : i32
    %add3A_44 = arith.addi %mul3A_2, %add3A_43 : i32
    %dma_start3A = arith.constant 3 : i32
    %dma_start3A_45 = arith.constant 0 : i32
    %dma_start3A_46 = arith.constant 0 : i32
    %dma_start3A_47 = arith.constant 0 : i32
    %dma_start3A_48 = tpu.memref_slice %arg7[%dma_start3A, %dma_start3A_45, %dma_start3A_46, %dma_start3A_47] : memref<4x2x128x64xf32, #tpu.memory_space<vmem>> -> memref<1x2x128x64xf32, #tpu.memory_space<vmem>>
    %dma_start3A_49 = tpu.memref_squeeze %dma_start3A_48 : memref<1x2x128x64xf32, #tpu.memory_space<vmem>> -> memref<2x128x64xf32, #tpu.memory_space<vmem>>
    %dma_start3A_50 = arith.constant 0 : i32
    %dma_start3A_51 = arith.constant 0 : i32
    %dma_start3A_52 = tpu.memref_slice %arg4[%add3A_44, %dma_start3A_50, %dma_start3A_51] : memref<6400x128x64xf32, #tpu.memory_space<hbm>> -> memref<2x128x64xf32, #tpu.memory_space<hbm>>
    %dma_start3A_53 = arith.constant 0 : i32
    %dma_start3A_54 = arith.constant 0 : i32
    %dma_start3A_55 = tpu.memref_slice %arg4[%add3A_44, %dma_start3A_53, %dma_start3A_54] : memref<6400x128x64xf32, #tpu.memory_space<hbm>> -> memref<2x128x64xf32, #tpu.memory_space<hbm>>
    %dma_start3A_56 = arith.constant 0 : i32
    %dma_start3A_57 = arith.constant 0 : i32
    %dma_start3A_58 = arith.constant 0 : i32
    %dma_start3A_59 = tpu.memref_slice %arg7[%dma_start3A, %dma_start3A_56, %dma_start3A_57, %dma_start3A_58] : memref<4x2x128x64xf32, #tpu.memory_space<vmem>> -> memref<1x2x128x64xf32, #tpu.memory_space<vmem>>
    %dma_start3A_60 = tpu.memref_squeeze %dma_start3A_59 : memref<1x2x128x64xf32, #tpu.memory_space<vmem>> -> memref<2x128x64xf32, #tpu.memory_space<vmem>>
    tpu.enqueue_dma source(%dma_start3A_60 : memref<2x128x64xf32, #tpu.memory_space<vmem>>) target(%dma_start3A_55 : memref<2x128x64xf32, #tpu.memory_space<hbm>>) target_semaphore(%arg16 : memref<!tpu.dma_semaphore, #tpu.memory_space<semaphore_mem>>)
    %dma_wait3A_61 = arith.constant 0 : i32
    %dma_wait3A_62 = arith.constant 0 : i32
    %dma_wait3A_63 = arith.constant 0 : i32
    %dma_wait3A_64 = arith.constant 0 : i32
    %dma_wait3A_65 = tpu.memref_slice %arg7[%dma_wait3A_61, %dma_wait3A_62, %dma_wait3A_63, %dma_wait3A_64] : memref<4x2x128x64xf32, #tpu.memory_space<vmem>> -> memref<1x2x128x64xf32, #tpu.memory_space<vmem>>
    %dma_wait3A_66 = tpu.memref_squeeze %dma_wait3A_65 : memref<1x2x128x64xf32, #tpu.memory_space<vmem>> -> memref<2x128x64xf32, #tpu.memory_space<vmem>>
    %dma_wait3A_67 = arith.constant 0 : i32
    %dma_wait3A_68 = arith.constant 0 : i32
    %dma_wait3A_69 = tpu.memref_slice %arg4[%mul3A_2, %dma_wait3A_67, %dma_wait3A_68] : memref<6400x128x64xf32, #tpu.memory_space<hbm>> -> memref<2x128x64xf32, #tpu.memory_space<hbm>>
    %dma_wait3A_70 = arith.constant 0 : i32
    %dma_wait3A_71 = arith.constant 0 : i32
    %dma_wait3A_72 = tpu.memref_slice %arg4[%mul3A_2, %dma_wait3A_70, %dma_wait3A_71] : memref<6400x128x64xf32, #tpu.memory_space<hbm>> -> memref<2x128x64xf32, #tpu.memory_space<hbm>>
    %dma_wait3A_73 = arith.constant 0 : i32
    %dma_wait3A_74 = arith.constant 0 : i32
    %dma_wait3A_75 = arith.constant 0 : i32
    %dma_wait3A_76 = tpu.memref_slice %arg7[%dma_wait3A_61, %dma_wait3A_73, %dma_wait3A_74, %dma_wait3A_75] : memref<4x2x128x64xf32, #tpu.memory_space<vmem>> -> memref<1x2x128x64xf32, #tpu.memory_space<vmem>>
    %dma_wait3A_77 = tpu.memref_squeeze %dma_wait3A_76 : memref<1x2x128x64xf32, #tpu.memory_space<vmem>> -> memref<2x128x64xf32, #tpu.memory_space<vmem>>
    tpu.wait_dma2 semaphore(%arg13 : memref<!tpu.dma_semaphore, #tpu.memory_space<semaphore_mem>>) src(%dma_wait3A_77 : memref<2x128x64xf32, #tpu.memory_space<vmem>>) dst(%dma_wait3A_72 : memref<2x128x64xf32, #tpu.memory_space<hbm>>)
    %dma_wait3A_78 = arith.constant 1 : i32
    %dma_wait3A_79 = arith.constant 0 : i32
    %dma_wait3A_80 = arith.constant 0 : i32
    %dma_wait3A_81 = arith.constant 0 : i32
    %dma_wait3A_82 = tpu.memref_slice %arg7[%dma_wait3A_78, %dma_wait3A_79, %dma_wait3A_80, %dma_wait3A_81] : memref<4x2x128x64xf32, #tpu.memory_space<vmem>> -> memref<1x2x128x64xf32, #tpu.memory_space<vmem>>
    %dma_wait3A_83 = tpu.memref_squeeze %dma_wait3A_82 : memref<1x2x128x64xf32, #tpu.memory_space<vmem>> -> memref<2x128x64xf32, #tpu.memory_space<vmem>>
    %dma_wait3A_84 = arith.constant 0 : i32
    %dma_wait3A_85 = arith.constant 0 : i32
    %dma_wait3A_86 = tpu.memref_slice %arg4[%mul3A_2, %dma_wait3A_84, %dma_wait3A_85] : memref<6400x128x64xf32, #tpu.memory_space<hbm>> -> memref<2x128x64xf32, #tpu.memory_space<hbm>>
    %dma_wait3A_87 = arith.constant 0 : i32
    %dma_wait3A_88 = arith.constant 0 : i32
    %dma_wait3A_89 = tpu.memref_slice %arg4[%mul3A_2, %dma_wait3A_87, %dma_wait3A_88] : memref<6400x128x64xf32, #tpu.memory_space<hbm>> -> memref<2x128x64xf32, #tpu.memory_space<hbm>>
    %dma_wait3A_90 = arith.constant 0 : i32
    %dma_wait3A_91 = arith.constant 0 : i32
    %dma_wait3A_92 = arith.constant 0 : i32
    %dma_wait3A_93 = tpu.memref_slice %arg7[%dma_wait3A_78, %dma_wait3A_90, %dma_wait3A_91, %dma_wait3A_92] : memref<4x2x128x64xf32, #tpu.memory_space<vmem>> -> memref<1x2x128x64xf32, #tpu.memory_space<vmem>>
    %dma_wait3A_94 = tpu.memref_squeeze %dma_wait3A_93 : memref<1x2x128x64xf32, #tpu.memory_space<vmem>> -> memref<2x128x64xf32, #tpu.memory_space<vmem>>
    tpu.wait_dma2 semaphore(%arg14 : memref<!tpu.dma_semaphore, #tpu.memory_space<semaphore_mem>>) src(%dma_wait3A_94 : memref<2x128x64xf32, #tpu.memory_space<vmem>>) dst(%dma_wait3A_89 : memref<2x128x64xf32, #tpu.memory_space<hbm>>)
    %dma_wait3A_95 = arith.constant 2 : i32
    %dma_wait3A_96 = arith.constant 0 : i32
    %dma_wait3A_97 = arith.constant 0 : i32
    %dma_wait3A_98 = arith.constant 0 : i32
    %dma_wait3A_99 = tpu.memref_slice %arg7[%dma_wait3A_95, %dma_wait3A_96, %dma_wait3A_97, %dma_wait3A_98] : memref<4x2x128x64xf32, #tpu.memory_space<vmem>> -> memref<1x2x128x64xf32, #tpu.memory_space<vmem>>
    %dma_wait3A_100 = tpu.memref_squeeze %dma_wait3A_99 : memref<1x2x128x64xf32, #tpu.memory_space<vmem>> -> memref<2x128x64xf32, #tpu.memory_space<vmem>>
    %dma_wait3A_101 = arith.constant 0 : i32
    %dma_wait3A_102 = arith.constant 0 : i32
    %dma_wait3A_103 = tpu.memref_slice %arg4[%mul3A_2, %dma_wait3A_101, %dma_wait3A_102] : memref<6400x128x64xf32, #tpu.memory_space<hbm>> -> memref<2x128x64xf32, #tpu.memory_space<hbm>>
    %dma_wait3A_104 = arith.constant 0 : i32
    %dma_wait3A_105 = arith.constant 0 : i32
    %dma_wait3A_106 = tpu.memref_slice %arg4[%mul3A_2, %dma_wait3A_104, %dma_wait3A_105] : memref<6400x128x64xf32, #tpu.memory_space<hbm>> -> memref<2x128x64xf32, #tpu.memory_space<hbm>>
    %dma_wait3A_107 = arith.constant 0 : i32
    %dma_wait3A_108 = arith.constant 0 : i32
    %dma_wait3A_109 = arith.constant 0 : i32
    %dma_wait3A_110 = tpu.memref_slice %arg7[%dma_wait3A_95, %dma_wait3A_107, %dma_wait3A_108, %dma_wait3A_109] : memref<4x2x128x64xf32, #tpu.memory_space<vmem>> -> memref<1x2x128x64xf32, #tpu.memory_space<vmem>>
    %dma_wait3A_111 = tpu.memref_squeeze %dma_wait3A_110 : memref<1x2x128x64xf32, #tpu.memory_space<vmem>> -> memref<2x128x64xf32, #tpu.memory_space<vmem>>
    tpu.wait_dma2 semaphore(%arg15 : memref<!tpu.dma_semaphore, #tpu.memory_space<semaphore_mem>>) src(%dma_wait3A_111 : memref<2x128x64xf32, #tpu.memory_space<vmem>>) dst(%dma_wait3A_106 : memref<2x128x64xf32, #tpu.memory_space<hbm>>)
    %dma_wait3A_112 = arith.constant 3 : i32
    %dma_wait3A_113 = arith.constant 0 : i32
    %dma_wait3A_114 = arith.constant 0 : i32
    %dma_wait3A_115 = arith.constant 0 : i32
    %dma_wait3A_116 = tpu.memref_slice %arg7[%dma_wait3A_112, %dma_wait3A_113, %dma_wait3A_114, %dma_wait3A_115] : memref<4x2x128x64xf32, #tpu.memory_space<vmem>> -> memref<1x2x128x64xf32, #tpu.memory_space<vmem>>
    %dma_wait3A_117 = tpu.memref_squeeze %dma_wait3A_116 : memref<1x2x128x64xf32, #tpu.memory_space<vmem>> -> memref<2x128x64xf32, #tpu.memory_space<vmem>>
    %dma_wait3A_118 = arith.constant 0 : i32
    %dma_wait3A_119 = arith.constant 0 : i32
    %dma_wait3A_120 = tpu.memref_slice %arg4[%mul3A_2, %dma_wait3A_118, %dma_wait3A_119] : memref<6400x128x64xf32, #tpu.memory_space<hbm>> -> memref<2x128x64xf32, #tpu.memory_space<hbm>>
    %dma_wait3A_121 = arith.constant 0 : i32
    %dma_wait3A_122 = arith.constant 0 : i32
    %dma_wait3A_123 = tpu.memref_slice %arg4[%mul3A_2, %dma_wait3A_121, %dma_wait3A_122] : memref<6400x128x64xf32, #tpu.memory_space<hbm>> -> memref<2x128x64xf32, #tpu.memory_space<hbm>>
    %dma_wait3A_124 = arith.constant 0 : i32
    %dma_wait3A_125 = arith.constant 0 : i32
    %dma_wait3A_126 = arith.constant 0 : i32
    %dma_wait3A_127 = tpu.memref_slice %arg7[%dma_wait3A_112, %dma_wait3A_124, %dma_wait3A_125, %dma_wait3A_126] : memref<4x2x128x64xf32, #tpu.memory_space<vmem>> -> memref<1x2x128x64xf32, #tpu.memory_space<vmem>>
    %dma_wait3A_128 = tpu.memref_squeeze %dma_wait3A_127 : memref<1x2x128x64xf32, #tpu.memory_space<vmem>> -> memref<2x128x64xf32, #tpu.memory_space<vmem>>
    tpu.wait_dma2 semaphore(%arg16 : memref<!tpu.dma_semaphore, #tpu.memory_space<semaphore_mem>>) src(%dma_wait3A_128 : memref<2x128x64xf32, #tpu.memory_space<vmem>>) dst(%dma_wait3A_123 : memref<2x128x64xf32, #tpu.memory_space<hbm>>)
    "tpu.region"() ({
      %run_scoped3A = tpu.sem_alloc : memref<!tpu.dma_semaphore, #tpu.memory_space<semaphore_mem>>
      %dma_start3A_129 = arith.constant 0 : i32
      %dma_start3A_130 = tpu.memref_slice %arg5[%mul3A_2, %dma_start3A_129] : memref<6400x128xi32, #tpu.memory_space<hbm>> -> memref<200x128xi32, #tpu.memory_space<hbm>>
      %dma_start3A_131 = arith.constant 0 : i32
      %dma_start3A_132 = tpu.memref_slice %arg5[%mul3A_2, %dma_start3A_131] : memref<6400x128xi32, #tpu.memory_space<hbm>> -> memref<200x128xi32, #tpu.memory_space<hbm>>
      tpu.enqueue_dma source(%arg8 : memref<200x128xi32, #tpu.memory_space<vmem>>) target(%dma_start3A_132 : memref<200x128xi32, #tpu.memory_space<hbm>>) target_semaphore(%run_scoped3A : memref<!tpu.dma_semaphore, #tpu.memory_space<semaphore_mem>>)
      %dma_wait3A_133 = arith.constant 0 : i32
      %dma_wait3A_134 = tpu.memref_slice %arg5[%mul3A_2, %dma_wait3A_133] : memref<6400x128xi32, #tpu.memory_space<hbm>> -> memref<200x128xi32, #tpu.memory_space<hbm>>
      %dma_wait3A_135 = arith.constant 0 : i32
      %dma_wait3A_136 = tpu.memref_slice %arg5[%mul3A_2, %dma_wait3A_135] : memref<6400x128xi32, #tpu.memory_space<hbm>> -> memref<200x128xi32, #tpu.memory_space<hbm>>
      tpu.wait_dma2 semaphore(%run_scoped3A : memref<!tpu.dma_semaphore, #tpu.memory_space<semaphore_mem>>) src(%arg8 : memref<200x128xi32, #tpu.memory_space<vmem>>) dst(%dma_wait3A_136 : memref<200x128xi32, #tpu.memory_space<hbm>>)
      tpu.yield
    }) : () -> ()
    return
  }
}

module attributes {stable_mosaic.version = 14 : i64} {
  func.func @body(%arg0: i32, %arg1: memref<2000x64xf32, #tpu.memory_space<vmem>>, %arg2: memref<1x64xf32, #tpu.memory_space<vmem>>, %arg3: memref<1x64xf32, #tpu.memory_space<vmem>>, %arg4: memref<2000x64xf32, #tpu.memory_space<vmem>>) attributes {dimension_semantics = [#tpu.dimension_semantics<arbitrary>], iteration_bounds = array<i64: 50>, scalar_prefetch = 0 : i64, scratch_operands = 0 : i64, tpu.core_type = #tpu.core_type<tc>, window_params = [{transform_indices = @transform_0, window_bounds = array<i64: 2000, 64>}, {pipeline_mode = #tpu.pipeline_mode<synchronous>, transform_indices = @transform_1, window_bounds = array<i64: 1, 64>}, {pipeline_mode = #tpu.pipeline_mode<synchronous>, transform_indices = @transform_2, window_bounds = array<i64: 1, 64>}, {transform_indices = @transform_3, window_bounds = array<i64: 2000, 64>}]} {
    %get3A = arith.constant 0 : index
    %get3A_0 = arith.constant 0 : index
    %get3A_1 = vector.load %arg1[%get3A, %get3A_0] : memref<2000x64xf32, #tpu.memory_space<vmem>>, vector<2000x64xf32>
    %reduce_sum3A = arith.constant dense<0.000000e+00> : vector<2000xf32>
    %reduce_sum3A_2 = vector.multi_reduction <add>, %get3A_1, %reduce_sum3A [1] : vector<2000x64xf32> to vector<2000xf32>
    %broadcast_in_dim3A = vector.shape_cast %reduce_sum3A_2 : vector<2000xf32> to vector<2000x1xf32>
    %div3A = arith.constant 6.400000e+01 : f32
    %div3A_3 = vector.broadcast %div3A : f32 to vector<2000x1xf32>
    %div3A_4 = arith.divf %broadcast_in_dim3A, %div3A_3 : vector<2000x1xf32>
    %sub3A = vector.broadcast %div3A_4 : vector<2000x1xf32> to vector<2000x64xf32>
    %sub3A_5 = arith.subf %get3A_1, %sub3A : vector<2000x64xf32>
    %mul3A = arith.mulf %sub3A_5, %sub3A_5 : vector<2000x64xf32>
    %reduce_sum3A_6 = arith.constant dense<0.000000e+00> : vector<2000xf32>
    %reduce_sum3A_7 = vector.multi_reduction <add>, %mul3A, %reduce_sum3A_6 [1] : vector<2000x64xf32> to vector<2000xf32>
    %broadcast_in_dim3A_8 = vector.shape_cast %reduce_sum3A_7 : vector<2000xf32> to vector<2000x1xf32>
    %div3A_9 = arith.constant 6.400000e+01 : f32
    %div3A_10 = vector.broadcast %div3A_9 : f32 to vector<2000x1xf32>
    %div3A_11 = arith.divf %broadcast_in_dim3A_8, %div3A_10 : vector<2000x1xf32>
    %add3A = arith.constant 9.99999974E-6 : f32
    %add3A_12 = vector.broadcast %add3A : f32 to vector<2000x1xf32>
    %add3A_13 = arith.addf %div3A_11, %add3A_12 : vector<2000x1xf32>
    %rsqrt3A = math.rsqrt %add3A_13 : vector<2000x1xf32>
    %mul3A_14 = vector.broadcast %rsqrt3A : vector<2000x1xf32> to vector<2000x64xf32>
    %mul3A_15 = arith.mulf %sub3A_5, %mul3A_14 : vector<2000x64xf32>
    %get3A_16 = arith.constant 0 : index
    %get3A_17 = arith.constant 0 : index
    %get3A_18 = vector.load %arg2[%get3A_16, %get3A_17] : memref<1x64xf32, #tpu.memory_space<vmem>>, vector<1x64xf32>
    %mul3A_19 = vector.broadcast %get3A_18 : vector<1x64xf32> to vector<2000x64xf32>
    %mul3A_20 = arith.mulf %mul3A_15, %mul3A_19 : vector<2000x64xf32>
    %get3A_21 = arith.constant 0 : index
    %get3A_22 = arith.constant 0 : index
    %get3A_23 = vector.load %arg3[%get3A_21, %get3A_22] : memref<1x64xf32, #tpu.memory_space<vmem>>, vector<1x64xf32>
    %add3A_24 = vector.broadcast %get3A_23 : vector<1x64xf32> to vector<2000x64xf32>
    %add3A_25 = arith.addf %mul3A_20, %add3A_24 : vector<2000x64xf32>
    %swap3A = arith.constant 0 : index
    %swap3A_26 = arith.constant 0 : index
    %swap3A_27 = vector.load %arg4[%swap3A, %swap3A_26] : memref<2000x64xf32, #tpu.memory_space<vmem>>, vector<2000x64xf32>
    tpu.vector_store %arg4[%swap3A, %swap3A_26], %add3A_25 {strides = array<i32>} : memref<2000x64xf32, #tpu.memory_space<vmem>>, vector<2000x64xf32>,
    return
  }
  func.func @transform_0(%arg0: i32) -> (i32, i32) {
    %c0_i32 = arith.constant 0 : i32
    %c0_i32_0 = arith.constant 0 : i32
    return %arg0, %c0_i32 : i32, i32
  }
  func.func @transform_1(%arg0: i32) -> (i32, i32) {
    %c0_i32 = arith.constant 0 : i32
    %c0_i32_0 = arith.constant 0 : i32
    %c0_i32_1 = arith.constant 0 : i32
    return %c0_i32, %c0_i32_0 : i32, i32
  }
  func.func @transform_2(%arg0: i32) -> (i32, i32) {
    %c0_i32 = arith.constant 0 : i32
    %c0_i32_0 = arith.constant 0 : i32
    %c0_i32_1 = arith.constant 0 : i32
    return %c0_i32, %c0_i32_0 : i32, i32
  }
  func.func @transform_3(%arg0: i32) -> (i32, i32) {
    %c0_i32 = arith.constant 0 : i32
    %c0_i32_0 = arith.constant 0 : i32
    return %arg0, %c0_i32 : i32, i32
  }
}

</mosaic_0001>

<sc_bundles>
// kernel: kernel.4.cloned.1.call-start
scs
__scs_entry_jumppad:
0x0: {  	(pc) =	sbr.rel $0x88, $3  }
0x1: {  	(tag) =	ssettag $0x0;
	lr =	simm.s32 $0x1  }
0x2: {  	[smem:$0x3F9D] =	sst lr;
	_ =	strace $0xD0000000  }
0x3: {  	_ = 	snop  }
0x4: {  	_ = 	snop  }
0x5: {  	_ = 	snop  }
0x6: {  	_ = 	snop  }
0x7: {  	_ = 	snop  }
__scs_overlays_trampoline_lowered:
0x8: {  	[smem:$0x3FAC] =	sst s0  }
0x9: {  	[smem:$0x3FAD] =	sst s1  }
0xa: {  	[smem:$0x3FAE] =	sst s2  }
0xb: {  	[smem:$0x3FAF] =	sst s3  }
0xc: {  	[smem:$0x3FB0] =	sst s4  }
0xd: {  	[smem:$0x3FB1] =	sst s5  }
0xe: {  	[smem:$0x3FB2] =	sst s6  }
0xf: {  	[smem:$0x3FB3] =	sst s7  }
0x10: {  	[smem:$0x3FB4] =	sst s8  }
0x11: {  	[smem:$0x3FB5] =	sst s9;
	s0 =	simm.s32 @!p0 $0x0  }
0x12: {  	s1 =	sld [smem:$0x3F9B];
	s0 =	simm.s32 @p0 $0x1  }
0x13: {  	[smem:$0x3FB6] =	sst s0;
	s0 =	simm.s32 @!p1 $0x0  }
0x14: {  	s2 =	sld [smem:$0x3F9A];
	s0 =	simm.s32 @p1 $0x1  }
0x15: {  	[smem:$0x3FB7] =	sst s0;
	s0 =	simm.s32 @!p2 $0x0  }
0x16: {  	s3 =	sld [smem:$0x3FDB];
	s0 =	simm.s32 @p2 $0x1  }
0x17: {  	s4 =	simm.s32 $0x1BF5;
	[smem:$0x3FB9] =	sst s0  }
0x18: {  	s0 =	sld [smem:$0x3F9C];
	_ =	swait.ge [sflag:s4], $0x0  }
0x19: {  	s7 =	sld [smem:$0x3F9D]  }
0x1a: {  	s8 =	sadd.s32 $0xFFFFE003, lr  }
0x1b: {  	s9 =	sadd.s32 $0xFFFFFEF7, lr;
	s5 =	simm.s32 $0xFFFFFFFF;
	p2 =	slt.u32 s8, $0xFFFFF086  }
0x1c: {  	p1 =	slt.u32 s9, $0xF7A;
	s5 =	simm.s32 @!p2 $0x0  }
0x1d: {  	s5 =	simm.s32 @p1 $0x1;
	p0 =	seq.s32 s7, s2  }
0x1e: {  	s7 =	smul.u32 @!p0 $0xF7A, s2;
	p2 =	seq.s32 @!p0 s5, $0x0  }
0x1f: {  	s9 =	smul.u32 $0xF7A, s1;
	s8 =	simm.s32 @!p0 $0x1BF5;
	p2 =	por !p2, p0  }
0x20: {  	[sflag:s8] =	ssyncset.s32 @!p0 $0xFFFFF086;
	s6 =	sadd.s32 @!p0 s3, s7;
	s7 =	simm.s32 @!p0 $0x108  }
0x21: {  	s3 =	sadd.s32 s3, s9;
	s6 =	sadd.s32 @!p0 $0x88, s6;
	s7 =	simm.s32 @p2 $0x1082  }
0x22: {  	[simem:s7], [sflag:s8] =	dma.local @!p0 [hbm:s6], $0xF7A  }
0x23: {  	s9 =	sor.u32 $0xD0000000, s2;
	s6 =	simm.s32 $0x108;
	_ =	swait.ge @!p0 [sflag:s8], $0x0  }
0x24: {  	s3 =	sadd.s32 $0x88, s3;
	s6 =	simm.s32 @!p1 $0x1082;
	[sflag:s4] =	ssyncset.s32 $0xFFFFF086  }
0x25: {  	[simem:s6], [sflag:s4] =	dma.local [hbm:s3], $0xF7A  }
0x26: {  	[smem:$0x3F9D] =	sst s1;
	(tag) =	ssettag s2;
	_ =	strace s9  }
0x27: {  	s1 =	sld [smem:$0x3FAD]  }
0x28: {  	s2 =	sld [smem:$0x3FAE]  }
0x29: {  	s4 =	sld [smem:$0x3FB0]  }
0x2a: {  	p0 =	seq.s32 s5, $0x0;
	s5 =	sld [smem:$0x3FB1]  }
0x2b: {  	s6 =	sld [smem:$0x3FB2]  }
0x2c: {  	s7 =	sld [smem:$0x3FB3]  }
0x2d: {  	s3 =	simm.s32 $0x108;
	s8 =	sld [smem:$0x3FB4]  }
0x2e: {  	s3 =	simm.s32 @!p0 $0x1082;
	s9 =	sld [smem:$0x3FB5]  }
0x2f: {  	lr =	sadd.s32 s0, s3;
	s0 =	sld [smem:$0x3FAC]  }
0x30: {  	s3 =	sld [smem:$0x3FAF]  }
0x31: {  	[smem:$0x3FB8] =	sst s10  }
0x32: {  	s10 =	sld [smem:$0x3FB6];
	_ =	sdelay $0x3  }
0x33: {  	p0 =	seq.s32 s10, $0x1;
	s10 =	sld [smem:$0x3FB8];
	_ =	sdelay $0x3  }
0x34: {  	[smem:$0x3FB8] =	sst s10  }
0x35: {  	s10 =	sld [smem:$0x3FB7];
	_ =	sdelay $0x3  }
0x36: {  	p1 =	seq.s32 s10, $0x1;
	s10 =	sld [smem:$0x3FB8];
	_ =	sdelay $0x3  }
0x37: {  	[smem:$0x3FB8] =	sst s10  }
0x38: {  	s10 =	sld [smem:$0x3FB9]  }
0x39: {  	_ = 	snop;
	(pc) =	sbr.ind lr, $3  }
0x3a: {  	_ = 	snop  }
0x3b: {  	_ = 	snop  }
0x3c: {  	p2 =	seq.s32 s10, $0x1;
	s10 =	sld [smem:$0x3FB8]  }
0x3d: {  	_ =	shalt  }
0x3e: {  	_ =	shalt  }
0x3f: {  	_ =	shalt  }
0x40: {  	_ =	shalt  }
0x41: {  	_ =	shalt  }
0x42: {  	_ =	shalt  }
0x43: {  	_ =	shalt  }
0x44: {  	_ =	shalt  }
0x45: {  	_ =	shalt  }
0x46: {  	_ =	shalt  }
0x47: {  	_ =	shalt  }
0x48: {  	_ =	shalt  }
0x49: {  	_ =	shalt  }
0x4a: {  	_ =	shalt  }
0x4b: {  	_ =	shalt  }
0x4c: {  	_ =	shalt  }
0x4d: {  	_ =	shalt  }
0x4e: {  	_ =	shalt  }
0x4f: {  	_ =	shalt  }
0x50: {  	_ =	shalt  }
0x51: {  	_ =	shalt  }
0x52: {  	_ =	shalt  }
0x53: {  	_ =	shalt  }
0x54: {  	_ =	shalt  }
0x55: {  	_ =	shalt  }
0x56: {  	_ =	shalt  }
0x57: {  	_ =	shalt  }
0x58: {  	_ =	shalt  }
0x59: {  	_ =	shalt  }
0x5a: {  	_ =	shalt  }
0x5b: {  	_ =	shalt  }
0x5c: {  	_ =	shalt  }
0x5d: {  	_ =	shalt  }
0x5e: {  	_ =	shalt  }
0x5f: {  	_ =	shalt  }
0x60: {  	_ =	shalt  }
0x61: {  	_ =	shalt  }
0x62: {  	_ =	shalt  }
0x63: {  	_ =	shalt  }
0x64: {  	_ =	shalt  }
0x65: {  	_ =	shalt  }
0x66: {  	_ =	shalt  }
0x67: {  	_ =	shalt  }
0x68: {  	_ =	shalt  }
0x69: {  	_ =	shalt  }
0x6a: {  	_ =	shalt  }
0x6b: {  	_ =	shalt  }
0x6c: {  	_ =	shalt  }
0x6d: {  	_ =	shalt  }
0x6e: {  	_ =	shalt  }
0x6f: {  	_ =	shalt  }
0x70: {  	_ =	shalt  }
0x71: {  	_ =	shalt  }
0x72: {  	_ =	shalt  }
0x73: {  	_ =	shalt  }
0x74: {  	_ =	shalt  }
0x75: {  	_ =	shalt  }
0x76: {  	_ =	shalt  }
0x77: {  	_ =	shalt  }
0x78: {  	_ =	shalt  }
0x79: {  	_ =	shalt  }
0x7a: {  	_ =	shalt  }
0x7b: {  	_ =	shalt  }
0x7c: {  	_ =	shalt  }
0x7d: {  	_ =	shalt  }
0x7e: {  	_ =	shalt  }
0x7f: {  	_ =	shalt  }
0x80: {  	_ =	shalt  }
0x81: {  	_ =	shalt  }
0x82: {  	_ =	shalt  }
0x83: {  	_ =	shalt  }
0x84: {  	_ =	shalt  }
0x85: {  	_ =	shalt  }
0x86: {  	_ =	shalt  }
0x87: {  	_ =	shalt  }
.Lfunc_end0:
.L_simem_size_0:
called_computation.1_lowered:
.L_overlay_start_0:
0x88: {  	s2 =	sld [smem:$0x3FD9]  }
0x89: {  	s3 =	sld [smem:$0x3FFE];
	_ =	sdelay $0x1  }
0x8a: {  	s1 =	srdreg.scid  }
0x8b: {  	s0 =	sand.u32 $0x1, s1  }
0x8c: {  	s14 =	sshll.u32 s0, $0xA;
	s2 =	sadd.s32 s3, s2  }
0x8d: {  	s2 =	sadd.s32 s2, s14  }
0x8e: {  	[smem:$0x3FC4] =	sst s2  }
0x8f: {  	_ = 	snop  }
0x90: {  	s2 =	sld [smem:$0x3FD0];
	_ =	sdelay $0x2  }
0x91: {  	s15 =	simm.s32 $0xA;
	s4 =	simm.s32 $0x10  }
0x92: {  	[smem:s4], [sflag:s15] =	dma.local [hbm:s2], $0x1  }
0x93: {  	_ =	swait.eq [sflag:s15], $0x1  }
0x94: {  	[sflag:s15] =	ssyncset.done $0x0  }
0x95: {  	[sflag:s15] =	ssyncadd.s32 $0xFFFFFFFF  }
0x96: {  	s16 =	sld [smem:$0x10];
	(tm) =	ssettm $0x1  }
0x97: {  	s17 =	sld [smem:$0x3FFB];
	_ =	sdelay $0x3  }
0x98: {  	_ =	strace s17  }
0x99: {  	s3 =	sld [smem:$0x3FFC];
	_ =	sdelay $0x3  }
0x9a: {  	_ =	strace s3  }
0x9b: {  	s3 =	sld [smem:$0x3FFD];
	_ =	sdelay $0x3  }
0x9c: {  	_ =	strace s3  }
0x9d: {  	_ =	strace $0x8FFFFFFF  }
0x9e: {  	s18 =	sld [smem:$0x3FDB];
	_ =	sdelay $0x1  }
0x9f: {  	s19 =	simm.s32 $_scs_section_size  }
0xa0: {  	s5 =	simm.s32 $_size__tile_overlayer_lowered;
	s6 =	simm.s32 $_tile_overlayer_lowered  }
0xa1: {  	s22 =	simm.s32 $0x1BFF;
	s21 =	sshll.u32 s6, $0x1;
	s3 =	sadd.s32 s19, s18  }
0xa2: {  	s7 =	simm.s32 $0x0;
	s20 =	sshll.u32 s5, $0x1;
	s5 =	sadd.s32 s21, s3  }
0xa3: {  	[timem:s7], [sflag:s22] =	dma.local [hbm:s5], s20  }
0xa4: {  	_ =	swait.ge [sflag:s22], s20  }
0xa5: {  	s4 =	ssub.s32 $0x0, s20;
	[sflag:s22] =	ssyncset.done $0x0  }
0xa6: {  	[sflag:s22] =	ssyncadd.s32 s4;
	_ =	sdelay $0x1  }
0xa7: {  	s23 =	simm.s32 $0x1B8B  }
0xa8: {  	_ =	swait.ge [sflag:s23], $0x1  }
0xa9: {  	[sflag:s23] =	ssyncset.done $0x0  }
0xaa: {  	s25 =	simm.s32 $0x1B8E;
	s24 =	sld [smem:$0x3FFE];
	[sflag:s23] =	ssyncadd.s32 $0xFFFFFFFF  }
0xab: {  	s26 =	simm.s32 $execute0_lowered;
	[smem:$0x3FD2] =	sst s25  }
0xac: {  	s5 =	sshll.u32 s26, $0x1;
	_ =	strace $0x80000046;
	[dreg:$0x1] =	wrdreg $0xFFFFFFFF  }
0xad: {  	s28 =	simm.s32 $_size_execute0_lowered;
	s3 =	sadd.s32 s3, s5;
	[dreg:$0x0] =	wrdreg $0x0  }
0xae: {  	s5 =	sshll.u32 s28, $0x1;
	[dreg:$0x2] =	wrdreg s3  }
0xaf: {  	[dreg:$0x3] =	wrdreg s5  }
0xb0: {  	[dreg:$0x4] =	wrdreg $0xC0  }
0xb1: {  	_ =	task [dreg:s7], $0x5FFFF  }
0xb2: {  	[dreg:$0x1] =	wrdreg $0xFFFFFFFF  }
0xb3: {  	[dreg:$0x0] =	wrdreg $0x60  }
0xb4: {  	[dreg:$0x2] =	wrdreg s24  }
0xb5: {  	[dreg:$0x3] =	wrdreg s16  }
0xb6: {  	[dreg:$0x4] =	wrdreg $0x9  }
0xb7: {  	_ =	task.clear_ibuf [dreg:s7], $0x5FFFF;
	_ =	strace $0x90000046  }
0xb8: {  	s29 =	simm.s32 $0x9;
	_ =	strace $0x80000048  }
0xb9: {  	_ =	swait.ge [sflag:s29], $0x1  }
0xba: {  	[sflag:s29] =	ssyncadd.s32 $0xFFFFFFFF  }
0xbb: {  	_ =	strace $0x90000048  }
0xbc: {  	_ =	sfence  }
0xbd: {  	s30 =	sld [smem:$0x0];
	_ =	sdelay $0x2  }
0xbe: {  	s31 =	sshll.u32 s1, $0xD;
	s1 =	sshrl.u32 s1, $0x2  }
0xbf: {  	s3 =	sand.u32 $0x4000, s31;
	s1 =	sadd.s32 s1, s30  }
0xc0: {  	s0 =	sor.u32 s3, s0;
	s1 =	sshll.u32 s1, $0x11  }
0xc1: {  	s0 =	sor.u32 s1, s0  }
0xc2: {  	s0 =	sadd.s32 $0x8F2B, s0  }
0xc3: {  	[sflag:s0] =	ssyncadd.remote.s32 $0x1  }
0xc4: {  	_ =	sfence.sel $0xFFFF  }
0xc5: {  	[dreg:$0x0] =	wrdreg $0xFFFFFFFF;
	(pc) =	sbr.abs _section_cstart, $3  }
0xc6: {  	[dreg:$0x1] =	wrdreg $0xFFFFFFFF  }
0xc7: {  	_ =	task.clear_ibuf [dreg:s7], $0x2FFFF;
	_ =	strace $0x9FFFFFFF  }
0xc8: {  	(tm) =	ssettm $0x7FFFFFFF  }
0xc9: {  	_ =	shalt  }
tec
execute0_lowered:
.L_overlay_start_1:
0x0: {  	(tag) =	ssettag $0x1  }
0x1: {  	s0 =	srdreg.scid  }
0x2: {  	s8 =	stileid.u32;
	s1 =	rddreg [dreg:$0x0]  }
0x3: {  	s2 =	rddreg [dreg:$0x1];
	s14 =	simm.s32 $0x80;
	s25 =	simm.s32 $0x8400  }
0x4: {  	s15 =	simm.s32 $0x6400;
	s26 =	simm.s32 $0xC400;
	s9 =	smul.u32 $0x64000, s8  }
0x5: {  	s16 =	simm.s32 $0xA400;
	s30 =	simm.s32 $0x10400;
	s11 =	smul.u32 $0x320000, s8  }
0x6: {  	s17 =	simm.s32 $0x1;
	s0 =	sand.u32 $0x1, s0;
	s12 =	smul.u32 $0x190, s8  }
0x7: {  	s18 =	simm.s32 $0xE400;
	s19 =	simm.s32 $0x2;
	s10 =	smul.u32 $0x32000, s0  }
0x8: {  	s31 =	simm.s32 $0x14400;
	s3 =	sshll.u32 s8, $0x1;
	s13 =	smul.u32 $0xC8, s0  }
0x9: {  	s4 =	sor.u32 s0, s3;
	s20 =	ssub.s32 $0x2, s0;
	s0 =	smul.u32 $0x190000, s0  }
0xa: {  	s29 =	simm.s32 $0x0;
	s3 =	simm.s32 $0x0;
	s5 =	smul.u32 $0xC80, s4  }
0xb: {  	[smem:$0x7FF] =	sst s3;
	s6 =	smul.u32 $0x190000, s4;
	s4 =	sadd.s32 $0x1A0C00, s1  }
0xc: {  	s7 =	sshrl.u32 s20, $0x1;
	_ =	strace $0x80000047;
	[dreg:$0x3] =	wrdreg s25  }
0xd: {  	s23 =	sadd.s32 s13, s12;
	s24 =	sadd.s32 s10, s9;
	[dreg:$0x4] =	wrdreg s26  }
0xe: {  	s0 =	sadd.s32 s0, s11;
	s13 =	simm.s32 $0x9;
	[dreg:$0x5] =	wrdreg s30  }
0xf: {  	[dreg:$0x6] =	wrdreg s31;
	s25 =	simm.s32 $0x7;
	s26 =	simm.s32 $0x8  }
0x10: {  	s1 =	sadd.s32 s5, s1;
	s6 =	sshrl.u32 s6, $0x3;
	s5 =	ssub.s32 s20, s7  }
0x11: {  	s28 =	sadd.s32 $0x1FFFF800, s24;
	s0 =	sshrl.u32 s0, $0x3;
	s20 =	simm.s32 $0x12400  }
0x12: {  	s24 =	simm.s32 $0x6;
	s6 =	sadd.s32 s2, s6;
	s21 =	sadd.s32 $0x1200, s1  }
0x13: {  	s1 =	sadd.s32 $0x1A200, s1;
	s22 =	smax.u32 s5, $0x1;
	[dreg:$0x7] =	wrdreg s21  }
0x14: {  	s0 =	sadd.s32 s0, s2;
	s6 =	sadd.s32 $0x31800, s6;
	[dreg:$0x9] =	wrdreg s1  }
0x15: {  	[dreg:$0xa] =	wrdreg s22;
	s1 =	sshll.u32 s23, $0xA;
	s21 =	simm.s32 $0x3  }
0x16: {  	s22 =	simm.s32 $0x4;
	s23 =	simm.s32 $0x5;
	s1 =	sadd.s32 s1, s2  }
0x17: {  	v0 =	vimm.s32 $0x0;
	[dreg:$0x8] =	wrdreg s6;
	s11 =	sadd.s32 $0x800, s1;
	s12 =	sadd.s32 $0x1000, s1  }
.LBB2_1:
0x18: {  	s1 =	rddreg [dreg:$0x7]  }
0x19: {  	[tilespmem:s3], [sflag:$0x9] =	stream.linear.gather [hbm4b:s1+s3], $0x6400, $0x38;
	[tilespmem:$0x1C800] =	vst v63  }
0x1a: {  	s30 =	smov.u32 s12;
	_ =	swait.ge [sflag:s13], $0x6400  }
0x1b: {  	s31 =	smov.u32 s11;
	s10 =	smov.u32 s0;
	[sflag:s13] =	ssyncset.done $0x0  }
0x1c: {  	s9 =	smov.u32 s28;
	s1 =	simm.s32 $0x0;
	[sflag:s13] =	ssyncadd.s32 $0xFFFF9C00  }
.LBB2_2:
0x1d: {  	p0 =	seq.s32 s1, $0x0  }
0x1e: {  	s5 =	simm.s32 @!p0 $0x5  }
0x1f: {  	_ =	swait.ge @!p0 [sflag:s5], $0x4000  }
0x20: {  	[sflag:s5] =	ssyncset.done @!p0 $0x0  }
0x21: {  	[sflag:s5] =	ssyncadd.s32 @!p0 $0xFFFFC000;
	s5 =	sshra.s32 s1, $0x2  }
0x22: {  	[tilespmem:s15], [sflag:$0x1] =	stream.indirect.gather [hbm4b:s4+s14], $0x40, s5, s14, $0xb8;
	[tilespmem:$0x1C800] =	vst v63  }
0x23: {  	s6 =	rddreg [dreg:$0x3];
	s7 =	sadd.s32 $0x80, s5  }
0x24: {  	[tilespmem:s6], [sflag:$0x1] =	stream.indirect.gather [hbm4b:s4+s14], $0x40, s7, s14, $0xb8;
	[tilespmem:$0x1C800] =	vst v63  }
0x25: {  	s6 =	simm.s32 @!p0 $0x4  }
0x26: {  	_ =	swait.ge @!p0 [sflag:s6], $0x2000  }
0x27: {  	[sflag:s6] =	ssyncset.done @!p0 $0x0  }
0x28: {  	[sflag:s6] =	ssyncadd.s32 @!p0 $0xFFFFE000  }
0x29: {  	_ =	swait.ge @!p0 [sflag:s6], $0x2000  }
0x2a: {  	[sflag:s6] =	ssyncset.done @!p0 $0x0  }
0x2b: {  	[sflag:s6] =	ssyncadd.s32 @!p0 $0xFFFFE000;
	s6 =	sand.u32 @!p0 $0x1FFFF800, s9  }
0x2c: {  	s8 =	simm.s32 @!p0 $0x12400;
	s7 =	simm.s32 @!p0 $0x0;
	s6 =	sadd.s32 @!p0 s2, s6  }
0x2d: {  	[hbm4b:s6+s7] =	stream.linear.scatter @!p0 [tilespmem:s8], [sflag:$0x8], $0x4000, $0x38;
	[tilespmem:$0x1C800] =	vst v63  }
0x2e: {  	v1 =	vld [tilespmem:s5+$0x0]  }
0x2f: {  	v2 =	vld [tilespmem:s5+$0x10]  }
0x30: {  	v3 =	vld [tilespmem:s5+$0x20]  }
0x31: {  	v4 =	vld [tilespmem:s5+$0x30]  }
0x32: {  	v5 =	vld [tilespmem:s5+$0x40]  }
0x33: {  	v56 =	vld [tilespmem:s5+$0x80]  }
0x34: {  	v58 =	vld [tilespmem:s5+$0x90]  }
0x35: {  	vm0 =	vgt.s32 v1, $0x0;
	v1 =	vld [tilespmem:s5+$0x50]  }
0x36: {  	vm13 =	vgt.s32 v2, $0x0;
	v2 =	vld [tilespmem:s5+$0x60];
	v6 =	vsel vm0, $0x1, v0  }
0x37: {  	vm14 =	vgt.s32 v3, $0x0;
	v3 =	vld [tilespmem:s5+$0x70];
	v54 =	vsel vm13, $0x1, v0;
	[tilespmem:s5+$0x16400] =	vst v6  }
0x38: {  	vm15 =	vgt.s32 v4, $0x0;
	v55 =	vsel vm14, $0x1, v0;
	[tilespmem:s5+$0x16410] =	vst v54  }
0x39: {  	vm4 =	vgt.s32 v5, $0x0;
	v57 =	vsel vm15, $0x1, v0;
	[tilespmem:s5+$0x16420] =	vst v55  }
0x3a: {  	vm8 =	vgt.s32 v56, $0x0;
	v59 =	vsel vm4, $0x1, v0;
	[tilespmem:s5+$0x16430] =	vst v57;
	vm5 =	vgt.s32 v1, $0x0;
	v1 =	vld [tilespmem:s5+$0xA0]  }
0x3b: {  	vm9 =	vgt.s32 v58, $0x0;
	v9 =	vsel vm8, $0x1, v0;
	[tilespmem:s5+$0x16440] =	vst v59;
	vm6 =	vgt.s32 v2, $0x0;
	v2 =	vld [tilespmem:s5+$0xB0]  }
0x3c: {  	v11 =	vsel vm9, $0x1, v0;
	[tilespmem:s5+$0x16480] =	vst v9;
	vm7 =	vgt.s32 v3, $0x0;
	v3 =	vld [tilespmem:s5+$0xC0]  }
0x3d: {  	v63 =	vld [tilespmem:s5+$0xD0];
	[tilespmem:s5+$0x16490] =	vst v11;
	v60 =	vsel vm5, $0x1, v0  }
0x3e: {  	v10 =	vld [tilespmem:s5+$0xE0];
	v61 =	vsel vm6, $0x1, v0;
	[tilespmem:s5+$0x16450] =	vst v60  }
0x3f: {  	v62 =	vsel vm7, $0x1, v0;
	[tilespmem:s5+$0x16460] =	vst v61;
	vm10 =	vgt.s32 v1, $0x0;
	v1 =	vld [tilespmem:s5+$0xF0]  }
0x40: {  	[tilespmem:s5+$0x16470] =	vst v62;
	vm11 =	vgt.s32 v2, $0x0;
	v12 =	vsel vm10, $0x1, v0  }
0x41: {  	vm12 =	vgt.s32 v3, $0x0;
	v2 =	vsel vm11, $0x1, v0;
	[tilespmem:s5+$0x164A0] =	vst v12  }
0x42: {  	vm13 =	vgt.s32 v63, $0x0;
	[tilespmem:s5+$0x164B0] =	vst v2;
	v2 =	vsel vm12, $0x1, v0  }
0x43: {  	vm14 =	vgt.s32 v10, $0x0;
	[tilespmem:s5+$0x164C0] =	vst v2;
	v2 =	vsel vm13, $0x1, v0  }
0x44: {  	[tilespmem:s5+$0x164D0] =	vst v2;
	v2 =	vsel vm14, $0x1, v0;
	vm15 =	vgt.s32 v1, $0x0  }
0x45: {  	[tilespmem:s5+$0x164E0] =	vst v2;
	v1 =	vsel vm15, $0x1, v0  }
0x46: {  	s6 =	simm.s32 @!p0 $0x6;
	[tilespmem:s5+$0x164F0] =	vst v1  }
0x47: {  	_ =	swait.ge @!p0 [sflag:s6], $0x4000  }
0x48: {  	[sflag:s6] =	ssyncset.done @!p0 $0x0  }
0x49: {  	s8 =	sadd.s32 $0x100, s5;
	[sflag:s6] =	ssyncadd.s32 @!p0 $0xFFFFC000  }
0x4a: {  	[tilespmem:s16], [sflag:$0x2] =	stream.indirect.gather [hbm4b:s4+s14], $0x40, s8, s14, $0xb8;
	[tilespmem:$0x1C800] =	vst v63  }
0x4b: {  	s7 =	rddreg [dreg:$0x4];
	s8 =	sadd.s32 $0x180, s5  }
0x4c: {  	[tilespmem:s7], [sflag:$0x2] =	stream.indirect.gather [hbm4b:s4+s14], $0x40, s8, s14, $0xb8;
	[tilespmem:$0x1C800] =	vst v63  }
0x4d: {  	_ =	swait.ge [sflag:s17], $0x2000  }
0x4e: {  	[sflag:s17] =	ssyncset.done $0x0  }
0x4f: {  	[sflag:s17] =	ssyncadd.s32 $0xFFFFE000  }
0x50: {  	_ =	swait.ge [sflag:s17], $0x2000  }
0x51: {  	[sflag:s17] =	ssyncset.done $0x0  }
0x52: {  	[sflag:s17] =	ssyncadd.s32 $0xFFFFE000  }
0x53: {  	[hbm4b:s10+s3] =	stream.linear.scatter [tilespmem:s15], [sflag:$0x5], $0x4000, $0x38;
	[tilespmem:$0x1C800] =	vst v63  }
0x54: {  	v1 =	vld [tilespmem:s5+$0x100]  }
0x55: {  	v2 =	vld [tilespmem:s5+$0x110]  }
0x56: {  	v3 =	vld [tilespmem:s5+$0x120]  }
0x57: {  	v13 =	vld [tilespmem:s5+$0x130]  }
0x58: {  	v14 =	vld [tilespmem:s5+$0x140]  }
0x59: {  	v18 =	vld [tilespmem:s5+$0x180]  }
0x5a: {  	v20 =	vld [tilespmem:s5+$0x190]  }
0x5b: {  	vm4 =	vgt.s32 v1, $0x0;
	v1 =	vld [tilespmem:s5+$0x150]  }
0x5c: {  	vm5 =	vgt.s32 v2, $0x0;
	v2 =	vld [tilespmem:s5+$0x160];
	v15 =	vsel vm4, $0x1, v0  }
0x5d: {  	vm6 =	vgt.s32 v3, $0x0;
	v3 =	vld [tilespmem:s5+$0x170];
	v16 =	vsel vm5, $0x1, v0;
	[tilespmem:s5+$0x16500] =	vst v15  }
0x5e: {  	vm7 =	vgt.s32 v13, $0x0;
	v17 =	vsel vm6, $0x1, v0;
	[tilespmem:s5+$0x16510] =	vst v16  }
0x5f: {  	vm8 =	vgt.s32 v14, $0x0;
	v19 =	vsel vm7, $0x1, v0;
	[tilespmem:s5+$0x16520] =	vst v17  }
0x60: {  	vm12 =	vgt.s32 v18, $0x0;
	v21 =	vsel vm8, $0x1, v0;
	[tilespmem:s5+$0x16530] =	vst v19;
	vm9 =	vgt.s32 v1, $0x0;
	v1 =	vld [tilespmem:s5+$0x1A0]  }
0x61: {  	vm13 =	vgt.s32 v20, $0x0;
	v26 =	vsel vm12, $0x1, v0;
	[tilespmem:s5+$0x16540] =	vst v21;
	vm10 =	vgt.s32 v2, $0x0;
	v2 =	vld [tilespmem:s5+$0x1B0]  }
0x62: {  	v28 =	vsel vm13, $0x1, v0;
	[tilespmem:s5+$0x16580] =	vst v26;
	vm11 =	vgt.s32 v3, $0x0;
	v3 =	vld [tilespmem:s5+$0x1C0]  }
0x63: {  	v25 =	vld [tilespmem:s5+$0x1D0];
	[tilespmem:s5+$0x16590] =	vst v28;
	v22 =	vsel vm9, $0x1, v0  }
0x64: {  	v27 =	vld [tilespmem:s5+$0x1E0];
	v23 =	vsel vm10, $0x1, v0;
	[tilespmem:s5+$0x16550] =	vst v22  }
0x65: {  	v24 =	vsel vm11, $0x1, v0;
	[tilespmem:s5+$0x16560] =	vst v23;
	vm14 =	vgt.s32 v1, $0x0;
	v1 =	vld [tilespmem:s5+$0x1F0]  }
0x66: {  	[tilespmem:s5+$0x16570] =	vst v24;
	vm15 =	vgt.s32 v2, $0x0;
	v29 =	vsel vm14, $0x1, v0  }
0x67: {  	vm4 =	vgt.s32 v3, $0x0;
	v2 =	vsel vm15, $0x1, v0;
	[tilespmem:s5+$0x165A0] =	vst v29  }
0x68: {  	vm5 =	vgt.s32 v25, $0x0;
	[tilespmem:s5+$0x165B0] =	vst v2;
	v2 =	vsel vm4, $0x1, v0  }
0x69: {  	vm6 =	vgt.s32 v27, $0x0;
	[tilespmem:s5+$0x165C0] =	vst v2;
	v2 =	vsel vm5, $0x1, v0  }
0x6a: {  	[tilespmem:s5+$0x165D0] =	vst v2;
	v2 =	vsel vm6, $0x1, v0;
	vm7 =	vgt.s32 v1, $0x0  }
0x6b: {  	[tilespmem:s5+$0x165E0] =	vst v2;
	v1 =	vsel vm7, $0x1, v0  }
0x6c: {  	s6 =	simm.s32 @!p0 $0x7;
	[tilespmem:s5+$0x165F0] =	vst v1  }
0x6d: {  	_ =	swait.ge @!p0 [sflag:s6], $0x4000  }
0x6e: {  	[sflag:s6] =	ssyncset.done @!p0 $0x0  }
0x6f: {  	s8 =	sadd.s32 $0x200, s5;
	[sflag:s6] =	ssyncadd.s32 @!p0 $0xFFFFC000  }
0x70: {  	[tilespmem:s18], [sflag:$0x3] =	stream.indirect.gather [hbm4b:s4+s14], $0x40, s8, s14, $0xb8;
	[tilespmem:$0x1C800] =	vst v63  }
0x71: {  	s7 =	rddreg [dreg:$0x5];
	s8 =	sadd.s32 $0x280, s5  }
0x72: {  	[tilespmem:s7], [sflag:$0x3] =	stream.indirect.gather [hbm4b:s4+s14], $0x40, s8, s14, $0xb8;
	[tilespmem:$0x1C800] =	vst v63  }
0x73: {  	_ =	swait.ge [sflag:s19], $0x2000  }
0x74: {  	[sflag:s19] =	ssyncset.done $0x0  }
0x75: {  	[sflag:s19] =	ssyncadd.s32 $0xFFFFE000  }
0x76: {  	_ =	swait.ge [sflag:s19], $0x2000  }
0x77: {  	[sflag:s19] =	ssyncset.done $0x0  }
0x78: {  	[sflag:s19] =	ssyncadd.s32 $0xFFFFE000  }
0x79: {  	[hbm4b:s31+s3] =	stream.linear.scatter [tilespmem:s16], [sflag:$0x6], $0x4000, $0x38;
	[tilespmem:$0x1C800] =	vst v63  }
0x7a: {  	v1 =	vld [tilespmem:s5+$0x200]  }
0x7b: {  	v2 =	vld [tilespmem:s5+$0x210]  }
0x7c: {  	v3 =	vld [tilespmem:s5+$0x220]  }
0x7d: {  	v30 =	vld [tilespmem:s5+$0x230]  }
0x7e: {  	v31 =	vld [tilespmem:s5+$0x240]  }
0x7f: {  	v35 =	vld [tilespmem:s5+$0x280]  }
0x80: {  	v37 =	vld [tilespmem:s5+$0x290]  }
0x81: {  	vm8 =	vgt.s32 v1, $0x0;
	v1 =	vld [tilespmem:s5+$0x250]  }
0x82: {  	vm9 =	vgt.s32 v2, $0x0;
	v2 =	vld [tilespmem:s5+$0x260];
	v32 =	vsel vm8, $0x1, v0  }
0x83: {  	vm10 =	vgt.s32 v3, $0x0;
	v3 =	vld [tilespmem:s5+$0x270];
	v33 =	vsel vm9, $0x1, v0;
	[tilespmem:s5+$0x16600] =	vst v32  }
0x84: {  	vm11 =	vgt.s32 v30, $0x0;
	v34 =	vsel vm10, $0x1, v0;
	[tilespmem:s5+$0x16610] =	vst v33  }
0x85: {  	vm12 =	vgt.s32 v31, $0x0;
	v36 =	vsel vm11, $0x1, v0;
	[tilespmem:s5+$0x16620] =	vst v34  }
0x86: {  	vm4 =	vgt.s32 v35, $0x0;
	v38 =	vsel vm12, $0x1, v0;
	[tilespmem:s5+$0x16630] =	vst v36;
	vm13 =	vgt.s32 v1, $0x0;
	v1 =	vld [tilespmem:s5+$0x2A0]  }
0x87: {  	vm5 =	vgt.s32 v37, $0x0;
	v43 =	vsel vm4, $0x1, v0;
	[tilespmem:s5+$0x16640] =	vst v38;
	vm14 =	vgt.s32 v2, $0x0;
	v2 =	vld [tilespmem:s5+$0x2B0]  }
0x88: {  	v45 =	vsel vm5, $0x1, v0;
	[tilespmem:s5+$0x16680] =	vst v43;
	vm15 =	vgt.s32 v3, $0x0;
	v3 =	vld [tilespmem:s5+$0x2C0]  }
0x89: {  	v42 =	vld [tilespmem:s5+$0x2D0];
	[tilespmem:s5+$0x16690] =	vst v45;
	v39 =	vsel vm13, $0x1, v0  }
0x8a: {  	v44 =	vld [tilespmem:s5+$0x2E0];
	v40 =	vsel vm14, $0x1, v0;
	[tilespmem:s5+$0x16650] =	vst v39  }
0x8b: {  	v41 =	vsel vm15, $0x1, v0;
	[tilespmem:s5+$0x16660] =	vst v40;
	vm6 =	vgt.s32 v1, $0x0;
	v1 =	vld [tilespmem:s5+$0x2F0]  }
0x8c: {  	[tilespmem:s5+$0x16670] =	vst v41;
	vm7 =	vgt.s32 v2, $0x0;
	v46 =	vsel vm6, $0x1, v0  }
0x8d: {  	vm8 =	vgt.s32 v3, $0x0;
	v2 =	vsel vm7, $0x1, v0;
	[tilespmem:s5+$0x166A0] =	vst v46  }
0x8e: {  	vm9 =	vgt.s32 v42, $0x0;
	[tilespmem:s5+$0x166B0] =	vst v2;
	v2 =	vsel vm8, $0x1, v0  }
0x8f: {  	vm10 =	vgt.s32 v44, $0x0;
	[tilespmem:s5+$0x166C0] =	vst v2;
	v2 =	vsel vm9, $0x1, v0  }
0x90: {  	[tilespmem:s5+$0x166D0] =	vst v2;
	v2 =	vsel vm10, $0x1, v0;
	vm11 =	vgt.s32 v1, $0x0  }
0x91: {  	[tilespmem:s5+$0x166E0] =	vst v2;
	v1 =	vsel vm11, $0x1, v0  }
0x92: {  	s6 =	simm.s32 @!p0 $0x8;
	[tilespmem:s5+$0x166F0] =	vst v1  }
0x93: {  	_ =	swait.ge @!p0 [sflag:s6], $0x4000  }
0x94: {  	[sflag:s6] =	ssyncset.done @!p0 $0x0  }
0x95: {  	s8 =	sadd.s32 $0x300, s5;
	[sflag:s6] =	ssyncadd.s32 @!p0 $0xFFFFC000  }
0x96: {  	[tilespmem:s20], [sflag:$0x4] =	stream.indirect.gather [hbm4b:s4+s14], $0x40, s8, s14, $0xb8;
	[tilespmem:$0x1C800] =	vst v63  }
0x97: {  	s7 =	rddreg [dreg:$0x6];
	s8 =	sadd.s32 $0x380, s5  }
0x98: {  	[tilespmem:s7], [sflag:$0x4] =	stream.indirect.gather [hbm4b:s4+s14], $0x40, s8, s14, $0xb8;
	[tilespmem:$0x1C800] =	vst v63  }
0x99: {  	_ =	swait.ge [sflag:s21], $0x2000  }
0x9a: {  	[sflag:s21] =	ssyncset.done $0x0  }
0x9b: {  	[sflag:s21] =	ssyncadd.s32 $0xFFFFE000  }
0x9c: {  	_ =	swait.ge [sflag:s21], $0x2000  }
0x9d: {  	[sflag:s21] =	ssyncset.done $0x0  }
0x9e: {  	[sflag:s21] =	ssyncadd.s32 $0xFFFFE000  }
0x9f: {  	[hbm4b:s30+s3] =	stream.linear.scatter [tilespmem:s18], [sflag:$0x7], $0x4000, $0x38;
	[tilespmem:$0x1C800] =	vst v63  }
0xa0: {  	v1 =	vld [tilespmem:s5+$0x300]  }
0xa1: {  	v2 =	vld [tilespmem:s5+$0x310]  }
0xa2: {  	v3 =	vld [tilespmem:s5+$0x320]  }
0xa3: {  	v47 =	vld [tilespmem:s5+$0x330]  }
0xa4: {  	v48 =	vld [tilespmem:s5+$0x340]  }
0xa5: {  	v52 =	vld [tilespmem:s5+$0x380]  }
0xa6: {  	v54 =	vld [tilespmem:s5+$0x390]  }
0xa7: {  	vm12 =	vgt.s32 v1, $0x0;
	v1 =	vld [tilespmem:s5+$0x350]  }
0xa8: {  	vm13 =	vgt.s32 v2, $0x0;
	v2 =	vld [tilespmem:s5+$0x360];
	v49 =	vsel vm12, $0x1, v0  }
0xa9: {  	vm14 =	vgt.s32 v3, $0x0;
	v3 =	vld [tilespmem:s5+$0x370];
	v50 =	vsel vm13, $0x1, v0;
	[tilespmem:s5+$0x16700] =	vst v49  }
0xaa: {  	vm15 =	vgt.s32 v47, $0x0;
	v51 =	vsel vm14, $0x1, v0;
	[tilespmem:s5+$0x16710] =	vst v50  }
0xab: {  	vm4 =	vgt.s32 v48, $0x0;
	v53 =	vsel vm15, $0x1, v0;
	[tilespmem:s5+$0x16720] =	vst v51  }
0xac: {  	vm8 =	vgt.s32 v52, $0x0;
	v55 =	vsel vm4, $0x1, v0;
	[tilespmem:s5+$0x16730] =	vst v53;
	vm5 =	vgt.s32 v1, $0x0;
	v1 =	vld [tilespmem:s5+$0x3A0]  }
0xad: {  	vm9 =	vgt.s32 v54, $0x0;
	v60 =	vsel vm8, $0x1, v0;
	[tilespmem:s5+$0x16740] =	vst v55;
	vm6 =	vgt.s32 v2, $0x0;
	v2 =	vld [tilespmem:s5+$0x3B0]  }
0xae: {  	v62 =	vsel vm9, $0x1, v0;
	[tilespmem:s5+$0x16780] =	vst v60;
	vm7 =	vgt.s32 v3, $0x0;
	v3 =	vld [tilespmem:s5+$0x3C0]  }
0xaf: {  	v59 =	vld [tilespmem:s5+$0x3D0];
	[tilespmem:s5+$0x16790] =	vst v62;
	v56 =	vsel vm5, $0x1, v0  }
0xb0: {  	v61 =	vld [tilespmem:s5+$0x3E0];
	v57 =	vsel vm6, $0x1, v0;
	[tilespmem:s5+$0x16750] =	vst v56  }
0xb1: {  	v58 =	vsel vm7, $0x1, v0;
	[tilespmem:s5+$0x16760] =	vst v57;
	vm10 =	vgt.s32 v1, $0x0;
	v1 =	vld [tilespmem:s5+$0x3F0]  }
0xb2: {  	s1 =	sadd.s32 $0x1000, s1;
	[tilespmem:s5+$0x16770] =	vst v58;
	vm11 =	vgt.s32 v2, $0x0;
	v63 =	vsel vm10, $0x1, v0  }
0xb3: {  	p0 =	sne.s32 s1, $0x19000;
	vm12 =	vgt.s32 v3, $0x0;
	v2 =	vsel vm11, $0x1, v0;
	[tilespmem:s5+$0x167A0] =	vst v63  }
.Ltmp0:
0xb4: {  	vm13 =	vgt.s32 v59, $0x0;
	[tilespmem:s5+$0x167B0] =	vst v2;
	v2 =	vsel vm12, $0x1, v0;
	(pc) =	sbr.rel @p0 .LBB2_2-.Ltmp0, $4  }
0xb5: {  	vm14 =	vgt.s32 v61, $0x0;
	[tilespmem:s5+$0x167C0] =	vst v2;
	v2 =	vsel vm13, $0x1, v0  }
0xb6: {  	[tilespmem:s5+$0x167D0] =	vst v2;
	v2 =	vsel vm14, $0x1, v0;
	vm15 =	vgt.s32 v1, $0x0  }
0xb7: {  	s9 =	sadd.s32 $0x2000, s9;
	[tilespmem:s5+$0x167E0] =	vst v2;
	v1 =	vsel vm15, $0x1, v0  }
0xb8: {  	s10 =	sadd.s32 $0x2000, s10;
	s31 =	sadd.s32 $0x2000, s31;
	s30 =	sadd.s32 $0x2000, s30;
	[tilespmem:s5+$0x167F0] =	vst v1  }
0xb9: {  	_ =	swait.ge [sflag:s22], $0x2000  }
0xba: {  	[sflag:s22] =	ssyncset.done $0x0  }
0xbb: {  	[sflag:s22] =	ssyncadd.s32 $0xFFFFE000  }
0xbc: {  	_ =	swait.ge [sflag:s22], $0x2000  }
0xbd: {  	[sflag:s22] =	ssyncset.done $0x0  }
0xbe: {  	s1 =	rddreg [dreg:$0x8];
	[sflag:s22] =	ssyncadd.s32 $0xFFFFE000  }
0xbf: {  	[hbm4b:s1+s3] =	stream.linear.scatter [tilespmem:s20], [sflag:$0x8], $0x4000, $0x38;
	[tilespmem:$0x1C800] =	vst v63  }
0xc0: {  	_ =	swait.ge [sflag:s23], $0x4000  }
0xc1: {  	[sflag:s23] =	ssyncset.done $0x0  }
0xc2: {  	[sflag:s23] =	ssyncadd.s32 $0xFFFFC000  }
0xc3: {  	_ =	swait.ge [sflag:s24], $0x4000  }
0xc4: {  	[sflag:s24] =	ssyncset.done $0x0  }
0xc5: {  	[sflag:s24] =	ssyncadd.s32 $0xFFFFC000  }
0xc6: {  	_ =	swait.ge [sflag:s25], $0x4000  }
0xc7: {  	[sflag:s25] =	ssyncset.done $0x0  }
0xc8: {  	[sflag:s25] =	ssyncadd.s32 $0xFFFFC000  }
0xc9: {  	_ =	swait.ge [sflag:s26], $0x4000  }
0xca: {  	[sflag:s26] =	ssyncset.done $0x0  }
0xcb: {  	s5 =	simm.s32 $0x16400;
	s30 =	rddreg [dreg:$0x9];
	[sflag:s26] =	ssyncadd.s32 $0xFFFFC000  }
0xcc: {  	[hbm4b:s30+s3] =	stream.linear.scatter [tilespmem:s5], [sflag:$0x9], $0x6400, $0x38;
	[tilespmem:$0x1C800] =	vst v63  }
0xcd: {  	_ =	swait.ge [sflag:s13], $0x6400  }
0xce: {  	s29 =	sadd.s32 $0x1, s29;
	s31 =	rddreg [dreg:$0xa]  }
0xcf: {  	p0 =	sne.s32 s29, s31  }
.Ltmp1:
0xd0: {  	_ = 	snop;
	(pc) =	sbr.rel @p0 .LBB2_1-.Ltmp1, $3  }
0xd1: {  	_ =	sdelay $0x1  }
0xd2: {  	[sflag:s13] =	ssyncset.done $0x0  }
0xd3: {  	[sflag:s13] =	ssyncadd.s32 $0xFFFF9C00  }
0xd4: {  	_ =	sfence.sel $0x180000  }
0xd5: {  	[bflag:$0x0] =	sbarrier.arrive $0xFFFF  }
0xd6: {  	_ =	strace $0x90000047  }
0xd7: {  	s0 =	stileid.u32;
	[bflag:$0x2] =	sbarrier.arrive $0xFFFF  }
0xd8: {  	p0 =	sne.s32 s0, $0x0;
	s0 =	rddreg [dreg:$0x2]  }
0xd9: {  	s0 =	sadd.s32 @!p0 $0x100000, s0  }
0xda: {  	[sflag:s0] =	ssyncadd.tile.s32 @!p0 $0x1;
	_ =	shalt  }
.Lfunc_end2:
_tile_overlayer_lowered:
.L_overlay_start_2:
0xdb: {  	(tag) =	ssettag $0x2  }
0xdc: {  	s0 =	rddreg [dreg:$0x0];
	s2 =	stileid.u32  }
0xdd: {  	s1 =	rddreg [dreg:$0x1];
	p0 =	sne.s32 s2, $0x0  }
0xde: {  	s3 =	rddreg [dreg:$0x2];
	[bflag:$0x3] =	sbarrier.arrive $0xFFFF;
	s2 =	simm.s32 @!p0 $0x1C09  }
0xdf: {  	[timem:s3], [sflag:s2] =	dma.local @!p0 [hbm:s0], s1  }
0xe0: {  	s0 =	simm.s32 @!p0 $0x9  }
0xe1: {  	_ =	swait.ge @!p0 [sflag:s0], s1  }
0xe2: {  	s1 =	ssub.s32 @!p0 $0x0, s1;
	[sflag:s0] =	ssyncset.done @!p0 $0x0  }
0xe3: {  	[sflag:s0] =	ssyncadd.s32 @!p0 s1  }
0xe4: {  	[bflag:$0x3] =	sbarrier.arrive $0xFFFF  }
0xe5: {  	_ =	shalt  }

// kernel: sparse-core-data-format-call.cloned.1.call-start
scs
called_computation_lowered:
.L_overlay_start_0:
0x0: {  	s2 =	sld [smem:$0x3FD9]  }
0x1: {  	s3 =	sld [smem:$0x3FFE];
	_ =	sdelay $0x1  }
0x2: {  	s1 =	srdreg.scid  }
0x3: {  	s0 =	sand.u32 $0x1, s1  }
0x4: {  	s15 =	sshll.u32 s0, $0xA;
	s2 =	sadd.s32 s3, s2  }
0x5: {  	s2 =	sadd.s32 s2, s15  }
0x6: {  	[smem:$0x3FC4] =	sst s2  }
0x7: {  	_ = 	snop  }
0x8: {  	s2 =	sld [smem:$0x3FD0];
	_ =	sdelay $0x2  }
0x9: {  	s16 =	simm.s32 $0xA;
	s4 =	simm.s32 $0x10  }
0xa: {  	[smem:s4], [sflag:s16] =	dma.local [hbm:s2], $0x1  }
0xb: {  	_ =	swait.eq [sflag:s16], $0x1  }
0xc: {  	[sflag:s16] =	ssyncset.done $0x0  }
0xd: {  	[sflag:s16] =	ssyncadd.s32 $0xFFFFFFFF  }
0xe: {  	s17 =	sld [smem:$0x10];
	(tm) =	ssettm $0x1  }
0xf: {  	s18 =	sld [smem:$0x3FFB];
	_ =	sdelay $0x3  }
0x10: {  	_ =	strace s18  }
0x11: {  	s3 =	sld [smem:$0x3FFC];
	_ =	sdelay $0x3  }
0x12: {  	_ =	strace s3  }
0x13: {  	s3 =	sld [smem:$0x3FFD];
	_ =	sdelay $0x3  }
0x14: {  	_ =	strace s3  }
0x15: {  	_ =	strace $0x8FFFFFFF  }
0x16: {  	s19 =	sld [smem:$0x3FDB];
	_ =	sdelay $0x1  }
0x17: {  	s20 =	simm.s32 $_scs_section_size  }
0x18: {  	s5 =	simm.s32 $_size__tile_overlayer_lowered;
	s6 =	simm.s32 $_tile_overlayer_lowered  }
0x19: {  	s23 =	simm.s32 $0x1BFF;
	s22 =	sshll.u32 s6, $0x1;
	s3 =	sadd.s32 s20, s19  }
0x1a: {  	s7 =	simm.s32 $0x0;
	s21 =	sshll.u32 s5, $0x1;
	s5 =	sadd.s32 s22, s3  }
0x1b: {  	[timem:s7], [sflag:s23] =	dma.local [hbm:s5], s21  }
0x1c: {  	_ =	swait.ge [sflag:s23], s21  }
0x1d: {  	s4 =	ssub.s32 $0x0, s21;
	[sflag:s23] =	ssyncset.done $0x0  }
0x1e: {  	[sflag:s23] =	ssyncadd.s32 s4;
	_ =	sdelay $0x1  }
0x1f: {  	s24 =	simm.s32 $0x1B8B  }
0x20: {  	_ =	swait.ge [sflag:s24], $0x1  }
0x21: {  	[sflag:s24] =	ssyncset.done $0x0  }
0x22: {  	s26 =	simm.s32 $0x1B8E;
	s25 =	sld [smem:$0x3FFE];
	[sflag:s24] =	ssyncadd.s32 $0xFFFFFFFF  }
0x23: {  	s27 =	simm.s32 $execute0_lowered;
	[smem:$0x3FD2] =	sst s26  }
0x24: {  	s5 =	sshll.u32 s27, $0x1;
	_ =	strace $0x80000049;
	[dreg:$0x1] =	wrdreg $0xFFFFFFFF  }
0x25: {  	s28 =	simm.s32 $_size_execute0_lowered;
	s3 =	sadd.s32 s3, s5;
	[dreg:$0x0] =	wrdreg $0x0  }
0x26: {  	s5 =	sshll.u32 s28, $0x1;
	[dreg:$0x2] =	wrdreg s3  }
0x27: {  	[dreg:$0x3] =	wrdreg s5  }
0x28: {  	[dreg:$0x4] =	wrdreg $0xC0  }
0x29: {  	_ =	task [dreg:s7], $0x5FFFF  }
0x2a: {  	[dreg:$0x1] =	wrdreg $0xFFFFFFFF  }
0x2b: {  	[dreg:$0x0] =	wrdreg $0x60  }
0x2c: {  	[dreg:$0x2] =	wrdreg s25  }
0x2d: {  	[dreg:$0x3] =	wrdreg s17  }
0x2e: {  	[dreg:$0x4] =	wrdreg $0x9  }
0x2f: {  	_ =	task.clear_ibuf [dreg:s7], $0x5FFFF;
	_ =	strace $0x90000049  }
0x30: {  	s29 =	simm.s32 $0x9;
	_ =	strace $0x8000004B  }
0x31: {  	_ =	swait.ge [sflag:s29], $0x1  }
0x32: {  	[sflag:s29] =	ssyncadd.s32 $0xFFFFFFFF  }
0x33: {  	_ =	strace $0x9000004B  }
0x34: {  	_ =	sfence  }
0x35: {  	s30 =	sld [smem:$0x0];
	_ =	sdelay $0x2  }
0x36: {  	s31 =	sshll.u32 s1, $0xD;
	s1 =	sshrl.u32 s1, $0x2  }
0x37: {  	s3 =	sand.u32 $0x4000, s31;
	s1 =	sadd.s32 s1, s30  }
0x38: {  	s0 =	sor.u32 s3, s0;
	s1 =	sshll.u32 s1, $0x11  }
0x39: {  	s0 =	sor.u32 s1, s0  }
0x3a: {  	s0 =	sadd.s32 $0x8F2B, s0  }
0x3b: {  	[sflag:s0] =	ssyncadd.remote.s32 $0x1  }
0x3c: {  	_ =	sfence.sel $0xFFFF  }
0x3d: {  	[dreg:$0x0] =	wrdreg $0xFFFFFFFF;
	(pc) =	sbr.abs _section_cstart, $3  }
0x3e: {  	[dreg:$0x1] =	wrdreg $0xFFFFFFFF  }
0x3f: {  	_ =	task.clear_ibuf [dreg:s7], $0x2FFFF;
	_ =	strace $0x9FFFFFFF  }
0x40: {  	(tm) =	ssettm $0x7FFFFFFF  }
0x41: {  	_ =	shalt  }
tec
execute0_lowered:
.L_overlay_start_1:
0x0: {  	(tag) =	ssettag $0x1  }
0x1: {  	s0 =	srdreg.scid  }
0x2: {  	s1 =	sshll.u32 s0, $0x4  }
0x3: {  	s0 =	stileid.u32;
	s1 =	sand.u32 $0x10, s1  }
0x4: {  	s1 =	sor.u32 s0, s1  }
0x5: {  	s6 =	rddreg [dreg:$0x0];
	s4 =	simm.s32 $0x1;
	s2 =	sshll.u32 s1, $0x7  }
0x6: {  	s7 =	simm.s32 $0x2;
	s12 =	simm.s32 $0x0;
	s1 =	ssub.s32 $0x1000, s2  }
0x7: {  	s8 =	simm.s32 $0x8000;
	s13 =	simm.s32 $0x0;
	s3 =	sand.u32 $0xF80, s1  }
0x8: {  	s9 =	simm.s32 $0x0;
	s5 =	sshrl.u32 s1, $0xC;
	p0 =	sne.s32 s3, $0x0  }
.Ltmp0:
0x9: {  	s1 =	rddreg [dreg:$0x2];
	s4 =	simm.s32 @!p0 $0x0;
	(pc) =	sbr.rel .LBB1_1-.Ltmp0, $4  }
0xa: {  	s11 =	simm.s32 $0x0;
	s3 =	rddreg [dreg:$0x1];
	s5 =	sadd.s32 s4, s5  }
0xb: {  	_ =	strace $0x8000004A;
	s4 =	simm.s32 $0x1;
	s5 =	smul.u32 $0xC8, s5  }
0xc: {  	s6 =	sadd.s32 $0x33200, s6;
	s10 =	smov.u32 s2;
	[sflag:s4] =	ssyncpa.u1 $0x0  }
0xd: {  	p0 =	por $0x0, $0x0;
	[sflag:s7] =	ssyncpa.u1 $0x0;
	s7 =	sor.u32 $0x1, s5  }
.LBB1_4:
0xe: {  	s16 =	sshll.u32 s13, $0x3;
	s17 =	sand.u32 $0x78, s13  }
0xf: {  	s30 =	sand.u32 $0x7E00, s13;
	s12 =	sshll.u32 s12, $0xF;
	s16 =	sand.u32 $0xC00, s16  }
0x10: {  	[tilespmem:s15+$0x810 ss:$0x81] =	vst.msk $0xffff, v2;
	s31 =	sand.u32 $0x7, s13;
	s16 =	sor.u32 s17, s16;
	s17 =	sadd.s32 s3, s30  }
0x11: {  	[tilespmem:s15+$0x1020 ss:$0x81] =	vst.msk $0xffff, v0;
	s13 =	sshll.u32 s31, $0x12;
	s12 =	sadd.s32 s12, s17;
	s16 =	sshrl.u32 s16, $0x3  }
0x12: {  	[tilespmem:s15+$0x0 ss:$0x81] =	vst.msk $0xffff, v1;
	s13 =	sor.u32 $0x400, s13;
	s12 =	sadd.s32 s16, s12  }
0x13: {  	[hbm4b:s12+s13] =	stream.strided.scatter [tilespmem:s14], [sflag:$0x2], $0x2000, s8, s13, $0x20;
	[tilespmem:$0x8080] =	vst v63  }
.LBB1_5:
0x14: {  	s14 =	sadd.s32 $0x1, s9  }
0x15: {  	s12 =	sadd.s32 $0x1000, s10;
	s16 =	smov.u32 s10;
	p2 =	sgt.s32 s14, $0xC7  }
0x16: {  	s16 =	smov.u32 @p2 s12  }
0x17: {  	s14 =	simm.s32 @p2 $0x0;
	p2 =	sgt.s32 s16, $0xFFF  }
0x18: {  	s16 =	smov.u32 @p2 s2;
	p2 =	sne.s32 s11, s7  }
.Ltmp1:
0x19: {  	p1 =	slt.u32 s11, $0x2;
	(pc) =	sbr.rel @!p2 .LBB1_6-.Ltmp1, $4  }
0x1a: {  	s15 =	simm.s32 @!p1 $0x2  }
0x1b: {  	s13 =	smov.u32 s10;
	p0 =	por !p0, !p0;
	_ =	swait.ge @!p1 [sflag:s15], $0x2000  }
0x1c: {  	s12 =	smov.u32 s9;
	[sflag:s15] =	ssyncset.done @!p1 $0x0;
	s9 =	smov.u32 s14  }
0x1d: {  	s11 =	sadd.s32 $0x1, s11;
	[sflag:s15] =	ssyncadd.s32 @!p1 $0xFFFFE000;
	s10 =	smov.u32 s16  }
.LBB1_1:
0x1e: {  	p1 =	sge.u32 s11, s5  }
0x1f: {  	s14 =	sand.u32 @!p1 $0x1FFFFFF, s9  }
0x20: {  	s15 =	smulhi.u32 @!p1 $0x147AE15, s14;
	_ =	sdelay $0x1  }
0x21: {  	s15 =	smul.u32 @!p1 $0xC8, s15  }
0x22: {  	s16 =	sxor.u32 @!p1 $0xFFFFFFFF, s11;
	s17 =	smul.u32 @!p1 $0xC80, s10  }
0x23: {  	s31 =	sadd.s32 $0xFFFFFFFF, s11;
	s16 =	sshll.u32 @!p1 s16, $0xD;
	s14 =	ssub.s32 @!p1 s14, s15  }
0x24: {  	s15 =	sand.u32 @!p1 $0x2000, s16;
	s16 =	sadd.s32 @!p1 s6, s17;
	s14 =	sshll.u32 @!p1 s14, $0x4  }
0x25: {  	s17 =	simm.s32 @!p1 $0x6400;
	s14 =	sadd.s32 @!p1 s14, s16;
	s16 =	simm.s32 @!p1 $0x40  }
0x26: {  	[tilespmem:s15], [sflag:$0x1] =	stream.strided.gather @!p1 [hbm4b:s14+s16], $0x2000, s17, s16, $0x38;
	[tilespmem:$0x8080] =	vst v63  }
0x27: {  	p1 =	sge.u32 s31, s5  }
.Ltmp2:
0x28: {  	_ = 	snop;
	(pc) =	sbr.rel @p1 .LBB1_5-.Ltmp2, $1  }
0x29: {  	_ =	sdelay $0x3  }
0x2a: {  	s14 =	simm.s32 $0x1  }
0x2b: {  	_ =	swait.ge [sflag:s4], $0x2000;
	s14 =	simm.s32 @!p0 $0x0  }
0x2c: {  	[sflag:s4] =	ssyncset.done $0x0;
	s15 =	sshll.u32 s14, $0xD  }
0x2d: {  	[sflag:s4] =	ssyncadd.s32 $0xFFFFE000;
	s18 =	sor.u32 $0x20, s15  }
0x2e: {  	s14 =	smul.u32 $0x8100, s14;
	v3 =	vld [tilespmem:s18+$0x10]  }
0x2f: {  	s30 =	sand.u32 $0x1, s11;
	v2 =	vld [tilespmem:s18+$0xFFFFFFF0]  }
0x30: {  	s15 =	smul.u32 $0x8100, s30;
	s14 =	sshrl.u32 s14, $0x2;
	v0 =	vld [tilespmem:s18+$0x0]  }
0x31: {  	v1 =	vld [tilespmem:s18+$0xFFFFFFE0];
	s16 =	sor.u32 $0x4000, s14  }
0x32: {  	s31 =	sshrl.u32 s15, $0x2;
	s15 =	sadd.s32 $0x0, s16  }
0x33: {  	s17 =	simm.s32 $0x4;
	s18 =	sadd.s32 $0x40, s18;
	s14 =	sor.u32 $0x4000, s31;
	[tilespmem:s15+$0x1830 ss:$0x81] =	vst.msk $0xffff, v3  }
.LBB1_3:
0x34: {  	v3 =	vld [tilespmem:s18+$0x10];
	p1 =	sne.s32 s17, $0x1FC;
	[tilespmem:s15+$0x810 ss:$0x81] =	vst.msk $0xffff, v2;
	s19 =	smov.u32 s17;
	s17 =	sadd.s32 $0x4, s17  }
.Ltmp3:
0x35: {  	v2 =	vld [tilespmem:s18+$0xFFFFFFF0];
	[tilespmem:s15+$0x1020 ss:$0x81] =	vst.msk $0xffff, v0;
	(pc) =	sbr.rel @p1 .LBB1_3-.Ltmp3, $4  }
0x36: {  	v0 =	vld [tilespmem:s18+$0x0];
	[tilespmem:s15+$0x0 ss:$0x81] =	vst.msk $0xffff, v1  }
0x37: {  	s15 =	sshra.s32 s19, $0x2;
	v1 =	vld [tilespmem:s18+$0xFFFFFFE0]  }
0x38: {  	s15 =	sadd.s32 s15, s16  }
0x39: {  	s18 =	sadd.s32 $0x40, s18;
	[tilespmem:s15+$0x1830 ss:$0x81] =	vst.msk $0xffff, v3  }
.Ltmp4:
0x3a: {  	_ = 	snop;
	(pc) =	sbr.rel .LBB1_4-.Ltmp4, $1  }
0x3b: {  	_ =	sdelay $0x3  }
.LBB1_6:
0x3c: {  	_ =	sfence.sel $0x180000  }
0x3d: {  	s2 =	simm.s32 $0x1;
	[bflag:$0x0] =	sbarrier.arrive $0xFFFF  }
0x3e: {  	s31 =	simm.s32 $0x2;
	[sflag:s2] =	ssyncpa.u1 $0x1  }
0x3f: {  	[sflag:s31] =	ssyncpa.u1 $0x1  }
0x40: {  	p0 =	sne.s32 s0, $0x0;
	_ =	strace $0x9000004A  }
0x41: {  	s0 =	sadd.s32 @!p0 $0x100000, s1;
	[bflag:$0x2] =	sbarrier.arrive $0xFFFF  }
0x42: {  	[sflag:s0] =	ssyncadd.tile.s32 @!p0 $0x1;
	_ =	shalt  }
.Lfunc_end1:
_tile_overlayer_lowered:
.L_overlay_start_2:
0x43: {  	(tag) =	ssettag $0x2  }
0x44: {  	s0 =	rddreg [dreg:$0x0];
	s2 =	stileid.u32  }
0x45: {  	s1 =	rddreg [dreg:$0x1];
	p0 =	sne.s32 s2, $0x0  }
0x46: {  	s3 =	rddreg [dreg:$0x2];
	[bflag:$0x3] =	sbarrier.arrive $0xFFFF;
	s2 =	simm.s32 @!p0 $0x1C01  }
0x47: {  	[timem:s3], [sflag:s2] =	dma.local @!p0 [hbm:s0], s1  }
0x48: {  	s0 =	simm.s32 @!p0 $0x1  }
0x49: {  	_ =	swait.ge @!p0 [sflag:s0], s1  }
0x4a: {  	s1 =	ssub.s32 @!p0 $0x0, s1;
	[sflag:s0] =	ssyncset.done @!p0 $0x0  }
0x4b: {  	[sflag:s0] =	ssyncadd.s32 @!p0 s1  }
0x4c: {  	[bflag:$0x3] =	sbarrier.arrive $0xFFFF  }
0x4d: {  	_ =	shalt  }

</sc_bundles>
